<compile_context>
chip_gen: v7x
topology: tpu7x:2x2x1
jax: 0.10.2.dev20260603
libtpu: 0.0.44.dev20260713+nightly
codegen_flags: <defaults>
</compile_context>

<pallas_src>
import functools

import jax
import jax.numpy as jnp
from jax import lax
from jax.experimental import pallas as pl
from jax.experimental.pallas import tpu as pltpu
from jax.experimental.pallas import tpu_sc as plsc

N = 10000
E = 320000
D = 128
NC = 2
NS = 16
NW = NC * NS
L = 16

F32 = jnp.float32

CH = 2000
EPT = E // NW

NBLK = 2 * (EPT // CH)


def _deg_body(ei_hbm, out_hbm, hist_s, hist_d, ib0, ib1, i0, i1):
    c = lax.axis_index("c")
    s = lax.axis_index("s")
    w = c * NS + s

    def _zero(i, _):
        for u in range(5):
            hist_s[pl.ds((5 * i + u) * L, L)] = jnp.zeros((L,), F32)
            hist_d[pl.ds((5 * i + u) * L, L)] = jnp.zeros((L,), F32)
        return 0

    lax.fori_loop(0, N // L // 5, _zero, 0)

    base = w * EPT
    ones = jnp.ones((L,), F32)
    half = NBLK // 2

    def _off(k):
        r = k // half
        return r * E + base + (k - r * half) * CH

    def _process(buf, k):
        for lo, hist in ((True, hist_s), (False, hist_d)):
            @pl.when((k < half) if lo else (k >= half))
            def _(hist=hist):
                def _inner(j, _):
                    for u in range(5):
                        v = buf[pl.ds((5 * j + u) * L, L)]
                        plsc.addupdate_scatter(hist, [v], ones)
                    return 0

                lax.fori_loop(0, CH // L // 5, _inner, 0)

    pltpu.async_copy(ei_hbm.at[pl.ds(_off(0), CH)], ib0, i0)

    def _it(i, _):
        k0 = 2 * i
        pltpu.make_async_copy(ei_hbm.at[pl.ds(_off(k0), CH)], ib0, i0).wait()
        pltpu.async_copy(ei_hbm.at[pl.ds(_off(k0 + 1), CH)], ib1, i1)
        _process(ib0, k0)

        @pl.when(i < half - 1)
        def _():
            pltpu.async_copy(ei_hbm.at[pl.ds(_off(k0 + 2), CH)], ib0, i0)

        pltpu.make_async_copy(
            ei_hbm.at[pl.ds(_off(k0 + 1), CH)], ib1, i1).wait()
        _process(ib1, k0 + 1)
        return 0

    lax.fori_loop(0, half, _it, 0)

    pltpu.sync_copy(hist_s, out_hbm.at[0, w])
    pltpu.sync_copy(hist_d, out_hbm.at[1, w])


@functools.cache
def _sc_mesh():
    return plsc.VectorSubcoreMesh(
        core_axis_name="c", subcore_axis_name="s",
        num_cores=NC, num_subcores=NS)


@functools.cache
def _deg_call():
    return pl.kernel(
        _deg_body,
        out_type=jax.ShapeDtypeStruct((2, NW, N), F32),
        mesh=_sc_mesh(),
        compiler_params=pltpu.CompilerParams(needs_layout_passes=False),
        scratch_types=[
            pltpu.VMEM((N,), F32),
            pltpu.VMEM((N,), F32),
            pltpu.VMEM((CH,), jnp.int32),
            pltpu.VMEM((CH,), jnp.int32),
            pltpu.SemaphoreType.DMA,
            pltpu.SemaphoreType.DMA,
        ],
    )

B = 128
TOT_CHUNKS = E // B
IB = 2
CPT = 76
XTRA = (TOT_CHUNKS - CPT * NW) // 4
SHALF = 40
DPAD = 88
DROWS = 2512
RPT = 624
WB = 16


def _edge_body(es_hbm, ed_hbm, xa_hbm, out_hbm, sidx, didx, rows, acc,
               g0, g1, s0, s1, wsem):
    gsems = (g0, g1)
    ssems = (s0, s1)
    c = lax.axis_index("c")
    s = lax.axis_index("s")
    w = c * NS + s

    def _zb(i, _):
        for t in range(D // L):
            rows[0, i, pl.ds(t * L, L)] = jnp.zeros((L,), F32)
        return 0

    lax.fori_loop(0, WB, _zb, 0)
    row0 = s * RPT
    nwb = jnp.where(s == NS - 1, (N - (NS - 1) * RPT) // WB, RPT // WB)

    def _z(k, _):
        pltpu.async_copy(rows.at[0, pl.ds(0, WB)],
                         acc.at[pl.ds(row0 + k * WB, WB)], wsem)
        return 0

    lax.fori_loop(0, nwb, _z, 0)

    def _zw(k, _):
        pltpu.make_async_copy(rows.at[0, pl.ds(0, WB)],
                              acc.at[pl.ds(row0 + k * WB, WB)], wsem).wait()
        return 0

    lax.fori_loop(0, nwb, _zw, 0)

    basec = w * CPT + 4 * jnp.minimum(w, XTRA)
    abase = (basec // 8) * 8
    shift = basec - abase

    pltpu.sync_copy(es_hbm.at[pl.ds(basec * B, SHALF * B)], sidx)
    pltpu.sync_copy(ed_hbm.at[pl.ds(abase, DPAD)], didx)
    plsc.subcore_barrier()

    npairs = (CPT // IB) + 2 * (w < XTRA).astype(jnp.int32)

    def _pair(i, _):
        @pl.when(i == SHALF // IB)
        def _():
            pltpu.sync_copy(
                es_hbm.at[pl.ds((basec + SHALF) * B, SHALF * B)], sidx)

        descs = []
        for b in range(IB):
            j = IB * i + b

            @pl.when(i > 0)
            def _(b=b):
                pltpu.make_async_copy(
                    rows.at[b], acc.at[didx.at[shift]], ssems[b]).wait()

            jm = lax.rem(j, SHALF)
            descs.append(pltpu.async_copy(
                xa_hbm.at[sidx.at[pl.ds(jm * B, B)]], rows.at[b], gsems[b]))
        for b in range(IB):
            j = IB * i + b
            descs[b].wait()
            pltpu.async_copy(rows.at[b], acc.at[didx.at[shift + j]],
                             ssems[b], add=True)
        return 0

    lax.fori_loop(0, npairs, _pair, 0)
    for b in range(IB):
        pltpu.make_async_copy(
            rows.at[b], acc.at[didx.at[shift]], ssems[b]).wait()
    plsc.subcore_barrier()

    def _wb(k, _):
        pltpu.async_copy(acc.at[pl.ds(row0 + k * WB, WB)],
                         out_hbm.at[c, pl.ds(row0 + k * WB, WB)], wsem)
        return 0

    lax.fori_loop(0, nwb, _wb, 0)

    def _wbw(k, _):
        pltpu.make_async_copy(acc.at[pl.ds(row0 + k * WB, WB)],
                              out_hbm.at[c, pl.ds(row0 + k * WB, WB)],
                              wsem).wait()
        return 0

    lax.fori_loop(0, nwb, _wbw, 0)


@functools.cache
def _edge_call():
    return pl.kernel(
        _edge_body,
        out_type=jax.ShapeDtypeStruct((NC, N, D), F32),
        mesh=_sc_mesh(),
        compiler_params=pltpu.CompilerParams(needs_layout_passes=False),
        scratch_types=[
            pltpu.VMEM((SHALF * B,), jnp.int32),
            pltpu.VMEM((DPAD, B), jnp.int32),
            pltpu.VMEM((IB, B, D), F32),
            pltpu.VMEM_SHARED((N, D), F32),
        ] + [pltpu.SemaphoreType.DMA] * (2 * IB + 1),
    )

RB = 1024
GRID = pl.cdiv(N, RB)


def _pre_body(hist_ref, x_ref, a_ref, b_ref, xa_ref):
    d = jnp.maximum(jnp.sum(hist_ref[...], axis=1), 1.0)
    ab = lax.rsqrt(d)
    a_ref[...] = ab[0:1, :]
    b_ref[...] = ab[1:2, :]
    xa_ref[...] = x_ref[...] * ab[0, :, None]


def _pre_call(hist, x):
    return pl.pallas_call(
        _pre_body,
        grid=(GRID,),
        in_specs=[
            pl.BlockSpec((2, NW, RB), lambda i: (0, 0, i)),
            pl.BlockSpec((RB, D), lambda i: (i, 0)),
        ],
        out_specs=[
            pl.BlockSpec((1, RB), lambda i: (0, i)),
            pl.BlockSpec((1, RB), lambda i: (0, i)),
            pl.BlockSpec((RB, D), lambda i: (i, 0)),
        ],
        out_shape=[
            jax.ShapeDtypeStruct((1, N), F32),
            jax.ShapeDtypeStruct((1, N), F32),
            jax.ShapeDtypeStruct((N, D), F32),
        ],
    )(hist, x)


def _comb1_body(p_ref, a_ref, b_ref, x_ref, e_ref, ha_ref):
    h = (p_ref[0] + p_ref[1]) * b_ref[...][0, :, None]
    e_ref[...] = x_ref[...] + h
    ha_ref[...] = h * a_ref[...][0, :, None]


def _comb1_call(p, a, b, x):
    return pl.pallas_call(
        _comb1_body,
        grid=(GRID,),
        in_specs=[
            pl.BlockSpec((NC, RB, D), lambda i: (0, i, 0)),
            pl.BlockSpec((1, RB), lambda i: (0, i)),
            pl.BlockSpec((1, RB), lambda i: (0, i)),
            pl.BlockSpec((RB, D), lambda i: (i, 0)),
        ],
        out_specs=[
            pl.BlockSpec((RB, D), lambda i: (i, 0)),
            pl.BlockSpec((RB, D), lambda i: (i, 0)),
        ],
        out_shape=[
            jax.ShapeDtypeStruct((N, D), F32),
            jax.ShapeDtypeStruct((N, D), F32),
        ],
    )(p, a, b, x)


def _comb2_body(p_ref, b_ref, e_ref, o_ref):
    o_ref[...] = e_ref[...] + (p_ref[0] + p_ref[1]) * b_ref[...][0, :, None]


def _comb2_call(p, b, e):
    return pl.pallas_call(
        _comb2_body,
        grid=(GRID,),
        in_specs=[
            pl.BlockSpec((NC, RB, D), lambda i: (0, i, 0)),
            pl.BlockSpec((1, RB), lambda i: (0, i)),
            pl.BlockSpec((RB, D), lambda i: (i, 0)),
        ],
        out_specs=pl.BlockSpec((RB, D), lambda i: (i, 0)),
        out_shape=jax.ShapeDtypeStruct((N, D), F32),
    )(p, b, e)


def kernel(x, edge_index):
    ei = edge_index.astype(jnp.int32).reshape(-1)
    es = jnp.pad(ei[:E], (0, (DROWS - TOT_CHUNKS) * B))
    ed = jnp.pad(ei[E:].reshape(TOT_CHUNKS, B),
                 ((0, DROWS - TOT_CHUNKS), (0, 0)))
    hist = _deg_call()(ei)
    a, b, xa = _pre_call(hist, x)
    p1 = _edge_call()(es, ed, xa)
    e1, ha1 = _comb1_call(p1, a, b, x)
    p2 = _edge_call()(es, ed, ha1)
    return _comb2_call(p2, b, e1)

# --- scband reference (transcript-rebuilt; emitter-appended) ---
"""Pipeline reference for scband-diff-mm-31817117729546 (READ-ONLY COPY).

The authoritative reference and input builder live on the scoring server;
editing this copy changes nothing except your own understanding.
"""

import jax, jax.numpy as jnp
import numpy as np

N_NODES = 10000
N_EDGES = 320000
D = 128
N_LAYERS = 2


def setup_inputs(seed: int = 0) -> dict:
    key = jax.random.key(seed)
    k1, k2 = jax.random.split(key)
    x = jax.random.normal(k1, (N_NODES, D), dtype=jnp.float32)
    edge_index = jax.random.randint(k2, (2, N_EDGES), 0, N_NODES)
    return {"x": x, "edge_index": edge_index}


def reference(x, edge_index):
    """DiffMM GCN propagation core: stacked GCNLayer (torch.spmm(adj, embeds))
    over a degree-normalized adjacency built from edge_index, with LightGCN-style
    residual sum over layer outputs (embedsLst sum), matching the original
    Model.py message-passing loop. Diffusion / contrastive branches are the
    training-only heads and are not part of the graph forward.
    """
    src = edge_index[0]
    dst = edge_index[1]
    ones = jnp.ones((N_EDGES,), dtype=jnp.float32)
    deg_src = jnp.zeros((N_NODES,), dtype=jnp.float32).at[src].add(ones)
    deg_dst = jnp.zeros((N_NODES,), dtype=jnp.float32).at[dst].add(ones)
    # symmetric normalization D^{-1/2} A D^{-1/2} as in the adj built for spmm
    norm = jax.lax.rsqrt(jnp.clip(deg_src[src], 1.0) * jnp.clip(deg_dst[dst], 1.0))

    embeds_sum = x
    h = x
    for _ in range(N_LAYERS):
        msg = h[src] * norm[:, None]          # gather + edge weight
        h = jnp.zeros_like(x).at[dst].add(msg)  # scatter-add == spmm(adj, embeds)
        embeds_sum = embeds_sum + h           # residual sum of layer embeddings
    return embeds_sum

if __name__ == "__main__":
    import jax
    _d = setup_inputs()
    print(jax.jit(kernel)(*tuple(_d.values())))

</pallas_src>

<mosaic_0001>
#map = affine_map<(d0, d1) -> (0)>
#map1 = affine_map<(d0, d1) -> (0, 0, 0)>
module attributes {stable_mosaic.version = 14 : i64} {
  func.func @_deg_body(%arg0: i32, %arg1: i32, %arg2: memref<640000xi32, #tpu.memory_space<hbm>>, %arg3: memref<2x32x10000xf32, #tpu.memory_space<hbm>>, %arg4: memref<10000xf32, #tpu.memory_space<vmem>>, %arg5: memref<10000xf32, #tpu.memory_space<vmem>>, %arg6: memref<2000xi32, #tpu.memory_space<vmem>>, %arg7: memref<2000xi32, #tpu.memory_space<vmem>>, %arg8: memref<!tpu.dma_semaphore, #tpu.memory_space<semaphore_mem>>, %arg9: memref<!tpu.dma_semaphore, #tpu.memory_space<semaphore_mem>>) attributes {dimension_semantics = [#tpu.dimension_semantics<core_parallel>, #tpu.dimension_semantics<subcore_parallel>], iteration_bounds = array<i64: 2, 16>, scalar_prefetch = 0 : i64, scratch_operands = 6 : i64, tpu.core_type = #tpu.core_type<sc_vector_subcore>, window_params = [{transform_indices = #map}, {transform_indices = #map1}]} {
    %mul3A = arith.constant 16 : i32
    %mul3A_0 = arith.muli %arg0, %mul3A : i32
    %add3A = arith.addi %mul3A_0, %arg1 : i32
    %scan3A = arith.constant 0 : i32
    %scan3A_1 = arith.constant 0 : i32
    %scan3A_2 = arith.constant 125 : i32
    %scan3A_3 = arith.addi %scan3A_1, %scan3A_2 : i32
    %scan3A_4 = arith.constant 1 : i32
    %scan3A_5 = scf.for %scan3A_23 = %scan3A_1 to %scan3A_3 step %scan3A_4 iter_args(%scan3A_24 = %scan3A) -> (i32)  : i32 {
      %broadcast_in_dim3A_25 = arith.constant 0.000000e+00 : f32
      %broadcast_in_dim3A_26 = vector.broadcast %broadcast_in_dim3A_25 : f32 to vector<16xf32>
      %mul3A_27 = arith.constant 5 : i32
      %mul3A_28 = arith.muli %mul3A_27, %scan3A_23 : i32
      %add3A_29 = arith.constant 0 : i32
      %add3A_30 = arith.addi %mul3A_28, %add3A_29 : i32
      %mul3A_31 = arith.constant 16 : i32
      %mul3A_32 = arith.muli %add3A_30, %mul3A_31 : i32
      %swap3A = arith.index_cast %mul3A_32 : i32 to index
      %swap3A_33 = tpu.vector_load %arg4[%swap3A] {strides = array<i32>} : memref<10000xf32, #tpu.memory_space<vmem>>, vector<16xf32>,
      tpu.vector_store %arg4[%swap3A], %broadcast_in_dim3A_26 {strides = array<i32>} : memref<10000xf32, #tpu.memory_space<vmem>>, vector<16xf32>,
      %broadcast_in_dim3A_34 = arith.constant 0.000000e+00 : f32
      %broadcast_in_dim3A_35 = vector.broadcast %broadcast_in_dim3A_34 : f32 to vector<16xf32>
      %mul3A_36 = arith.constant 5 : i32
      %mul3A_37 = arith.muli %mul3A_36, %scan3A_23 : i32
      %add3A_38 = arith.constant 0 : i32
      %add3A_39 = arith.addi %mul3A_37, %add3A_38 : i32
      %mul3A_40 = arith.constant 16 : i32
      %mul3A_41 = arith.muli %add3A_39, %mul3A_40 : i32
      %swap3A_42 = arith.index_cast %mul3A_41 : i32 to index
      %swap3A_43 = tpu.vector_load %arg5[%swap3A_42] {strides = array<i32>} : memref<10000xf32, #tpu.memory_space<vmem>>, vector<16xf32>,
      tpu.vector_store %arg5[%swap3A_42], %broadcast_in_dim3A_35 {strides = array<i32>} : memref<10000xf32, #tpu.memory_space<vmem>>, vector<16xf32>,
      %broadcast_in_dim3A_44 = arith.constant 0.000000e+00 : f32
      %broadcast_in_dim3A_45 = vector.broadcast %broadcast_in_dim3A_44 : f32 to vector<16xf32>
      %mul3A_46 = arith.constant 5 : i32
      %mul3A_47 = arith.muli %mul3A_46, %scan3A_23 : i32
      %add3A_48 = arith.constant 1 : i32
      %add3A_49 = arith.addi %mul3A_47, %add3A_48 : i32
      %mul3A_50 = arith.constant 16 : i32
      %mul3A_51 = arith.muli %add3A_49, %mul3A_50 : i32
      %swap3A_52 = arith.index_cast %mul3A_51 : i32 to index
      %swap3A_53 = tpu.vector_load %arg4[%swap3A_52] {strides = array<i32>} : memref<10000xf32, #tpu.memory_space<vmem>>, vector<16xf32>,
      tpu.vector_store %arg4[%swap3A_52], %broadcast_in_dim3A_45 {strides = array<i32>} : memref<10000xf32, #tpu.memory_space<vmem>>, vector<16xf32>,
      %broadcast_in_dim3A_54 = arith.constant 0.000000e+00 : f32
      %broadcast_in_dim3A_55 = vector.broadcast %broadcast_in_dim3A_54 : f32 to vector<16xf32>
      %mul3A_56 = arith.constant 5 : i32
      %mul3A_57 = arith.muli %mul3A_56, %scan3A_23 : i32
      %add3A_58 = arith.constant 1 : i32
      %add3A_59 = arith.addi %mul3A_57, %add3A_58 : i32
      %mul3A_60 = arith.constant 16 : i32
      %mul3A_61 = arith.muli %add3A_59, %mul3A_60 : i32
      %swap3A_62 = arith.index_cast %mul3A_61 : i32 to index
      %swap3A_63 = tpu.vector_load %arg5[%swap3A_62] {strides = array<i32>} : memref<10000xf32, #tpu.memory_space<vmem>>, vector<16xf32>,
      tpu.vector_store %arg5[%swap3A_62], %broadcast_in_dim3A_55 {strides = array<i32>} : memref<10000xf32, #tpu.memory_space<vmem>>, vector<16xf32>,
      %broadcast_in_dim3A_64 = arith.constant 0.000000e+00 : f32
      %broadcast_in_dim3A_65 = vector.broadcast %broadcast_in_dim3A_64 : f32 to vector<16xf32>
      %mul3A_66 = arith.constant 5 : i32
      %mul3A_67 = arith.muli %mul3A_66, %scan3A_23 : i32
      %add3A_68 = arith.constant 2 : i32
      %add3A_69 = arith.addi %mul3A_67, %add3A_68 : i32
      %mul3A_70 = arith.constant 16 : i32
      %mul3A_71 = arith.muli %add3A_69, %mul3A_70 : i32
      %swap3A_72 = arith.index_cast %mul3A_71 : i32 to index
      %swap3A_73 = tpu.vector_load %arg4[%swap3A_72] {strides = array<i32>} : memref<10000xf32, #tpu.memory_space<vmem>>, vector<16xf32>,
      tpu.vector_store %arg4[%swap3A_72], %broadcast_in_dim3A_65 {strides = array<i32>} : memref<10000xf32, #tpu.memory_space<vmem>>, vector<16xf32>,
      %broadcast_in_dim3A_74 = arith.constant 0.000000e+00 : f32
      %broadcast_in_dim3A_75 = vector.broadcast %broadcast_in_dim3A_74 : f32 to vector<16xf32>
      %mul3A_76 = arith.constant 5 : i32
      %mul3A_77 = arith.muli %mul3A_76, %scan3A_23 : i32
      %add3A_78 = arith.constant 2 : i32
      %add3A_79 = arith.addi %mul3A_77, %add3A_78 : i32
      %mul3A_80 = arith.constant 16 : i32
      %mul3A_81 = arith.muli %add3A_79, %mul3A_80 : i32
      %swap3A_82 = arith.index_cast %mul3A_81 : i32 to index
      %swap3A_83 = tpu.vector_load %arg5[%swap3A_82] {strides = array<i32>} : memref<10000xf32, #tpu.memory_space<vmem>>, vector<16xf32>,
      tpu.vector_store %arg5[%swap3A_82], %broadcast_in_dim3A_75 {strides = array<i32>} : memref<10000xf32, #tpu.memory_space<vmem>>, vector<16xf32>,
      %broadcast_in_dim3A_84 = arith.constant 0.000000e+00 : f32
      %broadcast_in_dim3A_85 = vector.broadcast %broadcast_in_dim3A_84 : f32 to vector<16xf32>
      %mul3A_86 = arith.constant 5 : i32
      %mul3A_87 = arith.muli %mul3A_86, %scan3A_23 : i32
      %add3A_88 = arith.constant 3 : i32
      %add3A_89 = arith.addi %mul3A_87, %add3A_88 : i32
      %mul3A_90 = arith.constant 16 : i32
      %mul3A_91 = arith.muli %add3A_89, %mul3A_90 : i32
      %swap3A_92 = arith.index_cast %mul3A_91 : i32 to index
      %swap3A_93 = tpu.vector_load %arg4[%swap3A_92] {strides = array<i32>} : memref<10000xf32, #tpu.memory_space<vmem>>, vector<16xf32>,
      tpu.vector_store %arg4[%swap3A_92], %broadcast_in_dim3A_85 {strides = array<i32>} : memref<10000xf32, #tpu.memory_space<vmem>>, vector<16xf32>,
      %broadcast_in_dim3A_94 = arith.constant 0.000000e+00 : f32
      %broadcast_in_dim3A_95 = vector.broadcast %broadcast_in_dim3A_94 : f32 to vector<16xf32>
      %mul3A_96 = arith.constant 5 : i32
      %mul3A_97 = arith.muli %mul3A_96, %scan3A_23 : i32
      %add3A_98 = arith.constant 3 : i32
      %add3A_99 = arith.addi %mul3A_97, %add3A_98 : i32
      %mul3A_100 = arith.constant 16 : i32
      %mul3A_101 = arith.muli %add3A_99, %mul3A_100 : i32
      %swap3A_102 = arith.index_cast %mul3A_101 : i32 to index
      %swap3A_103 = tpu.vector_load %arg5[%swap3A_102] {strides = array<i32>} : memref<10000xf32, #tpu.memory_space<vmem>>, vector<16xf32>,
      tpu.vector_store %arg5[%swap3A_102], %broadcast_in_dim3A_95 {strides = array<i32>} : memref<10000xf32, #tpu.memory_space<vmem>>, vector<16xf32>,
      %broadcast_in_dim3A_104 = arith.constant 0.000000e+00 : f32
      %broadcast_in_dim3A_105 = vector.broadcast %broadcast_in_dim3A_104 : f32 to vector<16xf32>
      %mul3A_106 = arith.constant 5 : i32
      %mul3A_107 = arith.muli %mul3A_106, %scan3A_23 : i32
      %add3A_108 = arith.constant 4 : i32
      %add3A_109 = arith.addi %mul3A_107, %add3A_108 : i32
      %mul3A_110 = arith.constant 16 : i32
      %mul3A_111 = arith.muli %add3A_109, %mul3A_110 : i32
      %swap3A_112 = arith.index_cast %mul3A_111 : i32 to index
      %swap3A_113 = tpu.vector_load %arg4[%swap3A_112] {strides = array<i32>} : memref<10000xf32, #tpu.memory_space<vmem>>, vector<16xf32>,
      tpu.vector_store %arg4[%swap3A_112], %broadcast_in_dim3A_105 {strides = array<i32>} : memref<10000xf32, #tpu.memory_space<vmem>>, vector<16xf32>,
      %broadcast_in_dim3A_114 = arith.constant 0.000000e+00 : f32
      %broadcast_in_dim3A_115 = vector.broadcast %broadcast_in_dim3A_114 : f32 to vector<16xf32>
      %mul3A_116 = arith.constant 5 : i32
      %mul3A_117 = arith.muli %mul3A_116, %scan3A_23 : i32
      %add3A_118 = arith.constant 4 : i32
      %add3A_119 = arith.addi %mul3A_117, %add3A_118 : i32
      %mul3A_120 = arith.constant 16 : i32
      %mul3A_121 = arith.muli %add3A_119, %mul3A_120 : i32
      %swap3A_122 = arith.index_cast %mul3A_121 : i32 to index
      %swap3A_123 = tpu.vector_load %arg5[%swap3A_122] {strides = array<i32>} : memref<10000xf32, #tpu.memory_space<vmem>>, vector<16xf32>,
      tpu.vector_store %arg5[%swap3A_122], %broadcast_in_dim3A_115 {strides = array<i32>} : memref<10000xf32, #tpu.memory_space<vmem>>, vector<16xf32>,
      %scan3A_124 = arith.constant 0 : i32
      scf.yield %scan3A_124 : i32
    }
    %scan3A_6 = arith.constant 125 : i32
    %mul3A_7 = arith.constant 10000 : i32
    %mul3A_8 = arith.muli %add3A, %mul3A_7 : i32
    %broadcast_in_dim3A = arith.constant 1.000000e+00 : f32
    %broadcast_in_dim3A_9 = vector.broadcast %broadcast_in_dim3A : f32 to vector<16xf32>
    %add3A_10 = arith.constant 0 : i32
    %add3A_11 = arith.addi %add3A_10, %mul3A_8 : i32
    %add3A_12 = arith.constant 0 : i32
    %add3A_13 = arith.addi %add3A_11, %add3A_12 : i32
    %dma_start3A = tpu.memref_slice %arg2[%add3A_13] : memref<640000xi32, #tpu.memory_space<hbm>> -> memref<2000xi32, #tpu.memory_space<hbm>>
    %dma_start3A_14 = tpu.memref_slice %arg2[%add3A_13] : memref<640000xi32, #tpu.memory_space<hbm>> -> memref<2000xi32, #tpu.memory_space<hbm>>
    tpu.enqueue_dma source(%dma_start3A_14 : memref<2000xi32, #tpu.memory_space<hbm>>) target(%arg6 : memref<2000xi32, #tpu.memory_space<vmem>>) target_semaphore(%arg8 : memref<!tpu.dma_semaphore, #tpu.memory_space<semaphore_mem>>)
    %scan3A_15 = arith.constant 0 : i32
    %scan3A_16 = arith.constant 0 : i32
    %scan3A_17 = arith.constant 5 : i32
    %scan3A_18 = arith.addi %scan3A_16, %scan3A_17 : i32
    %scan3A_19 = arith.constant 1 : i32
    %scan3A_20 = scf.for %scan3A_23 = %scan3A_16 to %scan3A_18 step %scan3A_19 iter_args(%scan3A_24 = %scan3A_15) -> (i32)  : i32 {
      %mul3A_25 = arith.constant 2 : i32
      %mul3A_26 = arith.muli %mul3A_25, %scan3A_23 : i32
      %jit3A = arith.constant 5 : i32
      %div3A = arith.divsi %mul3A_26, %jit3A : i32
      %sign3A = arith.constant 0 : i32
      %sign3A_27 = arith.cmpi sgt, %mul3A_26, %sign3A : i32
      %sign3A_28 = arith.extui %sign3A_27 : i1 to i32
      %sign3A_29 = arith.constant 0 : i32
      %sign3A_30 = arith.cmpi slt, %mul3A_26, %sign3A_29 : i32
      %sign3A_31 = arith.extui %sign3A_30 : i1 to i32
      %sign3A_32 = arith.subi %sign3A_28, %sign3A_31 : i32
      %sign3A_33 = arith.constant 0 : i32
      %sign3A_34 = arith.cmpi sgt, %jit3A, %sign3A_33 : i32
      %sign3A_35 = arith.extui %sign3A_34 : i1 to i32
      %sign3A_36 = arith.constant 0 : i32
      %sign3A_37 = arith.cmpi slt, %jit3A, %sign3A_36 : i32
      %sign3A_38 = arith.extui %sign3A_37 : i1 to i32
      %sign3A_39 = arith.subi %sign3A_35, %sign3A_38 : i32
      %ne3A = arith.cmpi ne, %sign3A_32, %sign3A_39 : i32
      %rem3A = arith.remsi %mul3A_26, %jit3A : i32
      %ne3A_40 = arith.constant 0 : i32
      %ne3A_41 = arith.cmpi ne, %rem3A, %ne3A_40 : i32
      %and3A = arith.andi %ne3A, %ne3A_41 : i1
      %sub3A = arith.constant 1 : i32
      %sub3A_42 = arith.subi %div3A, %sub3A : i32
      %select_n3A = arith.select %and3A, %sub3A_42, %div3A : i32
      %mul3A_43 = arith.constant 320000 : i32
      %mul3A_44 = arith.muli %select_n3A, %mul3A_43 : i32
      %add3A_45 = arith.addi %mul3A_44, %mul3A_8 : i32
      %mul3A_46 = arith.constant 5 : i32
      %mul3A_47 = arith.muli %select_n3A, %mul3A_46 : i32
      %sub3A_48 = arith.subi %mul3A_26, %mul3A_47 : i32
      %mul3A_49 = arith.constant 2000 : i32
      %mul3A_50 = arith.muli %sub3A_48, %mul3A_49 : i32
      %add3A_51 = arith.addi %add3A_45, %mul3A_50 : i32
      %dma_wait3A = tpu.memref_slice %arg2[%add3A_51] : memref<640000xi32, #tpu.memory_space<hbm>> -> memref<2000xi32, #tpu.memory_space<hbm>>
      %dma_wait3A_52 = tpu.memref_slice %arg2[%add3A_51] : memref<640000xi32, #tpu.memory_space<hbm>> -> memref<2000xi32, #tpu.memory_space<hbm>>
      tpu.wait_dma2 semaphore(%arg8 : memref<!tpu.dma_semaphore, #tpu.memory_space<semaphore_mem>>) src(%dma_wait3A_52 : memref<2000xi32, #tpu.memory_space<hbm>>) dst(%arg6 : memref<2000xi32, #tpu.memory_space<vmem>>)
      %add3A_53 = arith.constant 1 : i32
      %add3A_54 = arith.addi %mul3A_26, %add3A_53 : i32
      %jit3A_55 = arith.constant 5 : i32
      %div3A_56 = arith.divsi %add3A_54, %jit3A_55 : i32
      %sign3A_57 = arith.constant 0 : i32
      %sign3A_58 = arith.cmpi sgt, %add3A_54, %sign3A_57 : i32
      %sign3A_59 = arith.extui %sign3A_58 : i1 to i32
      %sign3A_60 = arith.constant 0 : i32
      %sign3A_61 = arith.cmpi slt, %add3A_54, %sign3A_60 : i32
      %sign3A_62 = arith.extui %sign3A_61 : i1 to i32
      %sign3A_63 = arith.subi %sign3A_59, %sign3A_62 : i32
      %sign3A_64 = arith.constant 0 : i32
      %sign3A_65 = arith.cmpi sgt, %jit3A_55, %sign3A_64 : i32
      %sign3A_66 = arith.extui %sign3A_65 : i1 to i32
      %sign3A_67 = arith.constant 0 : i32
      %sign3A_68 = arith.cmpi slt, %jit3A_55, %sign3A_67 : i32
      %sign3A_69 = arith.extui %sign3A_68 : i1 to i32
      %sign3A_70 = arith.subi %sign3A_66, %sign3A_69 : i32
      %ne3A_71 = arith.cmpi ne, %sign3A_63, %sign3A_70 : i32
      %rem3A_72 = arith.remsi %add3A_54, %jit3A_55 : i32
      %ne3A_73 = arith.constant 0 : i32
      %ne3A_74 = arith.cmpi ne, %rem3A_72, %ne3A_73 : i32
      %and3A_75 = arith.andi %ne3A_71, %ne3A_74 : i1
      %sub3A_76 = arith.constant 1 : i32
      %sub3A_77 = arith.subi %div3A_56, %sub3A_76 : i32
      %select_n3A_78 = arith.select %and3A_75, %sub3A_77, %div3A_56 : i32
      %mul3A_79 = arith.constant 320000 : i32
      %mul3A_80 = arith.muli %select_n3A_78, %mul3A_79 : i32
      %add3A_81 = arith.addi %mul3A_80, %mul3A_8 : i32
      %mul3A_82 = arith.constant 5 : i32
      %mul3A_83 = arith.muli %select_n3A_78, %mul3A_82 : i32
      %sub3A_84 = arith.subi %add3A_54, %mul3A_83 : i32
      %mul3A_85 = arith.constant 2000 : i32
      %mul3A_86 = arith.muli %sub3A_84, %mul3A_85 : i32
      %add3A_87 = arith.addi %add3A_81, %mul3A_86 : i32
      %dma_start3A_88 = tpu.memref_slice %arg2[%add3A_87] : memref<640000xi32, #tpu.memory_space<hbm>> -> memref<2000xi32, #tpu.memory_space<hbm>>
      %dma_start3A_89 = tpu.memref_slice %arg2[%add3A_87] : memref<640000xi32, #tpu.memory_space<hbm>> -> memref<2000xi32, #tpu.memory_space<hbm>>
      tpu.enqueue_dma source(%dma_start3A_89 : memref<2000xi32, #tpu.memory_space<hbm>>) target(%arg7 : memref<2000xi32, #tpu.memory_space<vmem>>) target_semaphore(%arg9 : memref<!tpu.dma_semaphore, #tpu.memory_space<semaphore_mem>>)
      %lt3A = arith.constant 5 : i32
      %lt3A_90 = arith.cmpi slt, %mul3A_26, %lt3A : i32
      %convert_element_type3A = arith.extui %lt3A_90 : i1 to i32
      %cond3A = arith.constant 0 : i32
      %cond3A_91 = arith.cmpi ne, %convert_element_type3A, %cond3A : i32
      scf.if %cond3A_91 {
        %scan3A_151 = arith.constant 0 : i32
        %scan3A_152 = arith.constant 0 : i32
        %scan3A_153 = arith.constant 25 : i32
        %scan3A_154 = arith.addi %scan3A_152, %scan3A_153 : i32
        %scan3A_155 = arith.constant 1 : i32
        %scan3A_156 = scf.for %scan3A_158 = %scan3A_152 to %scan3A_154 step %scan3A_155 iter_args(%scan3A_159 = %scan3A_151) -> (i32)  : i32 {
          %mul3A_160 = arith.constant 5 : i32
          %mul3A_161 = arith.muli %mul3A_160, %scan3A_158 : i32
          %add3A_162 = arith.constant 0 : i32
          %add3A_163 = arith.addi %mul3A_161, %add3A_162 : i32
          %mul3A_164 = arith.constant 16 : i32
          %mul3A_165 = arith.muli %add3A_163, %mul3A_164 : i32
          %get3A = arith.index_cast %mul3A_165 : i32 to index
          %get3A_166 = tpu.vector_load %arg6[%get3A] {strides = array<i32>} : memref<2000xi32, #tpu.memory_space<vmem>>, vector<16xi32>,
          tpu.vector_store_idx %arg4[%get3A_166], %broadcast_in_dim3A_9 {add = true} : memref<10000xf32, #tpu.memory_space<vmem>>[vector<16xi32>], vector<16xf32>,
          %mul3A_167 = arith.constant 5 : i32
          %mul3A_168 = arith.muli %mul3A_167, %scan3A_158 : i32
          %add3A_169 = arith.constant 1 : i32
          %add3A_170 = arith.addi %mul3A_168, %add3A_169 : i32
          %mul3A_171 = arith.constant 16 : i32
          %mul3A_172 = arith.muli %add3A_170, %mul3A_171 : i32
          %get3A_173 = arith.index_cast %mul3A_172 : i32 to index
          %get3A_174 = tpu.vector_load %arg6[%get3A_173] {strides = array<i32>} : memref<2000xi32, #tpu.memory_space<vmem>>, vector<16xi32>,
          tpu.vector_store_idx %arg4[%get3A_174], %broadcast_in_dim3A_9 {add = true} : memref<10000xf32, #tpu.memory_space<vmem>>[vector<16xi32>], vector<16xf32>,
          %mul3A_175 = arith.constant 5 : i32
          %mul3A_176 = arith.muli %mul3A_175, %scan3A_158 : i32
          %add3A_177 = arith.constant 2 : i32
          %add3A_178 = arith.addi %mul3A_176, %add3A_177 : i32
          %mul3A_179 = arith.constant 16 : i32
          %mul3A_180 = arith.muli %add3A_178, %mul3A_179 : i32
          %get3A_181 = arith.index_cast %mul3A_180 : i32 to index
          %get3A_182 = tpu.vector_load %arg6[%get3A_181] {strides = array<i32>} : memref<2000xi32, #tpu.memory_space<vmem>>, vector<16xi32>,
          tpu.vector_store_idx %arg4[%get3A_182], %broadcast_in_dim3A_9 {add = true} : memref<10000xf32, #tpu.memory_space<vmem>>[vector<16xi32>], vector<16xf32>,
          %mul3A_183 = arith.constant 5 : i32
          %mul3A_184 = arith.muli %mul3A_183, %scan3A_158 : i32
          %add3A_185 = arith.constant 3 : i32
          %add3A_186 = arith.addi %mul3A_184, %add3A_185 : i32
          %mul3A_187 = arith.constant 16 : i32
          %mul3A_188 = arith.muli %add3A_186, %mul3A_187 : i32
          %get3A_189 = arith.index_cast %mul3A_188 : i32 to index
          %get3A_190 = tpu.vector_load %arg6[%get3A_189] {strides = array<i32>} : memref<2000xi32, #tpu.memory_space<vmem>>, vector<16xi32>,
          tpu.vector_store_idx %arg4[%get3A_190], %broadcast_in_dim3A_9 {add = true} : memref<10000xf32, #tpu.memory_space<vmem>>[vector<16xi32>], vector<16xf32>,
          %mul3A_191 = arith.constant 5 : i32
          %mul3A_192 = arith.muli %mul3A_191, %scan3A_158 : i32
          %add3A_193 = arith.constant 4 : i32
          %add3A_194 = arith.addi %mul3A_192, %add3A_193 : i32
          %mul3A_195 = arith.constant 16 : i32
          %mul3A_196 = arith.muli %add3A_194, %mul3A_195 : i32
          %get3A_197 = arith.index_cast %mul3A_196 : i32 to index
          %get3A_198 = tpu.vector_load %arg6[%get3A_197] {strides = array<i32>} : memref<2000xi32, #tpu.memory_space<vmem>>, vector<16xi32>,
          tpu.vector_store_idx %arg4[%get3A_198], %broadcast_in_dim3A_9 {add = true} : memref<10000xf32, #tpu.memory_space<vmem>>[vector<16xi32>], vector<16xf32>,
          %scan3A_199 = arith.constant 0 : i32
          scf.yield %scan3A_199 : i32
        }
        %scan3A_157 = arith.constant 25 : i32
      } else {
      }
      %ge3A = arith.constant 5 : i32
      %ge3A_92 = arith.cmpi sge, %mul3A_26, %ge3A : i32
      %convert_element_type3A_93 = arith.extui %ge3A_92 : i1 to i32
      %cond3A_94 = arith.constant 0 : i32
      %cond3A_95 = arith.cmpi ne, %convert_element_type3A_93, %cond3A_94 : i32
      scf.if %cond3A_95 {
        %scan3A_151 = arith.constant 0 : i32
        %scan3A_152 = arith.constant 0 : i32
        %scan3A_153 = arith.constant 25 : i32
        %scan3A_154 = arith.addi %scan3A_152, %scan3A_153 : i32
        %scan3A_155 = arith.constant 1 : i32
        %scan3A_156 = scf.for %scan3A_158 = %scan3A_152 to %scan3A_154 step %scan3A_155 iter_args(%scan3A_159 = %scan3A_151) -> (i32)  : i32 {
          %mul3A_160 = arith.constant 5 : i32
          %mul3A_161 = arith.muli %mul3A_160, %scan3A_158 : i32
          %add3A_162 = arith.constant 0 : i32
          %add3A_163 = arith.addi %mul3A_161, %add3A_162 : i32
          %mul3A_164 = arith.constant 16 : i32
          %mul3A_165 = arith.muli %add3A_163, %mul3A_164 : i32
          %get3A = arith.index_cast %mul3A_165 : i32 to index
          %get3A_166 = tpu.vector_load %arg6[%get3A] {strides = array<i32>} : memref<2000xi32, #tpu.memory_space<vmem>>, vector<16xi32>,
          tpu.vector_store_idx %arg5[%get3A_166], %broadcast_in_dim3A_9 {add = true} : memref<10000xf32, #tpu.memory_space<vmem>>[vector<16xi32>], vector<16xf32>,
          %mul3A_167 = arith.constant 5 : i32
          %mul3A_168 = arith.muli %mul3A_167, %scan3A_158 : i32
          %add3A_169 = arith.constant 1 : i32
          %add3A_170 = arith.addi %mul3A_168, %add3A_169 : i32
          %mul3A_171 = arith.constant 16 : i32
          %mul3A_172 = arith.muli %add3A_170, %mul3A_171 : i32
          %get3A_173 = arith.index_cast %mul3A_172 : i32 to index
          %get3A_174 = tpu.vector_load %arg6[%get3A_173] {strides = array<i32>} : memref<2000xi32, #tpu.memory_space<vmem>>, vector<16xi32>,
          tpu.vector_store_idx %arg5[%get3A_174], %broadcast_in_dim3A_9 {add = true} : memref<10000xf32, #tpu.memory_space<vmem>>[vector<16xi32>], vector<16xf32>,
          %mul3A_175 = arith.constant 5 : i32
          %mul3A_176 = arith.muli %mul3A_175, %scan3A_158 : i32
          %add3A_177 = arith.constant 2 : i32
          %add3A_178 = arith.addi %mul3A_176, %add3A_177 : i32
          %mul3A_179 = arith.constant 16 : i32
          %mul3A_180 = arith.muli %add3A_178, %mul3A_179 : i32
          %get3A_181 = arith.index_cast %mul3A_180 : i32 to index
          %get3A_182 = tpu.vector_load %arg6[%get3A_181] {strides = array<i32>} : memref<2000xi32, #tpu.memory_space<vmem>>, vector<16xi32>,
          tpu.vector_store_idx %arg5[%get3A_182], %broadcast_in_dim3A_9 {add = true} : memref<10000xf32, #tpu.memory_space<vmem>>[vector<16xi32>], vector<16xf32>,
          %mul3A_183 = arith.constant 5 : i32
          %mul3A_184 = arith.muli %mul3A_183, %scan3A_158 : i32
          %add3A_185 = arith.constant 3 : i32
          %add3A_186 = arith.addi %mul3A_184, %add3A_185 : i32
          %mul3A_187 = arith.constant 16 : i32
          %mul3A_188 = arith.muli %add3A_186, %mul3A_187 : i32
          %get3A_189 = arith.index_cast %mul3A_188 : i32 to index
          %get3A_190 = tpu.vector_load %arg6[%get3A_189] {strides = array<i32>} : memref<2000xi32, #tpu.memory_space<vmem>>, vector<16xi32>,
          tpu.vector_store_idx %arg5[%get3A_190], %broadcast_in_dim3A_9 {add = true} : memref<10000xf32, #tpu.memory_space<vmem>>[vector<16xi32>], vector<16xf32>,
          %mul3A_191 = arith.constant 5 : i32
          %mul3A_192 = arith.muli %mul3A_191, %scan3A_158 : i32
          %add3A_193 = arith.constant 4 : i32
          %add3A_194 = arith.addi %mul3A_192, %add3A_193 : i32
          %mul3A_195 = arith.constant 16 : i32
          %mul3A_196 = arith.muli %add3A_194, %mul3A_195 : i32
          %get3A_197 = arith.index_cast %mul3A_196 : i32 to index
          %get3A_198 = tpu.vector_load %arg6[%get3A_197] {strides = array<i32>} : memref<2000xi32, #tpu.memory_space<vmem>>, vector<16xi32>,
          tpu.vector_store_idx %arg5[%get3A_198], %broadcast_in_dim3A_9 {add = true} : memref<10000xf32, #tpu.memory_space<vmem>>[vector<16xi32>], vector<16xf32>,
          %scan3A_199 = arith.constant 0 : i32
          scf.yield %scan3A_199 : i32
        }
        %scan3A_157 = arith.constant 25 : i32
      } else {
      }
      %lt3A_96 = arith.constant 4 : i32
      %lt3A_97 = arith.cmpi slt, %scan3A_23, %lt3A_96 : i32
      %convert_element_type3A_98 = arith.extui %lt3A_97 : i1 to i32
      %cond3A_99 = arith.constant 0 : i32
      %cond3A_100 = arith.cmpi ne, %convert_element_type3A_98, %cond3A_99 : i32
      scf.if %cond3A_100 {
        %add3A_151 = arith.constant 2 : i32
        %add3A_152 = arith.addi %mul3A_26, %add3A_151 : i32
        %jit3A_153 = arith.constant 5 : i32
        %div3A_154 = arith.divsi %add3A_152, %jit3A_153 : i32
        %sign3A_155 = arith.constant 0 : i32
        %sign3A_156 = arith.cmpi sgt, %add3A_152, %sign3A_155 : i32
        %sign3A_157 = arith.extui %sign3A_156 : i1 to i32
        %sign3A_158 = arith.constant 0 : i32
        %sign3A_159 = arith.cmpi slt, %add3A_152, %sign3A_158 : i32
        %sign3A_160 = arith.extui %sign3A_159 : i1 to i32
        %sign3A_161 = arith.subi %sign3A_157, %sign3A_160 : i32
        %sign3A_162 = arith.constant 0 : i32
        %sign3A_163 = arith.cmpi sgt, %jit3A_153, %sign3A_162 : i32
        %sign3A_164 = arith.extui %sign3A_163 : i1 to i32
        %sign3A_165 = arith.constant 0 : i32
        %sign3A_166 = arith.cmpi slt, %jit3A_153, %sign3A_165 : i32
        %sign3A_167 = arith.extui %sign3A_166 : i1 to i32
        %sign3A_168 = arith.subi %sign3A_164, %sign3A_167 : i32
        %ne3A_169 = arith.cmpi ne, %sign3A_161, %sign3A_168 : i32
        %rem3A_170 = arith.remsi %add3A_152, %jit3A_153 : i32
        %ne3A_171 = arith.constant 0 : i32
        %ne3A_172 = arith.cmpi ne, %rem3A_170, %ne3A_171 : i32
        %and3A_173 = arith.andi %ne3A_169, %ne3A_172 : i1
        %sub3A_174 = arith.constant 1 : i32
        %sub3A_175 = arith.subi %div3A_154, %sub3A_174 : i32
        %select_n3A_176 = arith.select %and3A_173, %sub3A_175, %div3A_154 : i32
        %mul3A_177 = arith.constant 320000 : i32
        %mul3A_178 = arith.muli %select_n3A_176, %mul3A_177 : i32
        %add3A_179 = arith.addi %mul3A_178, %mul3A_8 : i32
        %mul3A_180 = arith.constant 5 : i32
        %mul3A_181 = arith.muli %select_n3A_176, %mul3A_180 : i32
        %sub3A_182 = arith.subi %add3A_152, %mul3A_181 : i32
        %mul3A_183 = arith.constant 2000 : i32
        %mul3A_184 = arith.muli %sub3A_182, %mul3A_183 : i32
        %add3A_185 = arith.addi %add3A_179, %mul3A_184 : i32
        %dma_start3A_186 = tpu.memref_slice %arg2[%add3A_185] : memref<640000xi32, #tpu.memory_space<hbm>> -> memref<2000xi32, #tpu.memory_space<hbm>>
        %dma_start3A_187 = tpu.memref_slice %arg2[%add3A_185] : memref<640000xi32, #tpu.memory_space<hbm>> -> memref<2000xi32, #tpu.memory_space<hbm>>
        tpu.enqueue_dma source(%dma_start3A_187 : memref<2000xi32, #tpu.memory_space<hbm>>) target(%arg6 : memref<2000xi32, #tpu.memory_space<vmem>>) target_semaphore(%arg8 : memref<!tpu.dma_semaphore, #tpu.memory_space<semaphore_mem>>)
      } else {
      }
      %add3A_101 = arith.constant 1 : i32
      %add3A_102 = arith.addi %mul3A_26, %add3A_101 : i32
      %jit3A_103 = arith.constant 5 : i32
      %div3A_104 = arith.divsi %add3A_102, %jit3A_103 : i32
      %sign3A_105 = arith.constant 0 : i32
      %sign3A_106 = arith.cmpi sgt, %add3A_102, %sign3A_105 : i32
      %sign3A_107 = arith.extui %sign3A_106 : i1 to i32
      %sign3A_108 = arith.constant 0 : i32
      %sign3A_109 = arith.cmpi slt, %add3A_102, %sign3A_108 : i32
      %sign3A_110 = arith.extui %sign3A_109 : i1 to i32
      %sign3A_111 = arith.subi %sign3A_107, %sign3A_110 : i32
      %sign3A_112 = arith.constant 0 : i32
      %sign3A_113 = arith.cmpi sgt, %jit3A_103, %sign3A_112 : i32
      %sign3A_114 = arith.extui %sign3A_113 : i1 to i32
      %sign3A_115 = arith.constant 0 : i32
      %sign3A_116 = arith.cmpi slt, %jit3A_103, %sign3A_115 : i32
      %sign3A_117 = arith.extui %sign3A_116 : i1 to i32
      %sign3A_118 = arith.subi %sign3A_114, %sign3A_117 : i32
      %ne3A_119 = arith.cmpi ne, %sign3A_111, %sign3A_118 : i32
      %rem3A_120 = arith.remsi %add3A_102, %jit3A_103 : i32
      %ne3A_121 = arith.constant 0 : i32
      %ne3A_122 = arith.cmpi ne, %rem3A_120, %ne3A_121 : i32
      %and3A_123 = arith.andi %ne3A_119, %ne3A_122 : i1
      %sub3A_124 = arith.constant 1 : i32
      %sub3A_125 = arith.subi %div3A_104, %sub3A_124 : i32
      %select_n3A_126 = arith.select %and3A_123, %sub3A_125, %div3A_104 : i32
      %mul3A_127 = arith.constant 320000 : i32
      %mul3A_128 = arith.muli %select_n3A_126, %mul3A_127 : i32
      %add3A_129 = arith.addi %mul3A_128, %mul3A_8 : i32
      %mul3A_130 = arith.constant 5 : i32
      %mul3A_131 = arith.muli %select_n3A_126, %mul3A_130 : i32
      %sub3A_132 = arith.subi %add3A_102, %mul3A_131 : i32
      %mul3A_133 = arith.constant 2000 : i32
      %mul3A_134 = arith.muli %sub3A_132, %mul3A_133 : i32
      %add3A_135 = arith.addi %add3A_129, %mul3A_134 : i32
      %dma_wait3A_136 = tpu.memref_slice %arg2[%add3A_135] : memref<640000xi32, #tpu.memory_space<hbm>> -> memref<2000xi32, #tpu.memory_space<hbm>>
      %dma_wait3A_137 = tpu.memref_slice %arg2[%add3A_135] : memref<640000xi32, #tpu.memory_space<hbm>> -> memref<2000xi32, #tpu.memory_space<hbm>>
      tpu.wait_dma2 semaphore(%arg9 : memref<!tpu.dma_semaphore, #tpu.memory_space<semaphore_mem>>) src(%dma_wait3A_137 : memref<2000xi32, #tpu.memory_space<hbm>>) dst(%arg7 : memref<2000xi32, #tpu.memory_space<vmem>>)
      %add3A_138 = arith.constant 1 : i32
      %add3A_139 = arith.addi %mul3A_26, %add3A_138 : i32
      %lt3A_140 = arith.constant 5 : i32
      %lt3A_141 = arith.cmpi slt, %add3A_139, %lt3A_140 : i32
      %convert_element_type3A_142 = arith.extui %lt3A_141 : i1 to i32
      %cond3A_143 = arith.constant 0 : i32
      %cond3A_144 = arith.cmpi ne, %convert_element_type3A_142, %cond3A_143 : i32
      scf.if %cond3A_144 {
        %scan3A_151 = arith.constant 0 : i32
        %scan3A_152 = arith.constant 0 : i32
        %scan3A_153 = arith.constant 25 : i32
        %scan3A_154 = arith.addi %scan3A_152, %scan3A_153 : i32
        %scan3A_155 = arith.constant 1 : i32
        %scan3A_156 = scf.for %scan3A_158 = %scan3A_152 to %scan3A_154 step %scan3A_155 iter_args(%scan3A_159 = %scan3A_151) -> (i32)  : i32 {
          %mul3A_160 = arith.constant 5 : i32
          %mul3A_161 = arith.muli %mul3A_160, %scan3A_158 : i32
          %add3A_162 = arith.constant 0 : i32
          %add3A_163 = arith.addi %mul3A_161, %add3A_162 : i32
          %mul3A_164 = arith.constant 16 : i32
          %mul3A_165 = arith.muli %add3A_163, %mul3A_164 : i32
          %get3A = arith.index_cast %mul3A_165 : i32 to index
          %get3A_166 = tpu.vector_load %arg7[%get3A] {strides = array<i32>} : memref<2000xi32, #tpu.memory_space<vmem>>, vector<16xi32>,
          tpu.vector_store_idx %arg4[%get3A_166], %broadcast_in_dim3A_9 {add = true} : memref<10000xf32, #tpu.memory_space<vmem>>[vector<16xi32>], vector<16xf32>,
          %mul3A_167 = arith.constant 5 : i32
          %mul3A_168 = arith.muli %mul3A_167, %scan3A_158 : i32
          %add3A_169 = arith.constant 1 : i32
          %add3A_170 = arith.addi %mul3A_168, %add3A_169 : i32
          %mul3A_171 = arith.constant 16 : i32
          %mul3A_172 = arith.muli %add3A_170, %mul3A_171 : i32
          %get3A_173 = arith.index_cast %mul3A_172 : i32 to index
          %get3A_174 = tpu.vector_load %arg7[%get3A_173] {strides = array<i32>} : memref<2000xi32, #tpu.memory_space<vmem>>, vector<16xi32>,
          tpu.vector_store_idx %arg4[%get3A_174], %broadcast_in_dim3A_9 {add = true} : memref<10000xf32, #tpu.memory_space<vmem>>[vector<16xi32>], vector<16xf32>,
          %mul3A_175 = arith.constant 5 : i32
          %mul3A_176 = arith.muli %mul3A_175, %scan3A_158 : i32
          %add3A_177 = arith.constant 2 : i32
          %add3A_178 = arith.addi %mul3A_176, %add3A_177 : i32
          %mul3A_179 = arith.constant 16 : i32
          %mul3A_180 = arith.muli %add3A_178, %mul3A_179 : i32
          %get3A_181 = arith.index_cast %mul3A_180 : i32 to index
          %get3A_182 = tpu.vector_load %arg7[%get3A_181] {strides = array<i32>} : memref<2000xi32, #tpu.memory_space<vmem>>, vector<16xi32>,
          tpu.vector_store_idx %arg4[%get3A_182], %broadcast_in_dim3A_9 {add = true} : memref<10000xf32, #tpu.memory_space<vmem>>[vector<16xi32>], vector<16xf32>,
          %mul3A_183 = arith.constant 5 : i32
          %mul3A_184 = arith.muli %mul3A_183, %scan3A_158 : i32
          %add3A_185 = arith.constant 3 : i32
          %add3A_186 = arith.addi %mul3A_184, %add3A_185 : i32
          %mul3A_187 = arith.constant 16 : i32
          %mul3A_188 = arith.muli %add3A_186, %mul3A_187 : i32
          %get3A_189 = arith.index_cast %mul3A_188 : i32 to index
          %get3A_190 = tpu.vector_load %arg7[%get3A_189] {strides = array<i32>} : memref<2000xi32, #tpu.memory_space<vmem>>, vector<16xi32>,
          tpu.vector_store_idx %arg4[%get3A_190], %broadcast_in_dim3A_9 {add = true} : memref<10000xf32, #tpu.memory_space<vmem>>[vector<16xi32>], vector<16xf32>,
          %mul3A_191 = arith.constant 5 : i32
          %mul3A_192 = arith.muli %mul3A_191, %scan3A_158 : i32
          %add3A_193 = arith.constant 4 : i32
          %add3A_194 = arith.addi %mul3A_192, %add3A_193 : i32
          %mul3A_195 = arith.constant 16 : i32
          %mul3A_196 = arith.muli %add3A_194, %mul3A_195 : i32
          %get3A_197 = arith.index_cast %mul3A_196 : i32 to index
          %get3A_198 = tpu.vector_load %arg7[%get3A_197] {strides = array<i32>} : memref<2000xi32, #tpu.memory_space<vmem>>, vector<16xi32>,
          tpu.vector_store_idx %arg4[%get3A_198], %broadcast_in_dim3A_9 {add = true} : memref<10000xf32, #tpu.memory_space<vmem>>[vector<16xi32>], vector<16xf32>,
          %scan3A_199 = arith.constant 0 : i32
          scf.yield %scan3A_199 : i32
        }
        %scan3A_157 = arith.constant 25 : i32
      } else {
      }
      %ge3A_145 = arith.constant 5 : i32
      %ge3A_146 = arith.cmpi sge, %add3A_139, %ge3A_145 : i32
      %convert_element_type3A_147 = arith.extui %ge3A_146 : i1 to i32
      %cond3A_148 = arith.constant 0 : i32
      %cond3A_149 = arith.cmpi ne, %convert_element_type3A_147, %cond3A_148 : i32
      scf.if %cond3A_149 {
        %scan3A_151 = arith.constant 0 : i32
        %scan3A_152 = arith.constant 0 : i32
        %scan3A_153 = arith.constant 25 : i32
        %scan3A_154 = arith.addi %scan3A_152, %scan3A_153 : i32
        %scan3A_155 = arith.constant 1 : i32
        %scan3A_156 = scf.for %scan3A_158 = %scan3A_152 to %scan3A_154 step %scan3A_155 iter_args(%scan3A_159 = %scan3A_151) -> (i32)  : i32 {
          %mul3A_160 = arith.constant 5 : i32
          %mul3A_161 = arith.muli %mul3A_160, %scan3A_158 : i32
          %add3A_162 = arith.constant 0 : i32
          %add3A_163 = arith.addi %mul3A_161, %add3A_162 : i32
          %mul3A_164 = arith.constant 16 : i32
          %mul3A_165 = arith.muli %add3A_163, %mul3A_164 : i32
          %get3A = arith.index_cast %mul3A_165 : i32 to index
          %get3A_166 = tpu.vector_load %arg7[%get3A] {strides = array<i32>} : memref<2000xi32, #tpu.memory_space<vmem>>, vector<16xi32>,
          tpu.vector_store_idx %arg5[%get3A_166], %broadcast_in_dim3A_9 {add = true} : memref<10000xf32, #tpu.memory_space<vmem>>[vector<16xi32>], vector<16xf32>,
          %mul3A_167 = arith.constant 5 : i32
          %mul3A_168 = arith.muli %mul3A_167, %scan3A_158 : i32
          %add3A_169 = arith.constant 1 : i32
          %add3A_170 = arith.addi %mul3A_168, %add3A_169 : i32
          %mul3A_171 = arith.constant 16 : i32
          %mul3A_172 = arith.muli %add3A_170, %mul3A_171 : i32
          %get3A_173 = arith.index_cast %mul3A_172 : i32 to index
          %get3A_174 = tpu.vector_load %arg7[%get3A_173] {strides = array<i32>} : memref<2000xi32, #tpu.memory_space<vmem>>, vector<16xi32>,
          tpu.vector_store_idx %arg5[%get3A_174], %broadcast_in_dim3A_9 {add = true} : memref<10000xf32, #tpu.memory_space<vmem>>[vector<16xi32>], vector<16xf32>,
          %mul3A_175 = arith.constant 5 : i32
          %mul3A_176 = arith.muli %mul3A_175, %scan3A_158 : i32
          %add3A_177 = arith.constant 2 : i32
          %add3A_178 = arith.addi %mul3A_176, %add3A_177 : i32
          %mul3A_179 = arith.constant 16 : i32
          %mul3A_180 = arith.muli %add3A_178, %mul3A_179 : i32
          %get3A_181 = arith.index_cast %mul3A_180 : i32 to index
          %get3A_182 = tpu.vector_load %arg7[%get3A_181] {strides = array<i32>} : memref<2000xi32, #tpu.memory_space<vmem>>, vector<16xi32>,
          tpu.vector_store_idx %arg5[%get3A_182], %broadcast_in_dim3A_9 {add = true} : memref<10000xf32, #tpu.memory_space<vmem>>[vector<16xi32>], vector<16xf32>,
          %mul3A_183 = arith.constant 5 : i32
          %mul3A_184 = arith.muli %mul3A_183, %scan3A_158 : i32
          %add3A_185 = arith.constant 3 : i32
          %add3A_186 = arith.addi %mul3A_184, %add3A_185 : i32
          %mul3A_187 = arith.constant 16 : i32
          %mul3A_188 = arith.muli %add3A_186, %mul3A_187 : i32
          %get3A_189 = arith.index_cast %mul3A_188 : i32 to index
          %get3A_190 = tpu.vector_load %arg7[%get3A_189] {strides = array<i32>} : memref<2000xi32, #tpu.memory_space<vmem>>, vector<16xi32>,
          tpu.vector_store_idx %arg5[%get3A_190], %broadcast_in_dim3A_9 {add = true} : memref<10000xf32, #tpu.memory_space<vmem>>[vector<16xi32>], vector<16xf32>,
          %mul3A_191 = arith.constant 5 : i32
          %mul3A_192 = arith.muli %mul3A_191, %scan3A_158 : i32
          %add3A_193 = arith.constant 4 : i32
          %add3A_194 = arith.addi %mul3A_192, %add3A_193 : i32
          %mul3A_195 = arith.constant 16 : i32
          %mul3A_196 = arith.muli %add3A_194, %mul3A_195 : i32
          %get3A_197 = arith.index_cast %mul3A_196 : i32 to index
          %get3A_198 = tpu.vector_load %arg7[%get3A_197] {strides = array<i32>} : memref<2000xi32, #tpu.memory_space<vmem>>, vector<16xi32>,
          tpu.vector_store_idx %arg5[%get3A_198], %broadcast_in_dim3A_9 {add = true} : memref<10000xf32, #tpu.memory_space<vmem>>[vector<16xi32>], vector<16xf32>,
          %scan3A_199 = arith.constant 0 : i32
          scf.yield %scan3A_199 : i32
        }
        %scan3A_157 = arith.constant 25 : i32
      } else {
      }
      %scan3A_150 = arith.constant 0 : i32
      scf.yield %scan3A_150 : i32
    }
    %scan3A_21 = arith.constant 5 : i32
    %run_scoped3A = arith.constant 0 : i32
    "tpu.region"() ({
      %run_scoped3A_23 = tpu.sem_alloc : memref<!tpu.dma_semaphore, #tpu.memory_space<semaphore_mem>>
      %dma_start3A_24 = arith.constant 0 : i32
      %dma_start3A_25 = tpu.memref_slice %arg3[%run_scoped3A, %add3A, %dma_start3A_24] : memref<2x32x10000xf32, #tpu.memory_space<hbm>> -> memref<1x1x10000xf32, #tpu.memory_space<hbm>>
      %dma_start3A_26 = tpu.memref_squeeze %dma_start3A_25 : memref<1x1x10000xf32, #tpu.memory_space<hbm>> -> memref<10000xf32, #tpu.memory_space<hbm>>
      %dma_start3A_27 = arith.constant 0 : i32
      %dma_start3A_28 = tpu.memref_slice %arg3[%run_scoped3A, %add3A, %dma_start3A_27] : memref<2x32x10000xf32, #tpu.memory_space<hbm>> -> memref<1x1x10000xf32, #tpu.memory_space<hbm>>
      %dma_start3A_29 = tpu.memref_squeeze %dma_start3A_28 : memref<1x1x10000xf32, #tpu.memory_space<hbm>> -> memref<10000xf32, #tpu.memory_space<hbm>>
      tpu.enqueue_dma source(%arg4 : memref<10000xf32, #tpu.memory_space<vmem>>) target(%dma_start3A_29 : memref<10000xf32, #tpu.memory_space<hbm>>) target_semaphore(%run_scoped3A_23 : memref<!tpu.dma_semaphore, #tpu.memory_space<semaphore_mem>>)
      %dma_wait3A = arith.constant 0 : i32
      %dma_wait3A_30 = tpu.memref_slice %arg3[%run_scoped3A, %add3A, %dma_wait3A] : memref<2x32x10000xf32, #tpu.memory_space<hbm>> -> memref<1x1x10000xf32, #tpu.memory_space<hbm>>
      %dma_wait3A_31 = tpu.memref_squeeze %dma_wait3A_30 : memref<1x1x10000xf32, #tpu.memory_space<hbm>> -> memref<10000xf32, #tpu.memory_space<hbm>>
      %dma_wait3A_32 = arith.constant 0 : i32
      %dma_wait3A_33 = tpu.memref_slice %arg3[%run_scoped3A, %add3A, %dma_wait3A_32] : memref<2x32x10000xf32, #tpu.memory_space<hbm>> -> memref<1x1x10000xf32, #tpu.memory_space<hbm>>
      %dma_wait3A_34 = tpu.memref_squeeze %dma_wait3A_33 : memref<1x1x10000xf32, #tpu.memory_space<hbm>> -> memref<10000xf32, #tpu.memory_space<hbm>>
      tpu.wait_dma2 semaphore(%run_scoped3A_23 : memref<!tpu.dma_semaphore, #tpu.memory_space<semaphore_mem>>) src(%arg4 : memref<10000xf32, #tpu.memory_space<vmem>>) dst(%dma_wait3A_34 : memref<10000xf32, #tpu.memory_space<hbm>>)
      tpu.yield
    }) : () -> ()
    %run_scoped3A_22 = arith.constant 1 : i32
    "tpu.region"() ({
      %run_scoped3A_23 = tpu.sem_alloc : memref<!tpu.dma_semaphore, #tpu.memory_space<semaphore_mem>>
      %dma_start3A_24 = arith.constant 0 : i32
      %dma_start3A_25 = tpu.memref_slice %arg3[%run_scoped3A_22, %add3A, %dma_start3A_24] : memref<2x32x10000xf32, #tpu.memory_space<hbm>> -> memref<1x1x10000xf32, #tpu.memory_space<hbm>>
      %dma_start3A_26 = tpu.memref_squeeze %dma_start3A_25 : memref<1x1x10000xf32, #tpu.memory_space<hbm>> -> memref<10000xf32, #tpu.memory_space<hbm>>
      %dma_start3A_27 = arith.constant 0 : i32
      %dma_start3A_28 = tpu.memref_slice %arg3[%run_scoped3A_22, %add3A, %dma_start3A_27] : memref<2x32x10000xf32, #tpu.memory_space<hbm>> -> memref<1x1x10000xf32, #tpu.memory_space<hbm>>
      %dma_start3A_29 = tpu.memref_squeeze %dma_start3A_28 : memref<1x1x10000xf32, #tpu.memory_space<hbm>> -> memref<10000xf32, #tpu.memory_space<hbm>>
      tpu.enqueue_dma source(%arg5 : memref<10000xf32, #tpu.memory_space<vmem>>) target(%dma_start3A_29 : memref<10000xf32, #tpu.memory_space<hbm>>) target_semaphore(%run_scoped3A_23 : memref<!tpu.dma_semaphore, #tpu.memory_space<semaphore_mem>>)
      %dma_wait3A = arith.constant 0 : i32
      %dma_wait3A_30 = tpu.memref_slice %arg3[%run_scoped3A_22, %add3A, %dma_wait3A] : memref<2x32x10000xf32, #tpu.memory_space<hbm>> -> memref<1x1x10000xf32, #tpu.memory_space<hbm>>
      %dma_wait3A_31 = tpu.memref_squeeze %dma_wait3A_30 : memref<1x1x10000xf32, #tpu.memory_space<hbm>> -> memref<10000xf32, #tpu.memory_space<hbm>>
      %dma_wait3A_32 = arith.constant 0 : i32
      %dma_wait3A_33 = tpu.memref_slice %arg3[%run_scoped3A_22, %add3A, %dma_wait3A_32] : memref<2x32x10000xf32, #tpu.memory_space<hbm>> -> memref<1x1x10000xf32, #tpu.memory_space<hbm>>
      %dma_wait3A_34 = tpu.memref_squeeze %dma_wait3A_33 : memref<1x1x10000xf32, #tpu.memory_space<hbm>> -> memref<10000xf32, #tpu.memory_space<hbm>>
      tpu.wait_dma2 semaphore(%run_scoped3A_23 : memref<!tpu.dma_semaphore, #tpu.memory_space<semaphore_mem>>) src(%arg5 : memref<10000xf32, #tpu.memory_space<vmem>>) dst(%dma_wait3A_34 : memref<10000xf32, #tpu.memory_space<hbm>>)
      tpu.yield
    }) : () -> ()
    return
  }
}

#map = affine_map<(d0, d1) -> (0)>
#map1 = affine_map<(d0, d1) -> (0, 0)>
#map2 = affine_map<(d0, d1) -> (0, 0, 0)>
module attributes {stable_mosaic.version = 14 : i64} {
  func.func @_edge_body(%arg0: i32, %arg1: i32, %arg2: memref<321536xi32, #tpu.memory_space<hbm>>, %arg3: memref<2512x128xi32, #tpu.memory_space<hbm>>, %arg4: memref<10000x128xf32, #tpu.memory_space<hbm>>, %arg5: memref<2x10000x128xf32, #tpu.memory_space<hbm>>, %arg6: memref<5120xi32, #tpu.memory_space<vmem>>, %arg7: memref<88x128xi32, #tpu.memory_space<vmem>>, %arg8: memref<2x128x128xf32, #tpu.memory_space<vmem>>, %arg9: memref<10000x128xf32, #tpu.memory_space<vmem_shared>>, %arg10: memref<!tpu.dma_semaphore, #tpu.memory_space<semaphore_mem>>, %arg11: memref<!tpu.dma_semaphore, #tpu.memory_space<semaphore_mem>>, %arg12: memref<!tpu.dma_semaphore, #tpu.memory_space<semaphore_mem>>, %arg13: memref<!tpu.dma_semaphore, #tpu.memory_space<semaphore_mem>>, %arg14: memref<!tpu.dma_semaphore, #tpu.memory_space<semaphore_mem>>) attributes {dimension_semantics = [#tpu.dimension_semantics<core_parallel>, #tpu.dimension_semantics<subcore_parallel>], iteration_bounds = array<i64: 2, 16>, scalar_prefetch = 0 : i64, scratch_operands = 9 : i64, tpu.core_type = #tpu.core_type<sc_vector_subcore>, window_params = [{transform_indices = #map}, {transform_indices = #map1}, {transform_indices = #map1}, {transform_indices = #map2}]} {
    %mul3A = arith.constant 16 : i32
    %mul3A_0 = arith.muli %arg0, %mul3A : i32
    %add3A = arith.addi %mul3A_0, %arg1 : i32
    %scan3A = arith.constant 0 : i32
    %scan3A_1 = arith.constant 0 : i32
    %scan3A_2 = arith.constant 16 : i32
    %scan3A_3 = arith.addi %scan3A_1, %scan3A_2 : i32
    %scan3A_4 = arith.constant 1 : i32
    %scan3A_5 = scf.for %scan3A_126 = %scan3A_1 to %scan3A_3 step %scan3A_4 iter_args(%scan3A_127 = %scan3A) -> (i32)  : i32 {
      %broadcast_in_dim3A = arith.constant 0.000000e+00 : f32
      %broadcast_in_dim3A_128 = vector.broadcast %broadcast_in_dim3A : f32 to vector<16xf32>
      %swap3A = arith.constant 0 : i32
      %swap3A_129 = arith.index_cast %swap3A : i32 to index
      %swap3A_130 = arith.index_cast %scan3A_126 : i32 to index
      %swap3A_131 = arith.constant 0 : index
      %swap3A_132 = tpu.vector_load %arg8[%swap3A_129, %swap3A_130, %swap3A_131] {strides = array<i32>} : memref<2x128x128xf32, #tpu.memory_space<vmem>>, vector<16xf32>,
      tpu.vector_store %arg8[%swap3A_129, %swap3A_130, %swap3A_131], %broadcast_in_dim3A_128 {strides = array<i32>} : memref<2x128x128xf32, #tpu.memory_space<vmem>>, vector<16xf32>,
      %broadcast_in_dim3A_133 = arith.constant 0.000000e+00 : f32
      %broadcast_in_dim3A_134 = vector.broadcast %broadcast_in_dim3A_133 : f32 to vector<16xf32>
      %swap3A_135 = arith.constant 0 : i32
      %swap3A_136 = arith.index_cast %swap3A_135 : i32 to index
      %swap3A_137 = arith.index_cast %scan3A_126 : i32 to index
      %swap3A_138 = arith.constant 16 : index
      %swap3A_139 = tpu.vector_load %arg8[%swap3A_136, %swap3A_137, %swap3A_138] {strides = array<i32>} : memref<2x128x128xf32, #tpu.memory_space<vmem>>, vector<16xf32>,
      tpu.vector_store %arg8[%swap3A_136, %swap3A_137, %swap3A_138], %broadcast_in_dim3A_134 {strides = array<i32>} : memref<2x128x128xf32, #tpu.memory_space<vmem>>, vector<16xf32>,
      %broadcast_in_dim3A_140 = arith.constant 0.000000e+00 : f32
      %broadcast_in_dim3A_141 = vector.broadcast %broadcast_in_dim3A_140 : f32 to vector<16xf32>
      %swap3A_142 = arith.constant 0 : i32
      %swap3A_143 = arith.index_cast %swap3A_142 : i32 to index
      %swap3A_144 = arith.index_cast %scan3A_126 : i32 to index
      %swap3A_145 = arith.constant 32 : index
      %swap3A_146 = tpu.vector_load %arg8[%swap3A_143, %swap3A_144, %swap3A_145] {strides = array<i32>} : memref<2x128x128xf32, #tpu.memory_space<vmem>>, vector<16xf32>,
      tpu.vector_store %arg8[%swap3A_143, %swap3A_144, %swap3A_145], %broadcast_in_dim3A_141 {strides = array<i32>} : memref<2x128x128xf32, #tpu.memory_space<vmem>>, vector<16xf32>,
      %broadcast_in_dim3A_147 = arith.constant 0.000000e+00 : f32
      %broadcast_in_dim3A_148 = vector.broadcast %broadcast_in_dim3A_147 : f32 to vector<16xf32>
      %swap3A_149 = arith.constant 0 : i32
      %swap3A_150 = arith.index_cast %swap3A_149 : i32 to index
      %swap3A_151 = arith.index_cast %scan3A_126 : i32 to index
      %swap3A_152 = arith.constant 48 : index
      %swap3A_153 = tpu.vector_load %arg8[%swap3A_150, %swap3A_151, %swap3A_152] {strides = array<i32>} : memref<2x128x128xf32, #tpu.memory_space<vmem>>, vector<16xf32>,
      tpu.vector_store %arg8[%swap3A_150, %swap3A_151, %swap3A_152], %broadcast_in_dim3A_148 {strides = array<i32>} : memref<2x128x128xf32, #tpu.memory_space<vmem>>, vector<16xf32>,
      %broadcast_in_dim3A_154 = arith.constant 0.000000e+00 : f32
      %broadcast_in_dim3A_155 = vector.broadcast %broadcast_in_dim3A_154 : f32 to vector<16xf32>
      %swap3A_156 = arith.constant 0 : i32
      %swap3A_157 = arith.index_cast %swap3A_156 : i32 to index
      %swap3A_158 = arith.index_cast %scan3A_126 : i32 to index
      %swap3A_159 = arith.constant 64 : index
      %swap3A_160 = tpu.vector_load %arg8[%swap3A_157, %swap3A_158, %swap3A_159] {strides = array<i32>} : memref<2x128x128xf32, #tpu.memory_space<vmem>>, vector<16xf32>,
      tpu.vector_store %arg8[%swap3A_157, %swap3A_158, %swap3A_159], %broadcast_in_dim3A_155 {strides = array<i32>} : memref<2x128x128xf32, #tpu.memory_space<vmem>>, vector<16xf32>,
      %broadcast_in_dim3A_161 = arith.constant 0.000000e+00 : f32
      %broadcast_in_dim3A_162 = vector.broadcast %broadcast_in_dim3A_161 : f32 to vector<16xf32>
      %swap3A_163 = arith.constant 0 : i32
      %swap3A_164 = arith.index_cast %swap3A_163 : i32 to index
      %swap3A_165 = arith.index_cast %scan3A_126 : i32 to index
      %swap3A_166 = arith.constant 80 : index
      %swap3A_167 = tpu.vector_load %arg8[%swap3A_164, %swap3A_165, %swap3A_166] {strides = array<i32>} : memref<2x128x128xf32, #tpu.memory_space<vmem>>, vector<16xf32>,
      tpu.vector_store %arg8[%swap3A_164, %swap3A_165, %swap3A_166], %broadcast_in_dim3A_162 {strides = array<i32>} : memref<2x128x128xf32, #tpu.memory_space<vmem>>, vector<16xf32>,
      %broadcast_in_dim3A_168 = arith.constant 0.000000e+00 : f32
      %broadcast_in_dim3A_169 = vector.broadcast %broadcast_in_dim3A_168 : f32 to vector<16xf32>
      %swap3A_170 = arith.constant 0 : i32
      %swap3A_171 = arith.index_cast %swap3A_170 : i32 to index
      %swap3A_172 = arith.index_cast %scan3A_126 : i32 to index
      %swap3A_173 = arith.constant 96 : index
      %swap3A_174 = tpu.vector_load %arg8[%swap3A_171, %swap3A_172, %swap3A_173] {strides = array<i32>} : memref<2x128x128xf32, #tpu.memory_space<vmem>>, vector<16xf32>,
      tpu.vector_store %arg8[%swap3A_171, %swap3A_172, %swap3A_173], %broadcast_in_dim3A_169 {strides = array<i32>} : memref<2x128x128xf32, #tpu.memory_space<vmem>>, vector<16xf32>,
      %broadcast_in_dim3A_175 = arith.constant 0.000000e+00 : f32
      %broadcast_in_dim3A_176 = vector.broadcast %broadcast_in_dim3A_175 : f32 to vector<16xf32>
      %swap3A_177 = arith.constant 0 : i32
      %swap3A_178 = arith.index_cast %swap3A_177 : i32 to index
      %swap3A_179 = arith.index_cast %scan3A_126 : i32 to index
      %swap3A_180 = arith.constant 112 : index
      %swap3A_181 = tpu.vector_load %arg8[%swap3A_178, %swap3A_179, %swap3A_180] {strides = array<i32>} : memref<2x128x128xf32, #tpu.memory_space<vmem>>, vector<16xf32>,
      tpu.vector_store %arg8[%swap3A_178, %swap3A_179, %swap3A_180], %broadcast_in_dim3A_176 {strides = array<i32>} : memref<2x128x128xf32, #tpu.memory_space<vmem>>, vector<16xf32>,
      %scan3A_182 = arith.constant 0 : i32
      scf.yield %scan3A_182 : i32
    }
    %scan3A_6 = arith.constant 16 : i32
    %mul3A_7 = arith.constant 624 : i32
    %mul3A_8 = arith.muli %arg1, %mul3A_7 : i32
    %eq3A = arith.constant 15 : i32
    %eq3A_9 = arith.cmpi eq, %arg1, %eq3A : i32
    %jit3A = arith.constant 40 : i32
    %jit3A_10 = arith.constant 39 : i32
    %select_n3A = arith.select %eq3A_9, %jit3A, %jit3A_10 : i32
    %while3A = arith.constant 0 : i32
    %while3A_11 = arith.constant 0 : i32
    %while3A_12 = arith.subi %select_n3A, %while3A : i32
    %while3A_13 = arith.addi %while3A, %while3A_12 : i32
    %while3A_14 = arith.constant 1 : i32
    %while3A_15 = arith.divsi %while3A_12, %while3A_14 : i32
    %while3A_16 = arith.muli %while3A_15, %while3A_14 : i32
    %while3A_17 = arith.addi %while3A, %while3A_16 : i32
    %while3A_18 = arith.constant 1 : i32
    %while3A_19 = scf.for %while3A_126 = %while3A to %while3A_17 step %while3A_18 iter_args(%while3A_127 = %while3A_11) -> (i32)  : i32 {
      %mul3A_128 = arith.constant 16 : i32
      %mul3A_129 = arith.muli %while3A_126, %mul3A_128 : i32
      %add3A_130 = arith.addi %mul3A_8, %mul3A_129 : i32
      %dma_start3A = arith.constant 0 : i32
      %dma_start3A_131 = arith.constant 0 : i32
      %dma_start3A_132 = arith.constant 0 : i32
      %dma_start3A_133 = tpu.memref_slice %arg8[%dma_start3A, %dma_start3A_131, %dma_start3A_132] : memref<2x128x128xf32, #tpu.memory_space<vmem>> -> memref<1x16x128xf32, #tpu.memory_space<vmem>>
      %dma_start3A_134 = tpu.memref_squeeze %dma_start3A_133 : memref<1x16x128xf32, #tpu.memory_space<vmem>> -> memref<16x128xf32, #tpu.memory_space<vmem>>
      %dma_start3A_135 = arith.constant 0 : i32
      %dma_start3A_136 = tpu.memref_slice %arg9[%add3A_130, %dma_start3A_135] : memref<10000x128xf32, #tpu.memory_space<vmem_shared>> -> memref<16x128xf32, #tpu.memory_space<vmem_shared>>
      %dma_start3A_137 = arith.constant 0 : i32
      %dma_start3A_138 = tpu.memref_slice %arg9[%add3A_130, %dma_start3A_137] : memref<10000x128xf32, #tpu.memory_space<vmem_shared>> -> memref<16x128xf32, #tpu.memory_space<vmem_shared>>
      %dma_start3A_139 = arith.constant 0 : i32
      %dma_start3A_140 = arith.constant 0 : i32
      %dma_start3A_141 = tpu.memref_slice %arg8[%dma_start3A, %dma_start3A_139, %dma_start3A_140] : memref<2x128x128xf32, #tpu.memory_space<vmem>> -> memref<1x16x128xf32, #tpu.memory_space<vmem>>
      %dma_start3A_142 = tpu.memref_squeeze %dma_start3A_141 : memref<1x16x128xf32, #tpu.memory_space<vmem>> -> memref<16x128xf32, #tpu.memory_space<vmem>>
      tpu.enqueue_dma source(%dma_start3A_142 : memref<16x128xf32, #tpu.memory_space<vmem>>) target(%dma_start3A_138 : memref<16x128xf32, #tpu.memory_space<vmem_shared>>) target_semaphore(%arg14 : memref<!tpu.dma_semaphore, #tpu.memory_space<semaphore_mem>>)
      %while3A_143 = arith.constant 0 : i32
      scf.yield %while3A_143 : i32
    }
    %while3A_20 = arith.constant 1 : i32
    %while3A_21 = scf.for %while3A_126 = %while3A_17 to %while3A_13 step %while3A_20 iter_args(%while3A_127 = %while3A_19) -> (i32)  : i32 {
      %mul3A_128 = arith.constant 16 : i32
      %mul3A_129 = arith.muli %while3A_126, %mul3A_128 : i32
      %add3A_130 = arith.addi %mul3A_8, %mul3A_129 : i32
      %dma_start3A = arith.constant 0 : i32
      %dma_start3A_131 = arith.constant 0 : i32
      %dma_start3A_132 = arith.constant 0 : i32
      %dma_start3A_133 = tpu.memref_slice %arg8[%dma_start3A, %dma_start3A_131, %dma_start3A_132] : memref<2x128x128xf32, #tpu.memory_space<vmem>> -> memref<1x16x128xf32, #tpu.memory_space<vmem>>
      %dma_start3A_134 = tpu.memref_squeeze %dma_start3A_133 : memref<1x16x128xf32, #tpu.memory_space<vmem>> -> memref<16x128xf32, #tpu.memory_space<vmem>>
      %dma_start3A_135 = arith.constant 0 : i32
      %dma_start3A_136 = tpu.memref_slice %arg9[%add3A_130, %dma_start3A_135] : memref<10000x128xf32, #tpu.memory_space<vmem_shared>> -> memref<16x128xf32, #tpu.memory_space<vmem_shared>>
      %dma_start3A_137 = arith.constant 0 : i32
      %dma_start3A_138 = tpu.memref_slice %arg9[%add3A_130, %dma_start3A_137] : memref<10000x128xf32, #tpu.memory_space<vmem_shared>> -> memref<16x128xf32, #tpu.memory_space<vmem_shared>>
      %dma_start3A_139 = arith.constant 0 : i32
      %dma_start3A_140 = arith.constant 0 : i32
      %dma_start3A_141 = tpu.memref_slice %arg8[%dma_start3A, %dma_start3A_139, %dma_start3A_140] : memref<2x128x128xf32, #tpu.memory_space<vmem>> -> memref<1x16x128xf32, #tpu.memory_space<vmem>>
      %dma_start3A_142 = tpu.memref_squeeze %dma_start3A_141 : memref<1x16x128xf32, #tpu.memory_space<vmem>> -> memref<16x128xf32, #tpu.memory_space<vmem>>
      tpu.enqueue_dma source(%dma_start3A_142 : memref<16x128xf32, #tpu.memory_space<vmem>>) target(%dma_start3A_138 : memref<16x128xf32, #tpu.memory_space<vmem_shared>>) target_semaphore(%arg14 : memref<!tpu.dma_semaphore, #tpu.memory_space<semaphore_mem>>)
      %while3A_143 = arith.constant 0 : i32
      scf.yield %while3A_143 : i32
    }
    %while3A_22 = arith.constant 0 : i32
    %while3A_23 = arith.constant 0 : i32
    %while3A_24 = arith.subi %select_n3A, %while3A_22 : i32
    %while3A_25 = arith.addi %while3A_22, %while3A_24 : i32
    %while3A_26 = arith.constant 1 : i32
    %while3A_27 = arith.divsi %while3A_24, %while3A_26 : i32
    %while3A_28 = arith.muli %while3A_27, %while3A_26 : i32
    %while3A_29 = arith.addi %while3A_22, %while3A_28 : i32
    %while3A_30 = arith.constant 1 : i32
    %while3A_31 = scf.for %while3A_126 = %while3A_22 to %while3A_29 step %while3A_30 iter_args(%while3A_127 = %while3A_23) -> (i32)  : i32 {
      %mul3A_128 = arith.constant 16 : i32
      %mul3A_129 = arith.muli %while3A_126, %mul3A_128 : i32
      %add3A_130 = arith.addi %mul3A_8, %mul3A_129 : i32
      %dma_wait3A_131 = arith.constant 0 : i32
      %dma_wait3A_132 = arith.constant 0 : i32
      %dma_wait3A_133 = arith.constant 0 : i32
      %dma_wait3A_134 = tpu.memref_slice %arg8[%dma_wait3A_131, %dma_wait3A_132, %dma_wait3A_133] : memref<2x128x128xf32, #tpu.memory_space<vmem>> -> memref<1x16x128xf32, #tpu.memory_space<vmem>>
      %dma_wait3A_135 = tpu.memref_squeeze %dma_wait3A_134 : memref<1x16x128xf32, #tpu.memory_space<vmem>> -> memref<16x128xf32, #tpu.memory_space<vmem>>
      %dma_wait3A_136 = arith.constant 0 : i32
      %dma_wait3A_137 = tpu.memref_slice %arg9[%add3A_130, %dma_wait3A_136] : memref<10000x128xf32, #tpu.memory_space<vmem_shared>> -> memref<16x128xf32, #tpu.memory_space<vmem_shared>>
      %dma_wait3A_138 = arith.constant 0 : i32
      %dma_wait3A_139 = tpu.memref_slice %arg9[%add3A_130, %dma_wait3A_138] : memref<10000x128xf32, #tpu.memory_space<vmem_shared>> -> memref<16x128xf32, #tpu.memory_space<vmem_shared>>
      %dma_wait3A_140 = arith.constant 0 : i32
      %dma_wait3A_141 = arith.constant 0 : i32
      %dma_wait3A_142 = tpu.memref_slice %arg8[%dma_wait3A_131, %dma_wait3A_140, %dma_wait3A_141] : memref<2x128x128xf32, #tpu.memory_space<vmem>> -> memref<1x16x128xf32, #tpu.memory_space<vmem>>
      %dma_wait3A_143 = tpu.memref_squeeze %dma_wait3A_142 : memref<1x16x128xf32, #tpu.memory_space<vmem>> -> memref<16x128xf32, #tpu.memory_space<vmem>>
      tpu.wait_dma2 semaphore(%arg14 : memref<!tpu.dma_semaphore, #tpu.memory_space<semaphore_mem>>) src(%dma_wait3A_143 : memref<16x128xf32, #tpu.memory_space<vmem>>) dst(%dma_wait3A_139 : memref<16x128xf32, #tpu.memory_space<vmem_shared>>)
      %while3A_144 = arith.constant 0 : i32
      scf.yield %while3A_144 : i32
    }
    %while3A_32 = arith.constant 1 : i32
    %while3A_33 = scf.for %while3A_126 = %while3A_29 to %while3A_25 step %while3A_32 iter_args(%while3A_127 = %while3A_31) -> (i32)  : i32 {
      %mul3A_128 = arith.constant 16 : i32
      %mul3A_129 = arith.muli %while3A_126, %mul3A_128 : i32
      %add3A_130 = arith.addi %mul3A_8, %mul3A_129 : i32
      %dma_wait3A_131 = arith.constant 0 : i32
      %dma_wait3A_132 = arith.constant 0 : i32
      %dma_wait3A_133 = arith.constant 0 : i32
      %dma_wait3A_134 = tpu.memref_slice %arg8[%dma_wait3A_131, %dma_wait3A_132, %dma_wait3A_133] : memref<2x128x128xf32, #tpu.memory_space<vmem>> -> memref<1x16x128xf32, #tpu.memory_space<vmem>>
      %dma_wait3A_135 = tpu.memref_squeeze %dma_wait3A_134 : memref<1x16x128xf32, #tpu.memory_space<vmem>> -> memref<16x128xf32, #tpu.memory_space<vmem>>
      %dma_wait3A_136 = arith.constant 0 : i32
      %dma_wait3A_137 = tpu.memref_slice %arg9[%add3A_130, %dma_wait3A_136] : memref<10000x128xf32, #tpu.memory_space<vmem_shared>> -> memref<16x128xf32, #tpu.memory_space<vmem_shared>>
      %dma_wait3A_138 = arith.constant 0 : i32
      %dma_wait3A_139 = tpu.memref_slice %arg9[%add3A_130, %dma_wait3A_138] : memref<10000x128xf32, #tpu.memory_space<vmem_shared>> -> memref<16x128xf32, #tpu.memory_space<vmem_shared>>
      %dma_wait3A_140 = arith.constant 0 : i32
      %dma_wait3A_141 = arith.constant 0 : i32
      %dma_wait3A_142 = tpu.memref_slice %arg8[%dma_wait3A_131, %dma_wait3A_140, %dma_wait3A_141] : memref<2x128x128xf32, #tpu.memory_space<vmem>> -> memref<1x16x128xf32, #tpu.memory_space<vmem>>
      %dma_wait3A_143 = tpu.memref_squeeze %dma_wait3A_142 : memref<1x16x128xf32, #tpu.memory_space<vmem>> -> memref<16x128xf32, #tpu.memory_space<vmem>>
      tpu.wait_dma2 semaphore(%arg14 : memref<!tpu.dma_semaphore, #tpu.memory_space<semaphore_mem>>) src(%dma_wait3A_143 : memref<16x128xf32, #tpu.memory_space<vmem>>) dst(%dma_wait3A_139 : memref<16x128xf32, #tpu.memory_space<vmem_shared>>)
      %while3A_144 = arith.constant 0 : i32
      scf.yield %while3A_144 : i32
    }
    %mul3A_34 = arith.constant 76 : i32
    %mul3A_35 = arith.muli %add3A, %mul3A_34 : i32
    %min3A = arith.constant 17 : i32
    %min3A_36 = arith.minsi %add3A, %min3A : i32
    %mul3A_37 = arith.constant 4 : i32
    %mul3A_38 = arith.muli %mul3A_37, %min3A_36 : i32
    %add3A_39 = arith.addi %mul3A_35, %mul3A_38 : i32
    %jit3A_40 = arith.constant 8 : i32
    %div3A = arith.divsi %add3A_39, %jit3A_40 : i32
    %sign3A = arith.constant 0 : i32
    %sign3A_41 = arith.cmpi sgt, %add3A_39, %sign3A : i32
    %sign3A_42 = arith.extui %sign3A_41 : i1 to i32
    %sign3A_43 = arith.constant 0 : i32
    %sign3A_44 = arith.cmpi slt, %add3A_39, %sign3A_43 : i32
    %sign3A_45 = arith.extui %sign3A_44 : i1 to i32
    %sign3A_46 = arith.subi %sign3A_42, %sign3A_45 : i32
    %sign3A_47 = arith.constant 0 : i32
    %sign3A_48 = arith.cmpi sgt, %jit3A_40, %sign3A_47 : i32
    %sign3A_49 = arith.extui %sign3A_48 : i1 to i32
    %sign3A_50 = arith.constant 0 : i32
    %sign3A_51 = arith.cmpi slt, %jit3A_40, %sign3A_50 : i32
    %sign3A_52 = arith.extui %sign3A_51 : i1 to i32
    %sign3A_53 = arith.subi %sign3A_49, %sign3A_52 : i32
    %ne3A = arith.cmpi ne, %sign3A_46, %sign3A_53 : i32
    %rem3A = arith.remsi %add3A_39, %jit3A_40 : i32
    %ne3A_54 = arith.constant 0 : i32
    %ne3A_55 = arith.cmpi ne, %rem3A, %ne3A_54 : i32
    %and3A = arith.andi %ne3A, %ne3A_55 : i1
    %sub3A = arith.constant 1 : i32
    %sub3A_56 = arith.subi %div3A, %sub3A : i32
    %select_n3A_57 = arith.select %and3A, %sub3A_56, %div3A : i32
    %mul3A_58 = arith.constant 8 : i32
    %mul3A_59 = arith.muli %select_n3A_57, %mul3A_58 : i32
    %sub3A_60 = arith.subi %add3A_39, %mul3A_59 : i32
    %mul3A_61 = arith.constant 128 : i32
    %mul3A_62 = arith.muli %add3A_39, %mul3A_61 : i32
    "tpu.region"() ({
      %run_scoped3A = tpu.sem_alloc : memref<!tpu.dma_semaphore, #tpu.memory_space<semaphore_mem>>
      %dma_start3A = tpu.memref_slice %arg2[%mul3A_62] : memref<321536xi32, #tpu.memory_space<hbm>> -> memref<5120xi32, #tpu.memory_space<hbm>>
      %dma_start3A_126 = tpu.memref_slice %arg2[%mul3A_62] : memref<321536xi32, #tpu.memory_space<hbm>> -> memref<5120xi32, #tpu.memory_space<hbm>>
      tpu.enqueue_dma source(%dma_start3A_126 : memref<5120xi32, #tpu.memory_space<hbm>>) target(%arg6 : memref<5120xi32, #tpu.memory_space<vmem>>) target_semaphore(%run_scoped3A : memref<!tpu.dma_semaphore, #tpu.memory_space<semaphore_mem>>)
      %dma_wait3A_127 = tpu.memref_slice %arg2[%mul3A_62] : memref<321536xi32, #tpu.memory_space<hbm>> -> memref<5120xi32, #tpu.memory_space<hbm>>
      %dma_wait3A_128 = tpu.memref_slice %arg2[%mul3A_62] : memref<321536xi32, #tpu.memory_space<hbm>> -> memref<5120xi32, #tpu.memory_space<hbm>>
      tpu.wait_dma2 semaphore(%run_scoped3A : memref<!tpu.dma_semaphore, #tpu.memory_space<semaphore_mem>>) src(%dma_wait3A_128 : memref<5120xi32, #tpu.memory_space<hbm>>) dst(%arg6 : memref<5120xi32, #tpu.memory_space<vmem>>)
      tpu.yield
    }) : () -> ()
    "tpu.region"() ({
      %run_scoped3A = tpu.sem_alloc : memref<!tpu.dma_semaphore, #tpu.memory_space<semaphore_mem>>
      %dma_start3A = arith.constant 0 : i32
      %dma_start3A_126 = tpu.memref_slice %arg3[%mul3A_59, %dma_start3A] : memref<2512x128xi32, #tpu.memory_space<hbm>> -> memref<88x128xi32, #tpu.memory_space<hbm>>
      %dma_start3A_127 = arith.constant 0 : i32
      %dma_start3A_128 = tpu.memref_slice %arg3[%mul3A_59, %dma_start3A_127] : memref<2512x128xi32, #tpu.memory_space<hbm>> -> memref<88x128xi32, #tpu.memory_space<hbm>>
      tpu.enqueue_dma source(%dma_start3A_128 : memref<88x128xi32, #tpu.memory_space<hbm>>) target(%arg7 : memref<88x128xi32, #tpu.memory_space<vmem>>) target_semaphore(%run_scoped3A : memref<!tpu.dma_semaphore, #tpu.memory_space<semaphore_mem>>)
      %dma_wait3A_129 = arith.constant 0 : i32
      %dma_wait3A_130 = tpu.memref_slice %arg3[%mul3A_59, %dma_wait3A_129] : memref<2512x128xi32, #tpu.memory_space<hbm>> -> memref<88x128xi32, #tpu.memory_space<hbm>>
      %dma_wait3A_131 = arith.constant 0 : i32
      %dma_wait3A_132 = tpu.memref_slice %arg3[%mul3A_59, %dma_wait3A_131] : memref<2512x128xi32, #tpu.memory_space<hbm>> -> memref<88x128xi32, #tpu.memory_space<hbm>>
      tpu.wait_dma2 semaphore(%run_scoped3A : memref<!tpu.dma_semaphore, #tpu.memory_space<semaphore_mem>>) src(%dma_wait3A_132 : memref<88x128xi32, #tpu.memory_space<hbm>>) dst(%arg7 : memref<88x128xi32, #tpu.memory_space<vmem>>)
      tpu.yield
    }) : () -> ()
    %barrier3A = arith.constant 0 : index
    tpu.barrier barrier_id(%barrier3A)
    %lt3A = arith.constant 17 : i32
    %lt3A_63 = arith.cmpi slt, %add3A, %lt3A : i32
    %convert_element_type3A = arith.extui %lt3A_63 : i1 to i32
    %mul3A_64 = arith.constant 2 : i32
    %mul3A_65 = arith.muli %mul3A_64, %convert_element_type3A : i32
    %add3A_66 = arith.constant 38 : i32
    %add3A_67 = arith.addi %add3A_66, %mul3A_65 : i32
    %while3A_68 = arith.constant 0 : i32
    %while3A_69 = arith.constant 0 : i32
    %while3A_70 = arith.subi %add3A_67, %while3A_68 : i32
    %while3A_71 = arith.addi %while3A_68, %while3A_70 : i32
    %while3A_72 = arith.constant 1 : i32
    %while3A_73 = arith.divsi %while3A_70, %while3A_72 : i32
    %while3A_74 = arith.muli %while3A_73, %while3A_72 : i32
    %while3A_75 = arith.addi %while3A_68, %while3A_74 : i32
    %while3A_76 = arith.constant 1 : i32
    %while3A_77 = scf.for %while3A_126 = %while3A_68 to %while3A_75 step %while3A_76 iter_args(%while3A_127 = %while3A_69) -> (i32)  : i32 {
      %eq3A_128 = arith.constant 20 : i32
      %eq3A_129 = arith.cmpi eq, %while3A_126, %eq3A_128 : i32
      %convert_element_type3A_130 = arith.extui %eq3A_129 : i1 to i32
      %cond3A = arith.constant 0 : i32
      %cond3A_131 = arith.cmpi ne, %convert_element_type3A_130, %cond3A : i32
      scf.if %cond3A_131 {
        %add3A_225 = arith.constant 40 : i32
        %add3A_226 = arith.addi %add3A_39, %add3A_225 : i32
        %mul3A_227 = arith.constant 128 : i32
        %mul3A_228 = arith.muli %add3A_226, %mul3A_227 : i32
        "tpu.region"() ({
          %run_scoped3A = tpu.sem_alloc : memref<!tpu.dma_semaphore, #tpu.memory_space<semaphore_mem>>
          %dma_start3A_229 = tpu.memref_slice %arg2[%mul3A_228] : memref<321536xi32, #tpu.memory_space<hbm>> -> memref<5120xi32, #tpu.memory_space<hbm>>
          %dma_start3A_230 = tpu.memref_slice %arg2[%mul3A_228] : memref<321536xi32, #tpu.memory_space<hbm>> -> memref<5120xi32, #tpu.memory_space<hbm>>
          tpu.enqueue_dma source(%dma_start3A_230 : memref<5120xi32, #tpu.memory_space<hbm>>) target(%arg6 : memref<5120xi32, #tpu.memory_space<vmem>>) target_semaphore(%run_scoped3A : memref<!tpu.dma_semaphore, #tpu.memory_space<semaphore_mem>>)
          %dma_wait3A_231 = tpu.memref_slice %arg2[%mul3A_228] : memref<321536xi32, #tpu.memory_space<hbm>> -> memref<5120xi32, #tpu.memory_space<hbm>>
          %dma_wait3A_232 = tpu.memref_slice %arg2[%mul3A_228] : memref<321536xi32, #tpu.memory_space<hbm>> -> memref<5120xi32, #tpu.memory_space<hbm>>
          tpu.wait_dma2 semaphore(%run_scoped3A : memref<!tpu.dma_semaphore, #tpu.memory_space<semaphore_mem>>) src(%dma_wait3A_232 : memref<5120xi32, #tpu.memory_space<hbm>>) dst(%arg6 : memref<5120xi32, #tpu.memory_space<vmem>>)
          tpu.yield
        }) : () -> ()
      } else {
      }
      %mul3A_132 = arith.constant 2 : i32
      %mul3A_133 = arith.muli %mul3A_132, %while3A_126 : i32
      %add3A_134 = arith.constant 0 : i32
      %add3A_135 = arith.addi %mul3A_133, %add3A_134 : i32
      %gt3A = arith.constant 0 : i32
      %gt3A_136 = arith.cmpi sgt, %while3A_126, %gt3A : i32
      %convert_element_type3A_137 = arith.extui %gt3A_136 : i1 to i32
      %cond3A_138 = arith.constant 0 : i32
      %cond3A_139 = arith.cmpi ne, %convert_element_type3A_137, %cond3A_138 : i32
      scf.if %cond3A_139 {
        %dma_wait3A_225 = arith.constant 0 : i32
        %dma_wait3A_226 = arith.constant 0 : i32
        %dma_wait3A_227 = arith.constant 0 : i32
        %dma_wait3A_228 = tpu.memref_slice %arg8[%dma_wait3A_225, %dma_wait3A_226, %dma_wait3A_227] : memref<2x128x128xf32, #tpu.memory_space<vmem>> -> memref<1x128x128xf32, #tpu.memory_space<vmem>>
        %dma_wait3A_229 = tpu.memref_squeeze %dma_wait3A_228 : memref<1x128x128xf32, #tpu.memory_space<vmem>> -> memref<128x128xf32, #tpu.memory_space<vmem>>
        %dma_wait3A_230 = arith.constant 0 : i32
        %dma_wait3A_231 = tpu.memref_slice %arg7[%sub3A_60, %dma_wait3A_230] : memref<88x128xi32, #tpu.memory_space<vmem>> -> memref<1x128xi32, #tpu.memory_space<vmem>>
        %dma_wait3A_232 = tpu.memref_squeeze %dma_wait3A_231 : memref<1x128xi32, #tpu.memory_space<vmem>> -> memref<128xi32, #tpu.memory_space<vmem>>
        %dma_wait3A_233 = arith.constant 0 : i32
        %dma_wait3A_234 = arith.constant 0 : i32
        %dma_wait3A_235 = tpu.memref_slice %arg9[%dma_wait3A_233, %dma_wait3A_234] : memref<10000x128xf32, #tpu.memory_space<vmem_shared>> -> memref<10000x128xf32, #tpu.memory_space<vmem_shared>>
        tpu.wait_indirect_dma semaphore(%arg12 : memref<!tpu.dma_semaphore, #tpu.memory_space<semaphore_mem>>) src(%dma_wait3A_229 : memref<128x128xf32, #tpu.memory_space<vmem>>) dst(%dma_wait3A_235 : memref<10000x128xf32, #tpu.memory_space<vmem_shared>>)
      } else {
      }
      %rem3A_140 = arith.constant 40 : i32
      %rem3A_141 = arith.remsi %add3A_135, %rem3A_140 : i32
      %mul3A_142 = arith.constant 128 : i32
      %mul3A_143 = arith.muli %rem3A_141, %mul3A_142 : i32
      %dma_start3A = arith.constant 0 : i32
      %dma_start3A_144 = arith.constant 0 : i32
      %dma_start3A_145 = arith.constant 0 : i32
      %dma_start3A_146 = tpu.memref_slice %arg8[%dma_start3A, %dma_start3A_144, %dma_start3A_145] : memref<2x128x128xf32, #tpu.memory_space<vmem>> -> memref<1x128x128xf32, #tpu.memory_space<vmem>>
      %dma_start3A_147 = tpu.memref_squeeze %dma_start3A_146 : memref<1x128x128xf32, #tpu.memory_space<vmem>> -> memref<128x128xf32, #tpu.memory_space<vmem>>
      %dma_start3A_148 = tpu.memref_slice %arg6[%mul3A_143] : memref<5120xi32, #tpu.memory_space<vmem>> -> memref<128xi32, #tpu.memory_space<vmem>>
      %dma_start3A_149 = arith.constant 0 : i32
      %dma_start3A_150 = arith.constant 0 : i32
      %dma_start3A_151 = tpu.memref_slice %arg4[%dma_start3A_149, %dma_start3A_150] : memref<10000x128xf32, #tpu.memory_space<hbm>> -> memref<10000x128xf32, #tpu.memory_space<hbm>>
      tpu.enqueue_indirect_dma source(%dma_start3A_151 : memref<10000x128xf32, #tpu.memory_space<hbm>>) target(%dma_start3A_147 : memref<128x128xf32, #tpu.memory_space<vmem>>) offsets(%dma_start3A_148 : memref<128xi32, #tpu.memory_space<vmem>>) semaphore(%arg10 : memref<!tpu.dma_semaphore, #tpu.memory_space<semaphore_mem>>)
      %mul3A_152 = arith.constant 2 : i32
      %mul3A_153 = arith.muli %mul3A_152, %while3A_126 : i32
      %add3A_154 = arith.constant 1 : i32
      %add3A_155 = arith.addi %mul3A_153, %add3A_154 : i32
      %gt3A_156 = arith.constant 0 : i32
      %gt3A_157 = arith.cmpi sgt, %while3A_126, %gt3A_156 : i32
      %convert_element_type3A_158 = arith.extui %gt3A_157 : i1 to i32
      %cond3A_159 = arith.constant 0 : i32
      %cond3A_160 = arith.cmpi ne, %convert_element_type3A_158, %cond3A_159 : i32
      scf.if %cond3A_160 {
        %dma_wait3A_225 = arith.constant 1 : i32
        %dma_wait3A_226 = arith.constant 0 : i32
        %dma_wait3A_227 = arith.constant 0 : i32
        %dma_wait3A_228 = tpu.memref_slice %arg8[%dma_wait3A_225, %dma_wait3A_226, %dma_wait3A_227] : memref<2x128x128xf32, #tpu.memory_space<vmem>> -> memref<1x128x128xf32, #tpu.memory_space<vmem>>
        %dma_wait3A_229 = tpu.memref_squeeze %dma_wait3A_228 : memref<1x128x128xf32, #tpu.memory_space<vmem>> -> memref<128x128xf32, #tpu.memory_space<vmem>>
        %dma_wait3A_230 = arith.constant 0 : i32
        %dma_wait3A_231 = tpu.memref_slice %arg7[%sub3A_60, %dma_wait3A_230] : memref<88x128xi32, #tpu.memory_space<vmem>> -> memref<1x128xi32, #tpu.memory_space<vmem>>
        %dma_wait3A_232 = tpu.memref_squeeze %dma_wait3A_231 : memref<1x128xi32, #tpu.memory_space<vmem>> -> memref<128xi32, #tpu.memory_space<vmem>>
        %dma_wait3A_233 = arith.constant 0 : i32
        %dma_wait3A_234 = arith.constant 0 : i32
        %dma_wait3A_235 = tpu.memref_slice %arg9[%dma_wait3A_233, %dma_wait3A_234] : memref<10000x128xf32, #tpu.memory_space<vmem_shared>> -> memref<10000x128xf32, #tpu.memory_space<vmem_shared>>
        tpu.wait_indirect_dma semaphore(%arg13 : memref<!tpu.dma_semaphore, #tpu.memory_space<semaphore_mem>>) src(%dma_wait3A_229 : memref<128x128xf32, #tpu.memory_space<vmem>>) dst(%dma_wait3A_235 : memref<10000x128xf32, #tpu.memory_space<vmem_shared>>)
      } else {
      }
      %rem3A_161 = arith.constant 40 : i32
      %rem3A_162 = arith.remsi %add3A_155, %rem3A_161 : i32
      %mul3A_163 = arith.constant 128 : i32
      %mul3A_164 = arith.muli %rem3A_162, %mul3A_163 : i32
      %dma_start3A_165 = arith.constant 1 : i32
      %dma_start3A_166 = arith.constant 0 : i32
      %dma_start3A_167 = arith.constant 0 : i32
      %dma_start3A_168 = tpu.memref_slice %arg8[%dma_start3A_165, %dma_start3A_166, %dma_start3A_167] : memref<2x128x128xf32, #tpu.memory_space<vmem>> -> memref<1x128x128xf32, #tpu.memory_space<vmem>>
      %dma_start3A_169 = tpu.memref_squeeze %dma_start3A_168 : memref<1x128x128xf32, #tpu.memory_space<vmem>> -> memref<128x128xf32, #tpu.memory_space<vmem>>
      %dma_start3A_170 = tpu.memref_slice %arg6[%mul3A_164] : memref<5120xi32, #tpu.memory_space<vmem>> -> memref<128xi32, #tpu.memory_space<vmem>>
      %dma_start3A_171 = arith.constant 0 : i32
      %dma_start3A_172 = arith.constant 0 : i32
      %dma_start3A_173 = tpu.memref_slice %arg4[%dma_start3A_171, %dma_start3A_172] : memref<10000x128xf32, #tpu.memory_space<hbm>> -> memref<10000x128xf32, #tpu.memory_space<hbm>>
      tpu.enqueue_indirect_dma source(%dma_start3A_173 : memref<10000x128xf32, #tpu.memory_space<hbm>>) target(%dma_start3A_169 : memref<128x128xf32, #tpu.memory_space<vmem>>) offsets(%dma_start3A_170 : memref<128xi32, #tpu.memory_space<vmem>>) semaphore(%arg11 : memref<!tpu.dma_semaphore, #tpu.memory_space<semaphore_mem>>)
      %mul3A_174 = arith.constant 2 : i32
      %mul3A_175 = arith.muli %mul3A_174, %while3A_126 : i32
      %add3A_176 = arith.constant 0 : i32
      %add3A_177 = arith.addi %mul3A_175, %add3A_176 : i32
      %dma_wait3A_178 = arith.constant 0 : i32
      %dma_wait3A_179 = arith.constant 0 : i32
      %dma_wait3A_180 = arith.constant 0 : i32
      %dma_wait3A_181 = tpu.memref_slice %arg8[%dma_wait3A_178, %dma_wait3A_179, %dma_wait3A_180] : memref<2x128x128xf32, #tpu.memory_space<vmem>> -> memref<1x128x128xf32, #tpu.memory_space<vmem>>
      %dma_wait3A_182 = tpu.memref_squeeze %dma_wait3A_181 : memref<1x128x128xf32, #tpu.memory_space<vmem>> -> memref<128x128xf32, #tpu.memory_space<vmem>>
      %dma_wait3A_183 = tpu.memref_slice %arg6[%mul3A_143] : memref<5120xi32, #tpu.memory_space<vmem>> -> memref<128xi32, #tpu.memory_space<vmem>>
      %dma_wait3A_184 = arith.constant 0 : i32
      %dma_wait3A_185 = arith.constant 0 : i32
      %dma_wait3A_186 = tpu.memref_slice %arg4[%dma_wait3A_184, %dma_wait3A_185] : memref<10000x128xf32, #tpu.memory_space<hbm>> -> memref<10000x128xf32, #tpu.memory_space<hbm>>
      tpu.wait_indirect_dma semaphore(%arg10 : memref<!tpu.dma_semaphore, #tpu.memory_space<semaphore_mem>>) src(%dma_wait3A_186 : memref<10000x128xf32, #tpu.memory_space<hbm>>) dst(%dma_wait3A_182 : memref<128x128xf32, #tpu.memory_space<vmem>>)
      %add3A_187 = arith.addi %sub3A_60, %add3A_177 : i32
      %dma_start3A_188 = arith.constant 0 : i32
      %dma_start3A_189 = arith.constant 0 : i32
      %dma_start3A_190 = arith.constant 0 : i32
      %dma_start3A_191 = tpu.memref_slice %arg8[%dma_start3A_188, %dma_start3A_189, %dma_start3A_190] : memref<2x128x128xf32, #tpu.memory_space<vmem>> -> memref<1x128x128xf32, #tpu.memory_space<vmem>>
      %dma_start3A_192 = tpu.memref_squeeze %dma_start3A_191 : memref<1x128x128xf32, #tpu.memory_space<vmem>> -> memref<128x128xf32, #tpu.memory_space<vmem>>
      %dma_start3A_193 = arith.constant 0 : i32
      %dma_start3A_194 = tpu.memref_slice %arg7[%add3A_187, %dma_start3A_193] : memref<88x128xi32, #tpu.memory_space<vmem>> -> memref<1x128xi32, #tpu.memory_space<vmem>>
      %dma_start3A_195 = tpu.memref_squeeze %dma_start3A_194 : memref<1x128xi32, #tpu.memory_space<vmem>> -> memref<128xi32, #tpu.memory_space<vmem>>
      %dma_start3A_196 = arith.constant 0 : i32
      %dma_start3A_197 = arith.constant 0 : i32
      %dma_start3A_198 = tpu.memref_slice %arg9[%dma_start3A_196, %dma_start3A_197] : memref<10000x128xf32, #tpu.memory_space<vmem_shared>> -> memref<10000x128xf32, #tpu.memory_space<vmem_shared>>
      tpu.enqueue_indirect_dma source(%dma_start3A_192 : memref<128x128xf32, #tpu.memory_space<vmem>>) target(%dma_start3A_198 : memref<10000x128xf32, #tpu.memory_space<vmem_shared>>) offsets(%dma_start3A_195 : memref<128xi32, #tpu.memory_space<vmem>>) semaphore(%arg12 : memref<!tpu.dma_semaphore, #tpu.memory_space<semaphore_mem>>) {add = true}
      %mul3A_199 = arith.constant 2 : i32
      %mul3A_200 = arith.muli %mul3A_199, %while3A_126 : i32
      %add3A_201 = arith.constant 1 : i32
      %add3A_202 = arith.addi %mul3A_200, %add3A_201 : i32
      %dma_wait3A_203 = arith.constant 1 : i32
      %dma_wait3A_204 = arith.constant 0 : i32
      %dma_wait3A_205 = arith.constant 0 : i32
      %dma_wait3A_206 = tpu.memref_slice %arg8[%dma_wait3A_203, %dma_wait3A_204, %dma_wait3A_205] : memref<2x128x128xf32, #tpu.memory_space<vmem>> -> memref<1x128x128xf32, #tpu.memory_space<vmem>>
      %dma_wait3A_207 = tpu.memref_squeeze %dma_wait3A_206 : memref<1x128x128xf32, #tpu.memory_space<vmem>> -> memref<128x128xf32, #tpu.memory_space<vmem>>
      %dma_wait3A_208 = tpu.memref_slice %arg6[%mul3A_164] : memref<5120xi32, #tpu.memory_space<vmem>> -> memref<128xi32, #tpu.memory_space<vmem>>
      %dma_wait3A_209 = arith.constant 0 : i32
      %dma_wait3A_210 = arith.constant 0 : i32
      %dma_wait3A_211 = tpu.memref_slice %arg4[%dma_wait3A_209, %dma_wait3A_210] : memref<10000x128xf32, #tpu.memory_space<hbm>> -> memref<10000x128xf32, #tpu.memory_space<hbm>>
      tpu.wait_indirect_dma semaphore(%arg11 : memref<!tpu.dma_semaphore, #tpu.memory_space<semaphore_mem>>) src(%dma_wait3A_211 : memref<10000x128xf32, #tpu.memory_space<hbm>>) dst(%dma_wait3A_207 : memref<128x128xf32, #tpu.memory_space<vmem>>)
      %add3A_212 = arith.addi %sub3A_60, %add3A_202 : i32
      %dma_start3A_213 = arith.constant 1 : i32
      %dma_start3A_214 = arith.constant 0 : i32
      %dma_start3A_215 = arith.constant 0 : i32
      %dma_start3A_216 = tpu.memref_slice %arg8[%dma_start3A_213, %dma_start3A_214, %dma_start3A_215] : memref<2x128x128xf32, #tpu.memory_space<vmem>> -> memref<1x128x128xf32, #tpu.memory_space<vmem>>
      %dma_start3A_217 = tpu.memref_squeeze %dma_start3A_216 : memref<1x128x128xf32, #tpu.memory_space<vmem>> -> memref<128x128xf32, #tpu.memory_space<vmem>>
      %dma_start3A_218 = arith.constant 0 : i32
      %dma_start3A_219 = tpu.memref_slice %arg7[%add3A_212, %dma_start3A_218] : memref<88x128xi32, #tpu.memory_space<vmem>> -> memref<1x128xi32, #tpu.memory_space<vmem>>
      %dma_start3A_220 = tpu.memref_squeeze %dma_start3A_219 : memref<1x128xi32, #tpu.memory_space<vmem>> -> memref<128xi32, #tpu.memory_space<vmem>>
      %dma_start3A_221 = arith.constant 0 : i32
      %dma_start3A_222 = arith.constant 0 : i32
      %dma_start3A_223 = tpu.memref_slice %arg9[%dma_start3A_221, %dma_start3A_222] : memref<10000x128xf32, #tpu.memory_space<vmem_shared>> -> memref<10000x128xf32, #tpu.memory_space<vmem_shared>>
      tpu.enqueue_indirect_dma source(%dma_start3A_217 : memref<128x128xf32, #tpu.memory_space<vmem>>) target(%dma_start3A_223 : memref<10000x128xf32, #tpu.memory_space<vmem_shared>>) offsets(%dma_start3A_220 : memref<128xi32, #tpu.memory_space<vmem>>) semaphore(%arg13 : memref<!tpu.dma_semaphore, #tpu.memory_space<semaphore_mem>>) {add = true}
      %while3A_224 = arith.constant 0 : i32
      scf.yield %while3A_224 : i32
    }
    %while3A_78 = arith.constant 1 : i32
    %while3A_79 = scf.for %while3A_126 = %while3A_75 to %while3A_71 step %while3A_78 iter_args(%while3A_127 = %while3A_77) -> (i32)  : i32 {
      %eq3A_128 = arith.constant 20 : i32
      %eq3A_129 = arith.cmpi eq, %while3A_126, %eq3A_128 : i32
      %convert_element_type3A_130 = arith.extui %eq3A_129 : i1 to i32
      %cond3A = arith.constant 0 : i32
      %cond3A_131 = arith.cmpi ne, %convert_element_type3A_130, %cond3A : i32
      scf.if %cond3A_131 {
        %add3A_225 = arith.constant 40 : i32
        %add3A_226 = arith.addi %add3A_39, %add3A_225 : i32
        %mul3A_227 = arith.constant 128 : i32
        %mul3A_228 = arith.muli %add3A_226, %mul3A_227 : i32
        "tpu.region"() ({
          %run_scoped3A = tpu.sem_alloc : memref<!tpu.dma_semaphore, #tpu.memory_space<semaphore_mem>>
          %dma_start3A_229 = tpu.memref_slice %arg2[%mul3A_228] : memref<321536xi32, #tpu.memory_space<hbm>> -> memref<5120xi32, #tpu.memory_space<hbm>>
          %dma_start3A_230 = tpu.memref_slice %arg2[%mul3A_228] : memref<321536xi32, #tpu.memory_space<hbm>> -> memref<5120xi32, #tpu.memory_space<hbm>>
          tpu.enqueue_dma source(%dma_start3A_230 : memref<5120xi32, #tpu.memory_space<hbm>>) target(%arg6 : memref<5120xi32, #tpu.memory_space<vmem>>) target_semaphore(%run_scoped3A : memref<!tpu.dma_semaphore, #tpu.memory_space<semaphore_mem>>)
          %dma_wait3A_231 = tpu.memref_slice %arg2[%mul3A_228] : memref<321536xi32, #tpu.memory_space<hbm>> -> memref<5120xi32, #tpu.memory_space<hbm>>
          %dma_wait3A_232 = tpu.memref_slice %arg2[%mul3A_228] : memref<321536xi32, #tpu.memory_space<hbm>> -> memref<5120xi32, #tpu.memory_space<hbm>>
          tpu.wait_dma2 semaphore(%run_scoped3A : memref<!tpu.dma_semaphore, #tpu.memory_space<semaphore_mem>>) src(%dma_wait3A_232 : memref<5120xi32, #tpu.memory_space<hbm>>) dst(%arg6 : memref<5120xi32, #tpu.memory_space<vmem>>)
          tpu.yield
        }) : () -> ()
      } else {
      }
      %mul3A_132 = arith.constant 2 : i32
      %mul3A_133 = arith.muli %mul3A_132, %while3A_126 : i32
      %add3A_134 = arith.constant 0 : i32
      %add3A_135 = arith.addi %mul3A_133, %add3A_134 : i32
      %gt3A = arith.constant 0 : i32
      %gt3A_136 = arith.cmpi sgt, %while3A_126, %gt3A : i32
      %convert_element_type3A_137 = arith.extui %gt3A_136 : i1 to i32
      %cond3A_138 = arith.constant 0 : i32
      %cond3A_139 = arith.cmpi ne, %convert_element_type3A_137, %cond3A_138 : i32
      scf.if %cond3A_139 {
        %dma_wait3A_225 = arith.constant 0 : i32
        %dma_wait3A_226 = arith.constant 0 : i32
        %dma_wait3A_227 = arith.constant 0 : i32
        %dma_wait3A_228 = tpu.memref_slice %arg8[%dma_wait3A_225, %dma_wait3A_226, %dma_wait3A_227] : memref<2x128x128xf32, #tpu.memory_space<vmem>> -> memref<1x128x128xf32, #tpu.memory_space<vmem>>
        %dma_wait3A_229 = tpu.memref_squeeze %dma_wait3A_228 : memref<1x128x128xf32, #tpu.memory_space<vmem>> -> memref<128x128xf32, #tpu.memory_space<vmem>>
        %dma_wait3A_230 = arith.constant 0 : i32
        %dma_wait3A_231 = tpu.memref_slice %arg7[%sub3A_60, %dma_wait3A_230] : memref<88x128xi32, #tpu.memory_space<vmem>> -> memref<1x128xi32, #tpu.memory_space<vmem>>
        %dma_wait3A_232 = tpu.memref_squeeze %dma_wait3A_231 : memref<1x128xi32, #tpu.memory_space<vmem>> -> memref<128xi32, #tpu.memory_space<vmem>>
        %dma_wait3A_233 = arith.constant 0 : i32
        %dma_wait3A_234 = arith.constant 0 : i32
        %dma_wait3A_235 = tpu.memref_slice %arg9[%dma_wait3A_233, %dma_wait3A_234] : memref<10000x128xf32, #tpu.memory_space<vmem_shared>> -> memref<10000x128xf32, #tpu.memory_space<vmem_shared>>
        tpu.wait_indirect_dma semaphore(%arg12 : memref<!tpu.dma_semaphore, #tpu.memory_space<semaphore_mem>>) src(%dma_wait3A_229 : memref<128x128xf32, #tpu.memory_space<vmem>>) dst(%dma_wait3A_235 : memref<10000x128xf32, #tpu.memory_space<vmem_shared>>)
      } else {
      }
      %rem3A_140 = arith.constant 40 : i32
      %rem3A_141 = arith.remsi %add3A_135, %rem3A_140 : i32
      %mul3A_142 = arith.constant 128 : i32
      %mul3A_143 = arith.muli %rem3A_141, %mul3A_142 : i32
      %dma_start3A = arith.constant 0 : i32
      %dma_start3A_144 = arith.constant 0 : i32
      %dma_start3A_145 = arith.constant 0 : i32
      %dma_start3A_146 = tpu.memref_slice %arg8[%dma_start3A, %dma_start3A_144, %dma_start3A_145] : memref<2x128x128xf32, #tpu.memory_space<vmem>> -> memref<1x128x128xf32, #tpu.memory_space<vmem>>
      %dma_start3A_147 = tpu.memref_squeeze %dma_start3A_146 : memref<1x128x128xf32, #tpu.memory_space<vmem>> -> memref<128x128xf32, #tpu.memory_space<vmem>>
      %dma_start3A_148 = tpu.memref_slice %arg6[%mul3A_143] : memref<5120xi32, #tpu.memory_space<vmem>> -> memref<128xi32, #tpu.memory_space<vmem>>
      %dma_start3A_149 = arith.constant 0 : i32
      %dma_start3A_150 = arith.constant 0 : i32
      %dma_start3A_151 = tpu.memref_slice %arg4[%dma_start3A_149, %dma_start3A_150] : memref<10000x128xf32, #tpu.memory_space<hbm>> -> memref<10000x128xf32, #tpu.memory_space<hbm>>
      tpu.enqueue_indirect_dma source(%dma_start3A_151 : memref<10000x128xf32, #tpu.memory_space<hbm>>) target(%dma_start3A_147 : memref<128x128xf32, #tpu.memory_space<vmem>>) offsets(%dma_start3A_148 : memref<128xi32, #tpu.memory_space<vmem>>) semaphore(%arg10 : memref<!tpu.dma_semaphore, #tpu.memory_space<semaphore_mem>>)
      %mul3A_152 = arith.constant 2 : i32
      %mul3A_153 = arith.muli %mul3A_152, %while3A_126 : i32
      %add3A_154 = arith.constant 1 : i32
      %add3A_155 = arith.addi %mul3A_153, %add3A_154 : i32
      %gt3A_156 = arith.constant 0 : i32
      %gt3A_157 = arith.cmpi sgt, %while3A_126, %gt3A_156 : i32
      %convert_element_type3A_158 = arith.extui %gt3A_157 : i1 to i32
      %cond3A_159 = arith.constant 0 : i32
      %cond3A_160 = arith.cmpi ne, %convert_element_type3A_158, %cond3A_159 : i32
      scf.if %cond3A_160 {
        %dma_wait3A_225 = arith.constant 1 : i32
        %dma_wait3A_226 = arith.constant 0 : i32
        %dma_wait3A_227 = arith.constant 0 : i32
        %dma_wait3A_228 = tpu.memref_slice %arg8[%dma_wait3A_225, %dma_wait3A_226, %dma_wait3A_227] : memref<2x128x128xf32, #tpu.memory_space<vmem>> -> memref<1x128x128xf32, #tpu.memory_space<vmem>>
        %dma_wait3A_229 = tpu.memref_squeeze %dma_wait3A_228 : memref<1x128x128xf32, #tpu.memory_space<vmem>> -> memref<128x128xf32, #tpu.memory_space<vmem>>
        %dma_wait3A_230 = arith.constant 0 : i32
        %dma_wait3A_231 = tpu.memref_slice %arg7[%sub3A_60, %dma_wait3A_230] : memref<88x128xi32, #tpu.memory_space<vmem>> -> memref<1x128xi32, #tpu.memory_space<vmem>>
        %dma_wait3A_232 = tpu.memref_squeeze %dma_wait3A_231 : memref<1x128xi32, #tpu.memory_space<vmem>> -> memref<128xi32, #tpu.memory_space<vmem>>
        %dma_wait3A_233 = arith.constant 0 : i32
        %dma_wait3A_234 = arith.constant 0 : i32
        %dma_wait3A_235 = tpu.memref_slice %arg9[%dma_wait3A_233, %dma_wait3A_234] : memref<10000x128xf32, #tpu.memory_space<vmem_shared>> -> memref<10000x128xf32, #tpu.memory_space<vmem_shared>>
        tpu.wait_indirect_dma semaphore(%arg13 : memref<!tpu.dma_semaphore, #tpu.memory_space<semaphore_mem>>) src(%dma_wait3A_229 : memref<128x128xf32, #tpu.memory_space<vmem>>) dst(%dma_wait3A_235 : memref<10000x128xf32, #tpu.memory_space<vmem_shared>>)
      } else {
      }
      %rem3A_161 = arith.constant 40 : i32
      %rem3A_162 = arith.remsi %add3A_155, %rem3A_161 : i32
      %mul3A_163 = arith.constant 128 : i32
      %mul3A_164 = arith.muli %rem3A_162, %mul3A_163 : i32
      %dma_start3A_165 = arith.constant 1 : i32
      %dma_start3A_166 = arith.constant 0 : i32
      %dma_start3A_167 = arith.constant 0 : i32
      %dma_start3A_168 = tpu.memref_slice %arg8[%dma_start3A_165, %dma_start3A_166, %dma_start3A_167] : memref<2x128x128xf32, #tpu.memory_space<vmem>> -> memref<1x128x128xf32, #tpu.memory_space<vmem>>
      %dma_start3A_169 = tpu.memref_squeeze %dma_start3A_168 : memref<1x128x128xf32, #tpu.memory_space<vmem>> -> memref<128x128xf32, #tpu.memory_space<vmem>>
      %dma_start3A_170 = tpu.memref_slice %arg6[%mul3A_164] : memref<5120xi32, #tpu.memory_space<vmem>> -> memref<128xi32, #tpu.memory_space<vmem>>
      %dma_start3A_171 = arith.constant 0 : i32
      %dma_start3A_172 = arith.constant 0 : i32
      %dma_start3A_173 = tpu.memref_slice %arg4[%dma_start3A_171, %dma_start3A_172] : memref<10000x128xf32, #tpu.memory_space<hbm>> -> memref<10000x128xf32, #tpu.memory_space<hbm>>
      tpu.enqueue_indirect_dma source(%dma_start3A_173 : memref<10000x128xf32, #tpu.memory_space<hbm>>) target(%dma_start3A_169 : memref<128x128xf32, #tpu.memory_space<vmem>>) offsets(%dma_start3A_170 : memref<128xi32, #tpu.memory_space<vmem>>) semaphore(%arg11 : memref<!tpu.dma_semaphore, #tpu.memory_space<semaphore_mem>>)
      %mul3A_174 = arith.constant 2 : i32
      %mul3A_175 = arith.muli %mul3A_174, %while3A_126 : i32
      %add3A_176 = arith.constant 0 : i32
      %add3A_177 = arith.addi %mul3A_175, %add3A_176 : i32
      %dma_wait3A_178 = arith.constant 0 : i32
      %dma_wait3A_179 = arith.constant 0 : i32
      %dma_wait3A_180 = arith.constant 0 : i32
      %dma_wait3A_181 = tpu.memref_slice %arg8[%dma_wait3A_178, %dma_wait3A_179, %dma_wait3A_180] : memref<2x128x128xf32, #tpu.memory_space<vmem>> -> memref<1x128x128xf32, #tpu.memory_space<vmem>>
      %dma_wait3A_182 = tpu.memref_squeeze %dma_wait3A_181 : memref<1x128x128xf32, #tpu.memory_space<vmem>> -> memref<128x128xf32, #tpu.memory_space<vmem>>
      %dma_wait3A_183 = tpu.memref_slice %arg6[%mul3A_143] : memref<5120xi32, #tpu.memory_space<vmem>> -> memref<128xi32, #tpu.memory_space<vmem>>
      %dma_wait3A_184 = arith.constant 0 : i32
      %dma_wait3A_185 = arith.constant 0 : i32
      %dma_wait3A_186 = tpu.memref_slice %arg4[%dma_wait3A_184, %dma_wait3A_185] : memref<10000x128xf32, #tpu.memory_space<hbm>> -> memref<10000x128xf32, #tpu.memory_space<hbm>>
      tpu.wait_indirect_dma semaphore(%arg10 : memref<!tpu.dma_semaphore, #tpu.memory_space<semaphore_mem>>) src(%dma_wait3A_186 : memref<10000x128xf32, #tpu.memory_space<hbm>>) dst(%dma_wait3A_182 : memref<128x128xf32, #tpu.memory_space<vmem>>)
      %add3A_187 = arith.addi %sub3A_60, %add3A_177 : i32
      %dma_start3A_188 = arith.constant 0 : i32
      %dma_start3A_189 = arith.constant 0 : i32
      %dma_start3A_190 = arith.constant 0 : i32
      %dma_start3A_191 = tpu.memref_slice %arg8[%dma_start3A_188, %dma_start3A_189, %dma_start3A_190] : memref<2x128x128xf32, #tpu.memory_space<vmem>> -> memref<1x128x128xf32, #tpu.memory_space<vmem>>
      %dma_start3A_192 = tpu.memref_squeeze %dma_start3A_191 : memref<1x128x128xf32, #tpu.memory_space<vmem>> -> memref<128x128xf32, #tpu.memory_space<vmem>>
      %dma_start3A_193 = arith.constant 0 : i32
      %dma_start3A_194 = tpu.memref_slice %arg7[%add3A_187, %dma_start3A_193] : memref<88x128xi32, #tpu.memory_space<vmem>> -> memref<1x128xi32, #tpu.memory_space<vmem>>
      %dma_start3A_195 = tpu.memref_squeeze %dma_start3A_194 : memref<1x128xi32, #tpu.memory_space<vmem>> -> memref<128xi32, #tpu.memory_space<vmem>>
      %dma_start3A_196 = arith.constant 0 : i32
      %dma_start3A_197 = arith.constant 0 : i32
      %dma_start3A_198 = tpu.memref_slice %arg9[%dma_start3A_196, %dma_start3A_197] : memref<10000x128xf32, #tpu.memory_space<vmem_shared>> -> memref<10000x128xf32, #tpu.memory_space<vmem_shared>>
      tpu.enqueue_indirect_dma source(%dma_start3A_192 : memref<128x128xf32, #tpu.memory_space<vmem>>) target(%dma_start3A_198 : memref<10000x128xf32, #tpu.memory_space<vmem_shared>>) offsets(%dma_start3A_195 : memref<128xi32, #tpu.memory_space<vmem>>) semaphore(%arg12 : memref<!tpu.dma_semaphore, #tpu.memory_space<semaphore_mem>>) {add = true}
      %mul3A_199 = arith.constant 2 : i32
      %mul3A_200 = arith.muli %mul3A_199, %while3A_126 : i32
      %add3A_201 = arith.constant 1 : i32
      %add3A_202 = arith.addi %mul3A_200, %add3A_201 : i32
      %dma_wait3A_203 = arith.constant 1 : i32
      %dma_wait3A_204 = arith.constant 0 : i32
      %dma_wait3A_205 = arith.constant 0 : i32
      %dma_wait3A_206 = tpu.memref_slice %arg8[%dma_wait3A_203, %dma_wait3A_204, %dma_wait3A_205] : memref<2x128x128xf32, #tpu.memory_space<vmem>> -> memref<1x128x128xf32, #tpu.memory_space<vmem>>
      %dma_wait3A_207 = tpu.memref_squeeze %dma_wait3A_206 : memref<1x128x128xf32, #tpu.memory_space<vmem>> -> memref<128x128xf32, #tpu.memory_space<vmem>>
      %dma_wait3A_208 = tpu.memref_slice %arg6[%mul3A_164] : memref<5120xi32, #tpu.memory_space<vmem>> -> memref<128xi32, #tpu.memory_space<vmem>>
      %dma_wait3A_209 = arith.constant 0 : i32
      %dma_wait3A_210 = arith.constant 0 : i32
      %dma_wait3A_211 = tpu.memref_slice %arg4[%dma_wait3A_209, %dma_wait3A_210] : memref<10000x128xf32, #tpu.memory_space<hbm>> -> memref<10000x128xf32, #tpu.memory_space<hbm>>
      tpu.wait_indirect_dma semaphore(%arg11 : memref<!tpu.dma_semaphore, #tpu.memory_space<semaphore_mem>>) src(%dma_wait3A_211 : memref<10000x128xf32, #tpu.memory_space<hbm>>) dst(%dma_wait3A_207 : memref<128x128xf32, #tpu.memory_space<vmem>>)
      %add3A_212 = arith.addi %sub3A_60, %add3A_202 : i32
      %dma_start3A_213 = arith.constant 1 : i32
      %dma_start3A_214 = arith.constant 0 : i32
      %dma_start3A_215 = arith.constant 0 : i32
      %dma_start3A_216 = tpu.memref_slice %arg8[%dma_start3A_213, %dma_start3A_214, %dma_start3A_215] : memref<2x128x128xf32, #tpu.memory_space<vmem>> -> memref<1x128x128xf32, #tpu.memory_space<vmem>>
      %dma_start3A_217 = tpu.memref_squeeze %dma_start3A_216 : memref<1x128x128xf32, #tpu.memory_space<vmem>> -> memref<128x128xf32, #tpu.memory_space<vmem>>
      %dma_start3A_218 = arith.constant 0 : i32
      %dma_start3A_219 = tpu.memref_slice %arg7[%add3A_212, %dma_start3A_218] : memref<88x128xi32, #tpu.memory_space<vmem>> -> memref<1x128xi32, #tpu.memory_space<vmem>>
      %dma_start3A_220 = tpu.memref_squeeze %dma_start3A_219 : memref<1x128xi32, #tpu.memory_space<vmem>> -> memref<128xi32, #tpu.memory_space<vmem>>
      %dma_start3A_221 = arith.constant 0 : i32
      %dma_start3A_222 = arith.constant 0 : i32
      %dma_start3A_223 = tpu.memref_slice %arg9[%dma_start3A_221, %dma_start3A_222] : memref<10000x128xf32, #tpu.memory_space<vmem_shared>> -> memref<10000x128xf32, #tpu.memory_space<vmem_shared>>
      tpu.enqueue_indirect_dma source(%dma_start3A_217 : memref<128x128xf32, #tpu.memory_space<vmem>>) target(%dma_start3A_223 : memref<10000x128xf32, #tpu.memory_space<vmem_shared>>) offsets(%dma_start3A_220 : memref<128xi32, #tpu.memory_space<vmem>>) semaphore(%arg13 : memref<!tpu.dma_semaphore, #tpu.memory_space<semaphore_mem>>) {add = true}
      %while3A_224 = arith.constant 0 : i32
      scf.yield %while3A_224 : i32
    }
    %dma_wait3A = arith.constant 0 : i32
    %dma_wait3A_80 = arith.constant 0 : i32
    %dma_wait3A_81 = arith.constant 0 : i32
    %dma_wait3A_82 = tpu.memref_slice %arg8[%dma_wait3A, %dma_wait3A_80, %dma_wait3A_81] : memref<2x128x128xf32, #tpu.memory_space<vmem>> -> memref<1x128x128xf32, #tpu.memory_space<vmem>>
    %dma_wait3A_83 = tpu.memref_squeeze %dma_wait3A_82 : memref<1x128x128xf32, #tpu.memory_space<vmem>> -> memref<128x128xf32, #tpu.memory_space<vmem>>
    %dma_wait3A_84 = arith.constant 0 : i32
    %dma_wait3A_85 = tpu.memref_slice %arg7[%sub3A_60, %dma_wait3A_84] : memref<88x128xi32, #tpu.memory_space<vmem>> -> memref<1x128xi32, #tpu.memory_space<vmem>>
    %dma_wait3A_86 = tpu.memref_squeeze %dma_wait3A_85 : memref<1x128xi32, #tpu.memory_space<vmem>> -> memref<128xi32, #tpu.memory_space<vmem>>
    %dma_wait3A_87 = arith.constant 0 : i32
    %dma_wait3A_88 = arith.constant 0 : i32
    %dma_wait3A_89 = tpu.memref_slice %arg9[%dma_wait3A_87, %dma_wait3A_88] : memref<10000x128xf32, #tpu.memory_space<vmem_shared>> -> memref<10000x128xf32, #tpu.memory_space<vmem_shared>>
    tpu.wait_indirect_dma semaphore(%arg12 : memref<!tpu.dma_semaphore, #tpu.memory_space<semaphore_mem>>) src(%dma_wait3A_83 : memref<128x128xf32, #tpu.memory_space<vmem>>) dst(%dma_wait3A_89 : memref<10000x128xf32, #tpu.memory_space<vmem_shared>>)
    %dma_wait3A_90 = arith.constant 1 : i32
    %dma_wait3A_91 = arith.constant 0 : i32
    %dma_wait3A_92 = arith.constant 0 : i32
    %dma_wait3A_93 = tpu.memref_slice %arg8[%dma_wait3A_90, %dma_wait3A_91, %dma_wait3A_92] : memref<2x128x128xf32, #tpu.memory_space<vmem>> -> memref<1x128x128xf32, #tpu.memory_space<vmem>>
    %dma_wait3A_94 = tpu.memref_squeeze %dma_wait3A_93 : memref<1x128x128xf32, #tpu.memory_space<vmem>> -> memref<128x128xf32, #tpu.memory_space<vmem>>
    %dma_wait3A_95 = arith.constant 0 : i32
    %dma_wait3A_96 = tpu.memref_slice %arg7[%sub3A_60, %dma_wait3A_95] : memref<88x128xi32, #tpu.memory_space<vmem>> -> memref<1x128xi32, #tpu.memory_space<vmem>>
    %dma_wait3A_97 = tpu.memref_squeeze %dma_wait3A_96 : memref<1x128xi32, #tpu.memory_space<vmem>> -> memref<128xi32, #tpu.memory_space<vmem>>
    %dma_wait3A_98 = arith.constant 0 : i32
    %dma_wait3A_99 = arith.constant 0 : i32
    %dma_wait3A_100 = tpu.memref_slice %arg9[%dma_wait3A_98, %dma_wait3A_99] : memref<10000x128xf32, #tpu.memory_space<vmem_shared>> -> memref<10000x128xf32, #tpu.memory_space<vmem_shared>>
    tpu.wait_indirect_dma semaphore(%arg13 : memref<!tpu.dma_semaphore, #tpu.memory_space<semaphore_mem>>) src(%dma_wait3A_94 : memref<128x128xf32, #tpu.memory_space<vmem>>) dst(%dma_wait3A_100 : memref<10000x128xf32, #tpu.memory_space<vmem_shared>>)
    %barrier3A_101 = arith.constant 0 : index
    tpu.barrier barrier_id(%barrier3A_101)
    %while3A_102 = arith.constant 0 : i32
    %while3A_103 = arith.constant 0 : i32
    %while3A_104 = arith.subi %select_n3A, %while3A_102 : i32
    %while3A_105 = arith.addi %while3A_102, %while3A_104 : i32
    %while3A_106 = arith.constant 1 : i32
    %while3A_107 = arith.divsi %while3A_104, %while3A_106 : i32
    %while3A_108 = arith.muli %while3A_107, %while3A_106 : i32
    %while3A_109 = arith.addi %while3A_102, %while3A_108 : i32
    %while3A_110 = arith.constant 1 : i32
    %while3A_111 = scf.for %while3A_126 = %while3A_102 to %while3A_109 step %while3A_110 iter_args(%while3A_127 = %while3A_103) -> (i32)  : i32 {
      %mul3A_128 = arith.constant 16 : i32
      %mul3A_129 = arith.muli %while3A_126, %mul3A_128 : i32
      %add3A_130 = arith.addi %mul3A_8, %mul3A_129 : i32
      %mul3A_131 = arith.constant 16 : i32
      %mul3A_132 = arith.muli %while3A_126, %mul3A_131 : i32
      %add3A_133 = arith.addi %mul3A_8, %mul3A_132 : i32
      %dma_start3A = arith.constant 0 : i32
      %dma_start3A_134 = tpu.memref_slice %arg5[%arg0, %add3A_133, %dma_start3A] : memref<2x10000x128xf32, #tpu.memory_space<hbm>> -> memref<1x16x128xf32, #tpu.memory_space<hbm>>
      %dma_start3A_135 = tpu.memref_squeeze %dma_start3A_134 : memref<1x16x128xf32, #tpu.memory_space<hbm>> -> memref<16x128xf32, #tpu.memory_space<hbm>>
      %dma_start3A_136 = arith.constant 0 : i32
      %dma_start3A_137 = tpu.memref_slice %arg9[%add3A_130, %dma_start3A_136] : memref<10000x128xf32, #tpu.memory_space<vmem_shared>> -> memref<16x128xf32, #tpu.memory_space<vmem_shared>>
      tpu.enqueue_dma source(%dma_start3A_137 : memref<16x128xf32, #tpu.memory_space<vmem_shared>>) target(%dma_start3A_135 : memref<16x128xf32, #tpu.memory_space<hbm>>) target_semaphore(%arg14 : memref<!tpu.dma_semaphore, #tpu.memory_space<semaphore_mem>>)
      %while3A_138 = arith.constant 0 : i32
      scf.yield %while3A_138 : i32
    }
    %while3A_112 = arith.constant 1 : i32
    %while3A_113 = scf.for %while3A_126 = %while3A_109 to %while3A_105 step %while3A_112 iter_args(%while3A_127 = %while3A_111) -> (i32)  : i32 {
      %mul3A_128 = arith.constant 16 : i32
      %mul3A_129 = arith.muli %while3A_126, %mul3A_128 : i32
      %add3A_130 = arith.addi %mul3A_8, %mul3A_129 : i32
      %mul3A_131 = arith.constant 16 : i32
      %mul3A_132 = arith.muli %while3A_126, %mul3A_131 : i32
      %add3A_133 = arith.addi %mul3A_8, %mul3A_132 : i32
      %dma_start3A = arith.constant 0 : i32
      %dma_start3A_134 = tpu.memref_slice %arg5[%arg0, %add3A_133, %dma_start3A] : memref<2x10000x128xf32, #tpu.memory_space<hbm>> -> memref<1x16x128xf32, #tpu.memory_space<hbm>>
      %dma_start3A_135 = tpu.memref_squeeze %dma_start3A_134 : memref<1x16x128xf32, #tpu.memory_space<hbm>> -> memref<16x128xf32, #tpu.memory_space<hbm>>
      %dma_start3A_136 = arith.constant 0 : i32
      %dma_start3A_137 = tpu.memref_slice %arg9[%add3A_130, %dma_start3A_136] : memref<10000x128xf32, #tpu.memory_space<vmem_shared>> -> memref<16x128xf32, #tpu.memory_space<vmem_shared>>
      tpu.enqueue_dma source(%dma_start3A_137 : memref<16x128xf32, #tpu.memory_space<vmem_shared>>) target(%dma_start3A_135 : memref<16x128xf32, #tpu.memory_space<hbm>>) target_semaphore(%arg14 : memref<!tpu.dma_semaphore, #tpu.memory_space<semaphore_mem>>)
      %while3A_138 = arith.constant 0 : i32
      scf.yield %while3A_138 : i32
    }
    %while3A_114 = arith.constant 0 : i32
    %while3A_115 = arith.constant 0 : i32
    %while3A_116 = arith.subi %select_n3A, %while3A_114 : i32
    %while3A_117 = arith.addi %while3A_114, %while3A_116 : i32
    %while3A_118 = arith.constant 1 : i32
    %while3A_119 = arith.divsi %while3A_116, %while3A_118 : i32
    %while3A_120 = arith.muli %while3A_119, %while3A_118 : i32
    %while3A_121 = arith.addi %while3A_114, %while3A_120 : i32
    %while3A_122 = arith.constant 1 : i32
    %while3A_123 = scf.for %while3A_126 = %while3A_114 to %while3A_121 step %while3A_122 iter_args(%while3A_127 = %while3A_115) -> (i32)  : i32 {
      %mul3A_128 = arith.constant 16 : i32
      %mul3A_129 = arith.muli %while3A_126, %mul3A_128 : i32
      %add3A_130 = arith.addi %mul3A_8, %mul3A_129 : i32
      %mul3A_131 = arith.constant 16 : i32
      %mul3A_132 = arith.muli %while3A_126, %mul3A_131 : i32
      %add3A_133 = arith.addi %mul3A_8, %mul3A_132 : i32
      %dma_wait3A_134 = arith.constant 0 : i32
      %dma_wait3A_135 = tpu.memref_slice %arg5[%arg0, %add3A_133, %dma_wait3A_134] : memref<2x10000x128xf32, #tpu.memory_space<hbm>> -> memref<1x16x128xf32, #tpu.memory_space<hbm>>
      %dma_wait3A_136 = tpu.memref_squeeze %dma_wait3A_135 : memref<1x16x128xf32, #tpu.memory_space<hbm>> -> memref<16x128xf32, #tpu.memory_space<hbm>>
      %dma_wait3A_137 = arith.constant 0 : i32
      %dma_wait3A_138 = tpu.memref_slice %arg9[%add3A_130, %dma_wait3A_137] : memref<10000x128xf32, #tpu.memory_space<vmem_shared>> -> memref<16x128xf32, #tpu.memory_space<vmem_shared>>
      tpu.wait_dma2 semaphore(%arg14 : memref<!tpu.dma_semaphore, #tpu.memory_space<semaphore_mem>>) src(%dma_wait3A_138 : memref<16x128xf32, #tpu.memory_space<vmem_shared>>) dst(%dma_wait3A_136 : memref<16x128xf32, #tpu.memory_space<hbm>>)
      %while3A_139 = arith.constant 0 : i32
      scf.yield %while3A_139 : i32
    }
    %while3A_124 = arith.constant 1 : i32
    %while3A_125 = scf.for %while3A_126 = %while3A_121 to %while3A_117 step %while3A_124 iter_args(%while3A_127 = %while3A_123) -> (i32)  : i32 {
      %mul3A_128 = arith.constant 16 : i32
      %mul3A_129 = arith.muli %while3A_126, %mul3A_128 : i32
      %add3A_130 = arith.addi %mul3A_8, %mul3A_129 : i32
      %mul3A_131 = arith.constant 16 : i32
      %mul3A_132 = arith.muli %while3A_126, %mul3A_131 : i32
      %add3A_133 = arith.addi %mul3A_8, %mul3A_132 : i32
      %dma_wait3A_134 = arith.constant 0 : i32
      %dma_wait3A_135 = tpu.memref_slice %arg5[%arg0, %add3A_133, %dma_wait3A_134] : memref<2x10000x128xf32, #tpu.memory_space<hbm>> -> memref<1x16x128xf32, #tpu.memory_space<hbm>>
      %dma_wait3A_136 = tpu.memref_squeeze %dma_wait3A_135 : memref<1x16x128xf32, #tpu.memory_space<hbm>> -> memref<16x128xf32, #tpu.memory_space<hbm>>
      %dma_wait3A_137 = arith.constant 0 : i32
      %dma_wait3A_138 = tpu.memref_slice %arg9[%add3A_130, %dma_wait3A_137] : memref<10000x128xf32, #tpu.memory_space<vmem_shared>> -> memref<16x128xf32, #tpu.memory_space<vmem_shared>>
      tpu.wait_dma2 semaphore(%arg14 : memref<!tpu.dma_semaphore, #tpu.memory_space<semaphore_mem>>) src(%dma_wait3A_138 : memref<16x128xf32, #tpu.memory_space<vmem_shared>>) dst(%dma_wait3A_136 : memref<16x128xf32, #tpu.memory_space<hbm>>)
      %while3A_139 = arith.constant 0 : i32
      scf.yield %while3A_139 : i32
    }
    return
  }
}

#map = affine_map<(d0, d1) -> (0)>
#map1 = affine_map<(d0, d1) -> (0, 0)>
#map2 = affine_map<(d0, d1) -> (0, 0, 0)>
module attributes {stable_mosaic.version = 14 : i64} {
  func.func @_edge_body(%arg0: i32, %arg1: i32, %arg2: memref<321536xi32, #tpu.memory_space<hbm>>, %arg3: memref<2512x128xi32, #tpu.memory_space<hbm>>, %arg4: memref<10000x128xf32, #tpu.memory_space<hbm>>, %arg5: memref<2x10000x128xf32, #tpu.memory_space<hbm>>, %arg6: memref<5120xi32, #tpu.memory_space<vmem>>, %arg7: memref<88x128xi32, #tpu.memory_space<vmem>>, %arg8: memref<2x128x128xf32, #tpu.memory_space<vmem>>, %arg9: memref<10000x128xf32, #tpu.memory_space<vmem_shared>>, %arg10: memref<!tpu.dma_semaphore, #tpu.memory_space<semaphore_mem>>, %arg11: memref<!tpu.dma_semaphore, #tpu.memory_space<semaphore_mem>>, %arg12: memref<!tpu.dma_semaphore, #tpu.memory_space<semaphore_mem>>, %arg13: memref<!tpu.dma_semaphore, #tpu.memory_space<semaphore_mem>>, %arg14: memref<!tpu.dma_semaphore, #tpu.memory_space<semaphore_mem>>) attributes {dimension_semantics = [#tpu.dimension_semantics<core_parallel>, #tpu.dimension_semantics<subcore_parallel>], iteration_bounds = array<i64: 2, 16>, scalar_prefetch = 0 : i64, scratch_operands = 9 : i64, tpu.core_type = #tpu.core_type<sc_vector_subcore>, window_params = [{transform_indices = #map}, {transform_indices = #map1}, {transform_indices = #map1}, {transform_indices = #map2}]} {
    %mul3A = arith.constant 16 : i32
    %mul3A_0 = arith.muli %arg0, %mul3A : i32
    %add3A = arith.addi %mul3A_0, %arg1 : i32
    %scan3A = arith.constant 0 : i32
    %scan3A_1 = arith.constant 0 : i32
    %scan3A_2 = arith.constant 16 : i32
    %scan3A_3 = arith.addi %scan3A_1, %scan3A_2 : i32
    %scan3A_4 = arith.constant 1 : i32
    %scan3A_5 = scf.for %scan3A_126 = %scan3A_1 to %scan3A_3 step %scan3A_4 iter_args(%scan3A_127 = %scan3A) -> (i32)  : i32 {
      %broadcast_in_dim3A = arith.constant 0.000000e+00 : f32
      %broadcast_in_dim3A_128 = vector.broadcast %broadcast_in_dim3A : f32 to vector<16xf32>
      %swap3A = arith.constant 0 : i32
      %swap3A_129 = arith.index_cast %swap3A : i32 to index
      %swap3A_130 = arith.index_cast %scan3A_126 : i32 to index
      %swap3A_131 = arith.constant 0 : index
      %swap3A_132 = tpu.vector_load %arg8[%swap3A_129, %swap3A_130, %swap3A_131] {strides = array<i32>} : memref<2x128x128xf32, #tpu.memory_space<vmem>>, vector<16xf32>,
      tpu.vector_store %arg8[%swap3A_129, %swap3A_130, %swap3A_131], %broadcast_in_dim3A_128 {strides = array<i32>} : memref<2x128x128xf32, #tpu.memory_space<vmem>>, vector<16xf32>,
      %broadcast_in_dim3A_133 = arith.constant 0.000000e+00 : f32
      %broadcast_in_dim3A_134 = vector.broadcast %broadcast_in_dim3A_133 : f32 to vector<16xf32>
      %swap3A_135 = arith.constant 0 : i32
      %swap3A_136 = arith.index_cast %swap3A_135 : i32 to index
      %swap3A_137 = arith.index_cast %scan3A_126 : i32 to index
      %swap3A_138 = arith.constant 16 : index
      %swap3A_139 = tpu.vector_load %arg8[%swap3A_136, %swap3A_137, %swap3A_138] {strides = array<i32>} : memref<2x128x128xf32, #tpu.memory_space<vmem>>, vector<16xf32>,
      tpu.vector_store %arg8[%swap3A_136, %swap3A_137, %swap3A_138], %broadcast_in_dim3A_134 {strides = array<i32>} : memref<2x128x128xf32, #tpu.memory_space<vmem>>, vector<16xf32>,
      %broadcast_in_dim3A_140 = arith.constant 0.000000e+00 : f32
      %broadcast_in_dim3A_141 = vector.broadcast %broadcast_in_dim3A_140 : f32 to vector<16xf32>
      %swap3A_142 = arith.constant 0 : i32
      %swap3A_143 = arith.index_cast %swap3A_142 : i32 to index
      %swap3A_144 = arith.index_cast %scan3A_126 : i32 to index
      %swap3A_145 = arith.constant 32 : index
      %swap3A_146 = tpu.vector_load %arg8[%swap3A_143, %swap3A_144, %swap3A_145] {strides = array<i32>} : memref<2x128x128xf32, #tpu.memory_space<vmem>>, vector<16xf32>,
      tpu.vector_store %arg8[%swap3A_143, %swap3A_144, %swap3A_145], %broadcast_in_dim3A_141 {strides = array<i32>} : memref<2x128x128xf32, #tpu.memory_space<vmem>>, vector<16xf32>,
      %broadcast_in_dim3A_147 = arith.constant 0.000000e+00 : f32
      %broadcast_in_dim3A_148 = vector.broadcast %broadcast_in_dim3A_147 : f32 to vector<16xf32>
      %swap3A_149 = arith.constant 0 : i32
      %swap3A_150 = arith.index_cast %swap3A_149 : i32 to index
      %swap3A_151 = arith.index_cast %scan3A_126 : i32 to index
      %swap3A_152 = arith.constant 48 : index
      %swap3A_153 = tpu.vector_load %arg8[%swap3A_150, %swap3A_151, %swap3A_152] {strides = array<i32>} : memref<2x128x128xf32, #tpu.memory_space<vmem>>, vector<16xf32>,
      tpu.vector_store %arg8[%swap3A_150, %swap3A_151, %swap3A_152], %broadcast_in_dim3A_148 {strides = array<i32>} : memref<2x128x128xf32, #tpu.memory_space<vmem>>, vector<16xf32>,
      %broadcast_in_dim3A_154 = arith.constant 0.000000e+00 : f32
      %broadcast_in_dim3A_155 = vector.broadcast %broadcast_in_dim3A_154 : f32 to vector<16xf32>
      %swap3A_156 = arith.constant 0 : i32
      %swap3A_157 = arith.index_cast %swap3A_156 : i32 to index
      %swap3A_158 = arith.index_cast %scan3A_126 : i32 to index
      %swap3A_159 = arith.constant 64 : index
      %swap3A_160 = tpu.vector_load %arg8[%swap3A_157, %swap3A_158, %swap3A_159] {strides = array<i32>} : memref<2x128x128xf32, #tpu.memory_space<vmem>>, vector<16xf32>,
      tpu.vector_store %arg8[%swap3A_157, %swap3A_158, %swap3A_159], %broadcast_in_dim3A_155 {strides = array<i32>} : memref<2x128x128xf32, #tpu.memory_space<vmem>>, vector<16xf32>,
      %broadcast_in_dim3A_161 = arith.constant 0.000000e+00 : f32
      %broadcast_in_dim3A_162 = vector.broadcast %broadcast_in_dim3A_161 : f32 to vector<16xf32>
      %swap3A_163 = arith.constant 0 : i32
      %swap3A_164 = arith.index_cast %swap3A_163 : i32 to index
      %swap3A_165 = arith.index_cast %scan3A_126 : i32 to index
      %swap3A_166 = arith.constant 80 : index
      %swap3A_167 = tpu.vector_load %arg8[%swap3A_164, %swap3A_165, %swap3A_166] {strides = array<i32>} : memref<2x128x128xf32, #tpu.memory_space<vmem>>, vector<16xf32>,
      tpu.vector_store %arg8[%swap3A_164, %swap3A_165, %swap3A_166], %broadcast_in_dim3A_162 {strides = array<i32>} : memref<2x128x128xf32, #tpu.memory_space<vmem>>, vector<16xf32>,
      %broadcast_in_dim3A_168 = arith.constant 0.000000e+00 : f32
      %broadcast_in_dim3A_169 = vector.broadcast %broadcast_in_dim3A_168 : f32 to vector<16xf32>
      %swap3A_170 = arith.constant 0 : i32
      %swap3A_171 = arith.index_cast %swap3A_170 : i32 to index
      %swap3A_172 = arith.index_cast %scan3A_126 : i32 to index
      %swap3A_173 = arith.constant 96 : index
      %swap3A_174 = tpu.vector_load %arg8[%swap3A_171, %swap3A_172, %swap3A_173] {strides = array<i32>} : memref<2x128x128xf32, #tpu.memory_space<vmem>>, vector<16xf32>,
      tpu.vector_store %arg8[%swap3A_171, %swap3A_172, %swap3A_173], %broadcast_in_dim3A_169 {strides = array<i32>} : memref<2x128x128xf32, #tpu.memory_space<vmem>>, vector<16xf32>,
      %broadcast_in_dim3A_175 = arith.constant 0.000000e+00 : f32
      %broadcast_in_dim3A_176 = vector.broadcast %broadcast_in_dim3A_175 : f32 to vector<16xf32>
      %swap3A_177 = arith.constant 0 : i32
      %swap3A_178 = arith.index_cast %swap3A_177 : i32 to index
      %swap3A_179 = arith.index_cast %scan3A_126 : i32 to index
      %swap3A_180 = arith.constant 112 : index
      %swap3A_181 = tpu.vector_load %arg8[%swap3A_178, %swap3A_179, %swap3A_180] {strides = array<i32>} : memref<2x128x128xf32, #tpu.memory_space<vmem>>, vector<16xf32>,
      tpu.vector_store %arg8[%swap3A_178, %swap3A_179, %swap3A_180], %broadcast_in_dim3A_176 {strides = array<i32>} : memref<2x128x128xf32, #tpu.memory_space<vmem>>, vector<16xf32>,
      %scan3A_182 = arith.constant 0 : i32
      scf.yield %scan3A_182 : i32
    }
    %scan3A_6 = arith.constant 16 : i32
    %mul3A_7 = arith.constant 624 : i32
    %mul3A_8 = arith.muli %arg1, %mul3A_7 : i32
    %eq3A = arith.constant 15 : i32
    %eq3A_9 = arith.cmpi eq, %arg1, %eq3A : i32
    %jit3A = arith.constant 40 : i32
    %jit3A_10 = arith.constant 39 : i32
    %select_n3A = arith.select %eq3A_9, %jit3A, %jit3A_10 : i32
    %while3A = arith.constant 0 : i32
    %while3A_11 = arith.constant 0 : i32
    %while3A_12 = arith.subi %select_n3A, %while3A : i32
    %while3A_13 = arith.addi %while3A, %while3A_12 : i32
    %while3A_14 = arith.constant 1 : i32
    %while3A_15 = arith.divsi %while3A_12, %while3A_14 : i32
    %while3A_16 = arith.muli %while3A_15, %while3A_14 : i32
    %while3A_17 = arith.addi %while3A, %while3A_16 : i32
    %while3A_18 = arith.constant 1 : i32
    %while3A_19 = scf.for %while3A_126 = %while3A to %while3A_17 step %while3A_18 iter_args(%while3A_127 = %while3A_11) -> (i32)  : i32 {
      %mul3A_128 = arith.constant 16 : i32
      %mul3A_129 = arith.muli %while3A_126, %mul3A_128 : i32
      %add3A_130 = arith.addi %mul3A_8, %mul3A_129 : i32
      %dma_start3A = arith.constant 0 : i32
      %dma_start3A_131 = arith.constant 0 : i32
      %dma_start3A_132 = arith.constant 0 : i32
      %dma_start3A_133 = tpu.memref_slice %arg8[%dma_start3A, %dma_start3A_131, %dma_start3A_132] : memref<2x128x128xf32, #tpu.memory_space<vmem>> -> memref<1x16x128xf32, #tpu.memory_space<vmem>>
      %dma_start3A_134 = tpu.memref_squeeze %dma_start3A_133 : memref<1x16x128xf32, #tpu.memory_space<vmem>> -> memref<16x128xf32, #tpu.memory_space<vmem>>
      %dma_start3A_135 = arith.constant 0 : i32
      %dma_start3A_136 = tpu.memref_slice %arg9[%add3A_130, %dma_start3A_135] : memref<10000x128xf32, #tpu.memory_space<vmem_shared>> -> memref<16x128xf32, #tpu.memory_space<vmem_shared>>
      %dma_start3A_137 = arith.constant 0 : i32
      %dma_start3A_138 = tpu.memref_slice %arg9[%add3A_130, %dma_start3A_137] : memref<10000x128xf32, #tpu.memory_space<vmem_shared>> -> memref<16x128xf32, #tpu.memory_space<vmem_shared>>
      %dma_start3A_139 = arith.constant 0 : i32
      %dma_start3A_140 = arith.constant 0 : i32
      %dma_start3A_141 = tpu.memref_slice %arg8[%dma_start3A, %dma_start3A_139, %dma_start3A_140] : memref<2x128x128xf32, #tpu.memory_space<vmem>> -> memref<1x16x128xf32, #tpu.memory_space<vmem>>
      %dma_start3A_142 = tpu.memref_squeeze %dma_start3A_141 : memref<1x16x128xf32, #tpu.memory_space<vmem>> -> memref<16x128xf32, #tpu.memory_space<vmem>>
      tpu.enqueue_dma source(%dma_start3A_142 : memref<16x128xf32, #tpu.memory_space<vmem>>) target(%dma_start3A_138 : memref<16x128xf32, #tpu.memory_space<vmem_shared>>) target_semaphore(%arg14 : memref<!tpu.dma_semaphore, #tpu.memory_space<semaphore_mem>>)
      %while3A_143 = arith.constant 0 : i32
      scf.yield %while3A_143 : i32
    }
    %while3A_20 = arith.constant 1 : i32
    %while3A_21 = scf.for %while3A_126 = %while3A_17 to %while3A_13 step %while3A_20 iter_args(%while3A_127 = %while3A_19) -> (i32)  : i32 {
      %mul3A_128 = arith.constant 16 : i32
      %mul3A_129 = arith.muli %while3A_126, %mul3A_128 : i32
      %add3A_130 = arith.addi %mul3A_8, %mul3A_129 : i32
      %dma_start3A = arith.constant 0 : i32
      %dma_start3A_131 = arith.constant 0 : i32
      %dma_start3A_132 = arith.constant 0 : i32
      %dma_start3A_133 = tpu.memref_slice %arg8[%dma_start3A, %dma_start3A_131, %dma_start3A_132] : memref<2x128x128xf32, #tpu.memory_space<vmem>> -> memref<1x16x128xf32, #tpu.memory_space<vmem>>
      %dma_start3A_134 = tpu.memref_squeeze %dma_start3A_133 : memref<1x16x128xf32, #tpu.memory_space<vmem>> -> memref<16x128xf32, #tpu.memory_space<vmem>>
      %dma_start3A_135 = arith.constant 0 : i32
      %dma_start3A_136 = tpu.memref_slice %arg9[%add3A_130, %dma_start3A_135] : memref<10000x128xf32, #tpu.memory_space<vmem_shared>> -> memref<16x128xf32, #tpu.memory_space<vmem_shared>>
      %dma_start3A_137 = arith.constant 0 : i32
      %dma_start3A_138 = tpu.memref_slice %arg9[%add3A_130, %dma_start3A_137] : memref<10000x128xf32, #tpu.memory_space<vmem_shared>> -> memref<16x128xf32, #tpu.memory_space<vmem_shared>>
      %dma_start3A_139 = arith.constant 0 : i32
      %dma_start3A_140 = arith.constant 0 : i32
      %dma_start3A_141 = tpu.memref_slice %arg8[%dma_start3A, %dma_start3A_139, %dma_start3A_140] : memref<2x128x128xf32, #tpu.memory_space<vmem>> -> memref<1x16x128xf32, #tpu.memory_space<vmem>>
      %dma_start3A_142 = tpu.memref_squeeze %dma_start3A_141 : memref<1x16x128xf32, #tpu.memory_space<vmem>> -> memref<16x128xf32, #tpu.memory_space<vmem>>
      tpu.enqueue_dma source(%dma_start3A_142 : memref<16x128xf32, #tpu.memory_space<vmem>>) target(%dma_start3A_138 : memref<16x128xf32, #tpu.memory_space<vmem_shared>>) target_semaphore(%arg14 : memref<!tpu.dma_semaphore, #tpu.memory_space<semaphore_mem>>)
      %while3A_143 = arith.constant 0 : i32
      scf.yield %while3A_143 : i32
    }
    %while3A_22 = arith.constant 0 : i32
    %while3A_23 = arith.constant 0 : i32
    %while3A_24 = arith.subi %select_n3A, %while3A_22 : i32
    %while3A_25 = arith.addi %while3A_22, %while3A_24 : i32
    %while3A_26 = arith.constant 1 : i32
    %while3A_27 = arith.divsi %while3A_24, %while3A_26 : i32
    %while3A_28 = arith.muli %while3A_27, %while3A_26 : i32
    %while3A_29 = arith.addi %while3A_22, %while3A_28 : i32
    %while3A_30 = arith.constant 1 : i32
    %while3A_31 = scf.for %while3A_126 = %while3A_22 to %while3A_29 step %while3A_30 iter_args(%while3A_127 = %while3A_23) -> (i32)  : i32 {
      %mul3A_128 = arith.constant 16 : i32
      %mul3A_129 = arith.muli %while3A_126, %mul3A_128 : i32
      %add3A_130 = arith.addi %mul3A_8, %mul3A_129 : i32
      %dma_wait3A_131 = arith.constant 0 : i32
      %dma_wait3A_132 = arith.constant 0 : i32
      %dma_wait3A_133 = arith.constant 0 : i32
      %dma_wait3A_134 = tpu.memref_slice %arg8[%dma_wait3A_131, %dma_wait3A_132, %dma_wait3A_133] : memref<2x128x128xf32, #tpu.memory_space<vmem>> -> memref<1x16x128xf32, #tpu.memory_space<vmem>>
      %dma_wait3A_135 = tpu.memref_squeeze %dma_wait3A_134 : memref<1x16x128xf32, #tpu.memory_space<vmem>> -> memref<16x128xf32, #tpu.memory_space<vmem>>
      %dma_wait3A_136 = arith.constant 0 : i32
      %dma_wait3A_137 = tpu.memref_slice %arg9[%add3A_130, %dma_wait3A_136] : memref<10000x128xf32, #tpu.memory_space<vmem_shared>> -> memref<16x128xf32, #tpu.memory_space<vmem_shared>>
      %dma_wait3A_138 = arith.constant 0 : i32
      %dma_wait3A_139 = tpu.memref_slice %arg9[%add3A_130, %dma_wait3A_138] : memref<10000x128xf32, #tpu.memory_space<vmem_shared>> -> memref<16x128xf32, #tpu.memory_space<vmem_shared>>
      %dma_wait3A_140 = arith.constant 0 : i32
      %dma_wait3A_141 = arith.constant 0 : i32
      %dma_wait3A_142 = tpu.memref_slice %arg8[%dma_wait3A_131, %dma_wait3A_140, %dma_wait3A_141] : memref<2x128x128xf32, #tpu.memory_space<vmem>> -> memref<1x16x128xf32, #tpu.memory_space<vmem>>
      %dma_wait3A_143 = tpu.memref_squeeze %dma_wait3A_142 : memref<1x16x128xf32, #tpu.memory_space<vmem>> -> memref<16x128xf32, #tpu.memory_space<vmem>>
      tpu.wait_dma2 semaphore(%arg14 : memref<!tpu.dma_semaphore, #tpu.memory_space<semaphore_mem>>) src(%dma_wait3A_143 : memref<16x128xf32, #tpu.memory_space<vmem>>) dst(%dma_wait3A_139 : memref<16x128xf32, #tpu.memory_space<vmem_shared>>)
      %while3A_144 = arith.constant 0 : i32
      scf.yield %while3A_144 : i32
    }
    %while3A_32 = arith.constant 1 : i32
    %while3A_33 = scf.for %while3A_126 = %while3A_29 to %while3A_25 step %while3A_32 iter_args(%while3A_127 = %while3A_31) -> (i32)  : i32 {
      %mul3A_128 = arith.constant 16 : i32
      %mul3A_129 = arith.muli %while3A_126, %mul3A_128 : i32
      %add3A_130 = arith.addi %mul3A_8, %mul3A_129 : i32
      %dma_wait3A_131 = arith.constant 0 : i32
      %dma_wait3A_132 = arith.constant 0 : i32
      %dma_wait3A_133 = arith.constant 0 : i32
      %dma_wait3A_134 = tpu.memref_slice %arg8[%dma_wait3A_131, %dma_wait3A_132, %dma_wait3A_133] : memref<2x128x128xf32, #tpu.memory_space<vmem>> -> memref<1x16x128xf32, #tpu.memory_space<vmem>>
      %dma_wait3A_135 = tpu.memref_squeeze %dma_wait3A_134 : memref<1x16x128xf32, #tpu.memory_space<vmem>> -> memref<16x128xf32, #tpu.memory_space<vmem>>
      %dma_wait3A_136 = arith.constant 0 : i32
      %dma_wait3A_137 = tpu.memref_slice %arg9[%add3A_130, %dma_wait3A_136] : memref<10000x128xf32, #tpu.memory_space<vmem_shared>> -> memref<16x128xf32, #tpu.memory_space<vmem_shared>>
      %dma_wait3A_138 = arith.constant 0 : i32
      %dma_wait3A_139 = tpu.memref_slice %arg9[%add3A_130, %dma_wait3A_138] : memref<10000x128xf32, #tpu.memory_space<vmem_shared>> -> memref<16x128xf32, #tpu.memory_space<vmem_shared>>
      %dma_wait3A_140 = arith.constant 0 : i32
      %dma_wait3A_141 = arith.constant 0 : i32
      %dma_wait3A_142 = tpu.memref_slice %arg8[%dma_wait3A_131, %dma_wait3A_140, %dma_wait3A_141] : memref<2x128x128xf32, #tpu.memory_space<vmem>> -> memref<1x16x128xf32, #tpu.memory_space<vmem>>
      %dma_wait3A_143 = tpu.memref_squeeze %dma_wait3A_142 : memref<1x16x128xf32, #tpu.memory_space<vmem>> -> memref<16x128xf32, #tpu.memory_space<vmem>>
      tpu.wait_dma2 semaphore(%arg14 : memref<!tpu.dma_semaphore, #tpu.memory_space<semaphore_mem>>) src(%dma_wait3A_143 : memref<16x128xf32, #tpu.memory_space<vmem>>) dst(%dma_wait3A_139 : memref<16x128xf32, #tpu.memory_space<vmem_shared>>)
      %while3A_144 = arith.constant 0 : i32
      scf.yield %while3A_144 : i32
    }
    %mul3A_34 = arith.constant 76 : i32
    %mul3A_35 = arith.muli %add3A, %mul3A_34 : i32
    %min3A = arith.constant 17 : i32
    %min3A_36 = arith.minsi %add3A, %min3A : i32
    %mul3A_37 = arith.constant 4 : i32
    %mul3A_38 = arith.muli %mul3A_37, %min3A_36 : i32
    %add3A_39 = arith.addi %mul3A_35, %mul3A_38 : i32
    %jit3A_40 = arith.constant 8 : i32
    %div3A = arith.divsi %add3A_39, %jit3A_40 : i32
    %sign3A = arith.constant 0 : i32
    %sign3A_41 = arith.cmpi sgt, %add3A_39, %sign3A : i32
    %sign3A_42 = arith.extui %sign3A_41 : i1 to i32
    %sign3A_43 = arith.constant 0 : i32
    %sign3A_44 = arith.cmpi slt, %add3A_39, %sign3A_43 : i32
    %sign3A_45 = arith.extui %sign3A_44 : i1 to i32
    %sign3A_46 = arith.subi %sign3A_42, %sign3A_45 : i32
    %sign3A_47 = arith.constant 0 : i32
    %sign3A_48 = arith.cmpi sgt, %jit3A_40, %sign3A_47 : i32
    %sign3A_49 = arith.extui %sign3A_48 : i1 to i32
    %sign3A_50 = arith.constant 0 : i32
    %sign3A_51 = arith.cmpi slt, %jit3A_40, %sign3A_50 : i32
    %sign3A_52 = arith.extui %sign3A_51 : i1 to i32
    %sign3A_53 = arith.subi %sign3A_49, %sign3A_52 : i32
    %ne3A = arith.cmpi ne, %sign3A_46, %sign3A_53 : i32
    %rem3A = arith.remsi %add3A_39, %jit3A_40 : i32
    %ne3A_54 = arith.constant 0 : i32
    %ne3A_55 = arith.cmpi ne, %rem3A, %ne3A_54 : i32
    %and3A = arith.andi %ne3A, %ne3A_55 : i1
    %sub3A = arith.constant 1 : i32
    %sub3A_56 = arith.subi %div3A, %sub3A : i32
    %select_n3A_57 = arith.select %and3A, %sub3A_56, %div3A : i32
    %mul3A_58 = arith.constant 8 : i32
    %mul3A_59 = arith.muli %select_n3A_57, %mul3A_58 : i32
    %sub3A_60 = arith.subi %add3A_39, %mul3A_59 : i32
    %mul3A_61 = arith.constant 128 : i32
    %mul3A_62 = arith.muli %add3A_39, %mul3A_61 : i32
    "tpu.region"() ({
      %run_scoped3A = tpu.sem_alloc : memref<!tpu.dma_semaphore, #tpu.memory_space<semaphore_mem>>
      %dma_start3A = tpu.memref_slice %arg2[%mul3A_62] : memref<321536xi32, #tpu.memory_space<hbm>> -> memref<5120xi32, #tpu.memory_space<hbm>>
      %dma_start3A_126 = tpu.memref_slice %arg2[%mul3A_62] : memref<321536xi32, #tpu.memory_space<hbm>> -> memref<5120xi32, #tpu.memory_space<hbm>>
      tpu.enqueue_dma source(%dma_start3A_126 : memref<5120xi32, #tpu.memory_space<hbm>>) target(%arg6 : memref<5120xi32, #tpu.memory_space<vmem>>) target_semaphore(%run_scoped3A : memref<!tpu.dma_semaphore, #tpu.memory_space<semaphore_mem>>)
      %dma_wait3A_127 = tpu.memref_slice %arg2[%mul3A_62] : memref<321536xi32, #tpu.memory_space<hbm>> -> memref<5120xi32, #tpu.memory_space<hbm>>
      %dma_wait3A_128 = tpu.memref_slice %arg2[%mul3A_62] : memref<321536xi32, #tpu.memory_space<hbm>> -> memref<5120xi32, #tpu.memory_space<hbm>>
      tpu.wait_dma2 semaphore(%run_scoped3A : memref<!tpu.dma_semaphore, #tpu.memory_space<semaphore_mem>>) src(%dma_wait3A_128 : memref<5120xi32, #tpu.memory_space<hbm>>) dst(%arg6 : memref<5120xi32, #tpu.memory_space<vmem>>)
      tpu.yield
    }) : () -> ()
    "tpu.region"() ({
      %run_scoped3A = tpu.sem_alloc : memref<!tpu.dma_semaphore, #tpu.memory_space<semaphore_mem>>
      %dma_start3A = arith.constant 0 : i32
      %dma_start3A_126 = tpu.memref_slice %arg3[%mul3A_59, %dma_start3A] : memref<2512x128xi32, #tpu.memory_space<hbm>> -> memref<88x128xi32, #tpu.memory_space<hbm>>
      %dma_start3A_127 = arith.constant 0 : i32
      %dma_start3A_128 = tpu.memref_slice %arg3[%mul3A_59, %dma_start3A_127] : memref<2512x128xi32, #tpu.memory_space<hbm>> -> memref<88x128xi32, #tpu.memory_space<hbm>>
      tpu.enqueue_dma source(%dma_start3A_128 : memref<88x128xi32, #tpu.memory_space<hbm>>) target(%arg7 : memref<88x128xi32, #tpu.memory_space<vmem>>) target_semaphore(%run_scoped3A : memref<!tpu.dma_semaphore, #tpu.memory_space<semaphore_mem>>)
      %dma_wait3A_129 = arith.constant 0 : i32
      %dma_wait3A_130 = tpu.memref_slice %arg3[%mul3A_59, %dma_wait3A_129] : memref<2512x128xi32, #tpu.memory_space<hbm>> -> memref<88x128xi32, #tpu.memory_space<hbm>>
      %dma_wait3A_131 = arith.constant 0 : i32
      %dma_wait3A_132 = tpu.memref_slice %arg3[%mul3A_59, %dma_wait3A_131] : memref<2512x128xi32, #tpu.memory_space<hbm>> -> memref<88x128xi32, #tpu.memory_space<hbm>>
      tpu.wait_dma2 semaphore(%run_scoped3A : memref<!tpu.dma_semaphore, #tpu.memory_space<semaphore_mem>>) src(%dma_wait3A_132 : memref<88x128xi32, #tpu.memory_space<hbm>>) dst(%arg7 : memref<88x128xi32, #tpu.memory_space<vmem>>)
      tpu.yield
    }) : () -> ()
    %barrier3A = arith.constant 0 : index
    tpu.barrier barrier_id(%barrier3A)
    %lt3A = arith.constant 17 : i32
    %lt3A_63 = arith.cmpi slt, %add3A, %lt3A : i32
    %convert_element_type3A = arith.extui %lt3A_63 : i1 to i32
    %mul3A_64 = arith.constant 2 : i32
    %mul3A_65 = arith.muli %mul3A_64, %convert_element_type3A : i32
    %add3A_66 = arith.constant 38 : i32
    %add3A_67 = arith.addi %add3A_66, %mul3A_65 : i32
    %while3A_68 = arith.constant 0 : i32
    %while3A_69 = arith.constant 0 : i32
    %while3A_70 = arith.subi %add3A_67, %while3A_68 : i32
    %while3A_71 = arith.addi %while3A_68, %while3A_70 : i32
    %while3A_72 = arith.constant 1 : i32
    %while3A_73 = arith.divsi %while3A_70, %while3A_72 : i32
    %while3A_74 = arith.muli %while3A_73, %while3A_72 : i32
    %while3A_75 = arith.addi %while3A_68, %while3A_74 : i32
    %while3A_76 = arith.constant 1 : i32
    %while3A_77 = scf.for %while3A_126 = %while3A_68 to %while3A_75 step %while3A_76 iter_args(%while3A_127 = %while3A_69) -> (i32)  : i32 {
      %eq3A_128 = arith.constant 20 : i32
      %eq3A_129 = arith.cmpi eq, %while3A_126, %eq3A_128 : i32
      %convert_element_type3A_130 = arith.extui %eq3A_129 : i1 to i32
      %cond3A = arith.constant 0 : i32
      %cond3A_131 = arith.cmpi ne, %convert_element_type3A_130, %cond3A : i32
      scf.if %cond3A_131 {
        %add3A_225 = arith.constant 40 : i32
        %add3A_226 = arith.addi %add3A_39, %add3A_225 : i32
        %mul3A_227 = arith.constant 128 : i32
        %mul3A_228 = arith.muli %add3A_226, %mul3A_227 : i32
        "tpu.region"() ({
          %run_scoped3A = tpu.sem_alloc : memref<!tpu.dma_semaphore, #tpu.memory_space<semaphore_mem>>
          %dma_start3A_229 = tpu.memref_slice %arg2[%mul3A_228] : memref<321536xi32, #tpu.memory_space<hbm>> -> memref<5120xi32, #tpu.memory_space<hbm>>
          %dma_start3A_230 = tpu.memref_slice %arg2[%mul3A_228] : memref<321536xi32, #tpu.memory_space<hbm>> -> memref<5120xi32, #tpu.memory_space<hbm>>
          tpu.enqueue_dma source(%dma_start3A_230 : memref<5120xi32, #tpu.memory_space<hbm>>) target(%arg6 : memref<5120xi32, #tpu.memory_space<vmem>>) target_semaphore(%run_scoped3A : memref<!tpu.dma_semaphore, #tpu.memory_space<semaphore_mem>>)
          %dma_wait3A_231 = tpu.memref_slice %arg2[%mul3A_228] : memref<321536xi32, #tpu.memory_space<hbm>> -> memref<5120xi32, #tpu.memory_space<hbm>>
          %dma_wait3A_232 = tpu.memref_slice %arg2[%mul3A_228] : memref<321536xi32, #tpu.memory_space<hbm>> -> memref<5120xi32, #tpu.memory_space<hbm>>
          tpu.wait_dma2 semaphore(%run_scoped3A : memref<!tpu.dma_semaphore, #tpu.memory_space<semaphore_mem>>) src(%dma_wait3A_232 : memref<5120xi32, #tpu.memory_space<hbm>>) dst(%arg6 : memref<5120xi32, #tpu.memory_space<vmem>>)
          tpu.yield
        }) : () -> ()
      } else {
      }
      %mul3A_132 = arith.constant 2 : i32
      %mul3A_133 = arith.muli %mul3A_132, %while3A_126 : i32
      %add3A_134 = arith.constant 0 : i32
      %add3A_135 = arith.addi %mul3A_133, %add3A_134 : i32
      %gt3A = arith.constant 0 : i32
      %gt3A_136 = arith.cmpi sgt, %while3A_126, %gt3A : i32
      %convert_element_type3A_137 = arith.extui %gt3A_136 : i1 to i32
      %cond3A_138 = arith.constant 0 : i32
      %cond3A_139 = arith.cmpi ne, %convert_element_type3A_137, %cond3A_138 : i32
      scf.if %cond3A_139 {
        %dma_wait3A_225 = arith.constant 0 : i32
        %dma_wait3A_226 = arith.constant 0 : i32
        %dma_wait3A_227 = arith.constant 0 : i32
        %dma_wait3A_228 = tpu.memref_slice %arg8[%dma_wait3A_225, %dma_wait3A_226, %dma_wait3A_227] : memref<2x128x128xf32, #tpu.memory_space<vmem>> -> memref<1x128x128xf32, #tpu.memory_space<vmem>>
        %dma_wait3A_229 = tpu.memref_squeeze %dma_wait3A_228 : memref<1x128x128xf32, #tpu.memory_space<vmem>> -> memref<128x128xf32, #tpu.memory_space<vmem>>
        %dma_wait3A_230 = arith.constant 0 : i32
        %dma_wait3A_231 = tpu.memref_slice %arg7[%sub3A_60, %dma_wait3A_230] : memref<88x128xi32, #tpu.memory_space<vmem>> -> memref<1x128xi32, #tpu.memory_space<vmem>>
        %dma_wait3A_232 = tpu.memref_squeeze %dma_wait3A_231 : memref<1x128xi32, #tpu.memory_space<vmem>> -> memref<128xi32, #tpu.memory_space<vmem>>
        %dma_wait3A_233 = arith.constant 0 : i32
        %dma_wait3A_234 = arith.constant 0 : i32
        %dma_wait3A_235 = tpu.memref_slice %arg9[%dma_wait3A_233, %dma_wait3A_234] : memref<10000x128xf32, #tpu.memory_space<vmem_shared>> -> memref<10000x128xf32, #tpu.memory_space<vmem_shared>>
        tpu.wait_indirect_dma semaphore(%arg12 : memref<!tpu.dma_semaphore, #tpu.memory_space<semaphore_mem>>) src(%dma_wait3A_229 : memref<128x128xf32, #tpu.memory_space<vmem>>) dst(%dma_wait3A_235 : memref<10000x128xf32, #tpu.memory_space<vmem_shared>>)
      } else {
      }
      %rem3A_140 = arith.constant 40 : i32
      %rem3A_141 = arith.remsi %add3A_135, %rem3A_140 : i32
      %mul3A_142 = arith.constant 128 : i32
      %mul3A_143 = arith.muli %rem3A_141, %mul3A_142 : i32
      %dma_start3A = arith.constant 0 : i32
      %dma_start3A_144 = arith.constant 0 : i32
      %dma_start3A_145 = arith.constant 0 : i32
      %dma_start3A_146 = tpu.memref_slice %arg8[%dma_start3A, %dma_start3A_144, %dma_start3A_145] : memref<2x128x128xf32, #tpu.memory_space<vmem>> -> memref<1x128x128xf32, #tpu.memory_space<vmem>>
      %dma_start3A_147 = tpu.memref_squeeze %dma_start3A_146 : memref<1x128x128xf32, #tpu.memory_space<vmem>> -> memref<128x128xf32, #tpu.memory_space<vmem>>
      %dma_start3A_148 = tpu.memref_slice %arg6[%mul3A_143] : memref<5120xi32, #tpu.memory_space<vmem>> -> memref<128xi32, #tpu.memory_space<vmem>>
      %dma_start3A_149 = arith.constant 0 : i32
      %dma_start3A_150 = arith.constant 0 : i32
      %dma_start3A_151 = tpu.memref_slice %arg4[%dma_start3A_149, %dma_start3A_150] : memref<10000x128xf32, #tpu.memory_space<hbm>> -> memref<10000x128xf32, #tpu.memory_space<hbm>>
      tpu.enqueue_indirect_dma source(%dma_start3A_151 : memref<10000x128xf32, #tpu.memory_space<hbm>>) target(%dma_start3A_147 : memref<128x128xf32, #tpu.memory_space<vmem>>) offsets(%dma_start3A_148 : memref<128xi32, #tpu.memory_space<vmem>>) semaphore(%arg10 : memref<!tpu.dma_semaphore, #tpu.memory_space<semaphore_mem>>)
      %mul3A_152 = arith.constant 2 : i32
      %mul3A_153 = arith.muli %mul3A_152, %while3A_126 : i32
      %add3A_154 = arith.constant 1 : i32
      %add3A_155 = arith.addi %mul3A_153, %add3A_154 : i32
      %gt3A_156 = arith.constant 0 : i32
      %gt3A_157 = arith.cmpi sgt, %while3A_126, %gt3A_156 : i32
      %convert_element_type3A_158 = arith.extui %gt3A_157 : i1 to i32
      %cond3A_159 = arith.constant 0 : i32
      %cond3A_160 = arith.cmpi ne, %convert_element_type3A_158, %cond3A_159 : i32
      scf.if %cond3A_160 {
        %dma_wait3A_225 = arith.constant 1 : i32
        %dma_wait3A_226 = arith.constant 0 : i32
        %dma_wait3A_227 = arith.constant 0 : i32
        %dma_wait3A_228 = tpu.memref_slice %arg8[%dma_wait3A_225, %dma_wait3A_226, %dma_wait3A_227] : memref<2x128x128xf32, #tpu.memory_space<vmem>> -> memref<1x128x128xf32, #tpu.memory_space<vmem>>
        %dma_wait3A_229 = tpu.memref_squeeze %dma_wait3A_228 : memref<1x128x128xf32, #tpu.memory_space<vmem>> -> memref<128x128xf32, #tpu.memory_space<vmem>>
        %dma_wait3A_230 = arith.constant 0 : i32
        %dma_wait3A_231 = tpu.memref_slice %arg7[%sub3A_60, %dma_wait3A_230] : memref<88x128xi32, #tpu.memory_space<vmem>> -> memref<1x128xi32, #tpu.memory_space<vmem>>
        %dma_wait3A_232 = tpu.memref_squeeze %dma_wait3A_231 : memref<1x128xi32, #tpu.memory_space<vmem>> -> memref<128xi32, #tpu.memory_space<vmem>>
        %dma_wait3A_233 = arith.constant 0 : i32
        %dma_wait3A_234 = arith.constant 0 : i32
        %dma_wait3A_235 = tpu.memref_slice %arg9[%dma_wait3A_233, %dma_wait3A_234] : memref<10000x128xf32, #tpu.memory_space<vmem_shared>> -> memref<10000x128xf32, #tpu.memory_space<vmem_shared>>
        tpu.wait_indirect_dma semaphore(%arg13 : memref<!tpu.dma_semaphore, #tpu.memory_space<semaphore_mem>>) src(%dma_wait3A_229 : memref<128x128xf32, #tpu.memory_space<vmem>>) dst(%dma_wait3A_235 : memref<10000x128xf32, #tpu.memory_space<vmem_shared>>)
      } else {
      }
      %rem3A_161 = arith.constant 40 : i32
      %rem3A_162 = arith.remsi %add3A_155, %rem3A_161 : i32
      %mul3A_163 = arith.constant 128 : i32
      %mul3A_164 = arith.muli %rem3A_162, %mul3A_163 : i32
      %dma_start3A_165 = arith.constant 1 : i32
      %dma_start3A_166 = arith.constant 0 : i32
      %dma_start3A_167 = arith.constant 0 : i32
      %dma_start3A_168 = tpu.memref_slice %arg8[%dma_start3A_165, %dma_start3A_166, %dma_start3A_167] : memref<2x128x128xf32, #tpu.memory_space<vmem>> -> memref<1x128x128xf32, #tpu.memory_space<vmem>>
      %dma_start3A_169 = tpu.memref_squeeze %dma_start3A_168 : memref<1x128x128xf32, #tpu.memory_space<vmem>> -> memref<128x128xf32, #tpu.memory_space<vmem>>
      %dma_start3A_170 = tpu.memref_slice %arg6[%mul3A_164] : memref<5120xi32, #tpu.memory_space<vmem>> -> memref<128xi32, #tpu.memory_space<vmem>>
      %dma_start3A_171 = arith.constant 0 : i32
      %dma_start3A_172 = arith.constant 0 : i32
      %dma_start3A_173 = tpu.memref_slice %arg4[%dma_start3A_171, %dma_start3A_172] : memref<10000x128xf32, #tpu.memory_space<hbm>> -> memref<10000x128xf32, #tpu.memory_space<hbm>>
      tpu.enqueue_indirect_dma source(%dma_start3A_173 : memref<10000x128xf32, #tpu.memory_space<hbm>>) target(%dma_start3A_169 : memref<128x128xf32, #tpu.memory_space<vmem>>) offsets(%dma_start3A_170 : memref<128xi32, #tpu.memory_space<vmem>>) semaphore(%arg11 : memref<!tpu.dma_semaphore, #tpu.memory_space<semaphore_mem>>)
      %mul3A_174 = arith.constant 2 : i32
      %mul3A_175 = arith.muli %mul3A_174, %while3A_126 : i32
      %add3A_176 = arith.constant 0 : i32
      %add3A_177 = arith.addi %mul3A_175, %add3A_176 : i32
      %dma_wait3A_178 = arith.constant 0 : i32
      %dma_wait3A_179 = arith.constant 0 : i32
      %dma_wait3A_180 = arith.constant 0 : i32
      %dma_wait3A_181 = tpu.memref_slice %arg8[%dma_wait3A_178, %dma_wait3A_179, %dma_wait3A_180] : memref<2x128x128xf32, #tpu.memory_space<vmem>> -> memref<1x128x128xf32, #tpu.memory_space<vmem>>
      %dma_wait3A_182 = tpu.memref_squeeze %dma_wait3A_181 : memref<1x128x128xf32, #tpu.memory_space<vmem>> -> memref<128x128xf32, #tpu.memory_space<vmem>>
      %dma_wait3A_183 = tpu.memref_slice %arg6[%mul3A_143] : memref<5120xi32, #tpu.memory_space<vmem>> -> memref<128xi32, #tpu.memory_space<vmem>>
      %dma_wait3A_184 = arith.constant 0 : i32
      %dma_wait3A_185 = arith.constant 0 : i32
      %dma_wait3A_186 = tpu.memref_slice %arg4[%dma_wait3A_184, %dma_wait3A_185] : memref<10000x128xf32, #tpu.memory_space<hbm>> -> memref<10000x128xf32, #tpu.memory_space<hbm>>
      tpu.wait_indirect_dma semaphore(%arg10 : memref<!tpu.dma_semaphore, #tpu.memory_space<semaphore_mem>>) src(%dma_wait3A_186 : memref<10000x128xf32, #tpu.memory_space<hbm>>) dst(%dma_wait3A_182 : memref<128x128xf32, #tpu.memory_space<vmem>>)
      %add3A_187 = arith.addi %sub3A_60, %add3A_177 : i32
      %dma_start3A_188 = arith.constant 0 : i32
      %dma_start3A_189 = arith.constant 0 : i32
      %dma_start3A_190 = arith.constant 0 : i32
      %dma_start3A_191 = tpu.memref_slice %arg8[%dma_start3A_188, %dma_start3A_189, %dma_start3A_190] : memref<2x128x128xf32, #tpu.memory_space<vmem>> -> memref<1x128x128xf32, #tpu.memory_space<vmem>>
      %dma_start3A_192 = tpu.memref_squeeze %dma_start3A_191 : memref<1x128x128xf32, #tpu.memory_space<vmem>> -> memref<128x128xf32, #tpu.memory_space<vmem>>
      %dma_start3A_193 = arith.constant 0 : i32
      %dma_start3A_194 = tpu.memref_slice %arg7[%add3A_187, %dma_start3A_193] : memref<88x128xi32, #tpu.memory_space<vmem>> -> memref<1x128xi32, #tpu.memory_space<vmem>>
      %dma_start3A_195 = tpu.memref_squeeze %dma_start3A_194 : memref<1x128xi32, #tpu.memory_space<vmem>> -> memref<128xi32, #tpu.memory_space<vmem>>
      %dma_start3A_196 = arith.constant 0 : i32
      %dma_start3A_197 = arith.constant 0 : i32
      %dma_start3A_198 = tpu.memref_slice %arg9[%dma_start3A_196, %dma_start3A_197] : memref<10000x128xf32, #tpu.memory_space<vmem_shared>> -> memref<10000x128xf32, #tpu.memory_space<vmem_shared>>
      tpu.enqueue_indirect_dma source(%dma_start3A_192 : memref<128x128xf32, #tpu.memory_space<vmem>>) target(%dma_start3A_198 : memref<10000x128xf32, #tpu.memory_space<vmem_shared>>) offsets(%dma_start3A_195 : memref<128xi32, #tpu.memory_space<vmem>>) semaphore(%arg12 : memref<!tpu.dma_semaphore, #tpu.memory_space<semaphore_mem>>) {add = true}
      %mul3A_199 = arith.constant 2 : i32
      %mul3A_200 = arith.muli %mul3A_199, %while3A_126 : i32
      %add3A_201 = arith.constant 1 : i32
      %add3A_202 = arith.addi %mul3A_200, %add3A_201 : i32
      %dma_wait3A_203 = arith.constant 1 : i32
      %dma_wait3A_204 = arith.constant 0 : i32
      %dma_wait3A_205 = arith.constant 0 : i32
      %dma_wait3A_206 = tpu.memref_slice %arg8[%dma_wait3A_203, %dma_wait3A_204, %dma_wait3A_205] : memref<2x128x128xf32, #tpu.memory_space<vmem>> -> memref<1x128x128xf32, #tpu.memory_space<vmem>>
      %dma_wait3A_207 = tpu.memref_squeeze %dma_wait3A_206 : memref<1x128x128xf32, #tpu.memory_space<vmem>> -> memref<128x128xf32, #tpu.memory_space<vmem>>
      %dma_wait3A_208 = tpu.memref_slice %arg6[%mul3A_164] : memref<5120xi32, #tpu.memory_space<vmem>> -> memref<128xi32, #tpu.memory_space<vmem>>
      %dma_wait3A_209 = arith.constant 0 : i32
      %dma_wait3A_210 = arith.constant 0 : i32
      %dma_wait3A_211 = tpu.memref_slice %arg4[%dma_wait3A_209, %dma_wait3A_210] : memref<10000x128xf32, #tpu.memory_space<hbm>> -> memref<10000x128xf32, #tpu.memory_space<hbm>>
      tpu.wait_indirect_dma semaphore(%arg11 : memref<!tpu.dma_semaphore, #tpu.memory_space<semaphore_mem>>) src(%dma_wait3A_211 : memref<10000x128xf32, #tpu.memory_space<hbm>>) dst(%dma_wait3A_207 : memref<128x128xf32, #tpu.memory_space<vmem>>)
      %add3A_212 = arith.addi %sub3A_60, %add3A_202 : i32
      %dma_start3A_213 = arith.constant 1 : i32
      %dma_start3A_214 = arith.constant 0 : i32
      %dma_start3A_215 = arith.constant 0 : i32
      %dma_start3A_216 = tpu.memref_slice %arg8[%dma_start3A_213, %dma_start3A_214, %dma_start3A_215] : memref<2x128x128xf32, #tpu.memory_space<vmem>> -> memref<1x128x128xf32, #tpu.memory_space<vmem>>
      %dma_start3A_217 = tpu.memref_squeeze %dma_start3A_216 : memref<1x128x128xf32, #tpu.memory_space<vmem>> -> memref<128x128xf32, #tpu.memory_space<vmem>>
      %dma_start3A_218 = arith.constant 0 : i32
      %dma_start3A_219 = tpu.memref_slice %arg7[%add3A_212, %dma_start3A_218] : memref<88x128xi32, #tpu.memory_space<vmem>> -> memref<1x128xi32, #tpu.memory_space<vmem>>
      %dma_start3A_220 = tpu.memref_squeeze %dma_start3A_219 : memref<1x128xi32, #tpu.memory_space<vmem>> -> memref<128xi32, #tpu.memory_space<vmem>>
      %dma_start3A_221 = arith.constant 0 : i32
      %dma_start3A_222 = arith.constant 0 : i32
      %dma_start3A_223 = tpu.memref_slice %arg9[%dma_start3A_221, %dma_start3A_222] : memref<10000x128xf32, #tpu.memory_space<vmem_shared>> -> memref<10000x128xf32, #tpu.memory_space<vmem_shared>>
      tpu.enqueue_indirect_dma source(%dma_start3A_217 : memref<128x128xf32, #tpu.memory_space<vmem>>) target(%dma_start3A_223 : memref<10000x128xf32, #tpu.memory_space<vmem_shared>>) offsets(%dma_start3A_220 : memref<128xi32, #tpu.memory_space<vmem>>) semaphore(%arg13 : memref<!tpu.dma_semaphore, #tpu.memory_space<semaphore_mem>>) {add = true}
      %while3A_224 = arith.constant 0 : i32
      scf.yield %while3A_224 : i32
    }
    %while3A_78 = arith.constant 1 : i32
    %while3A_79 = scf.for %while3A_126 = %while3A_75 to %while3A_71 step %while3A_78 iter_args(%while3A_127 = %while3A_77) -> (i32)  : i32 {
      %eq3A_128 = arith.constant 20 : i32
      %eq3A_129 = arith.cmpi eq, %while3A_126, %eq3A_128 : i32
      %convert_element_type3A_130 = arith.extui %eq3A_129 : i1 to i32
      %cond3A = arith.constant 0 : i32
      %cond3A_131 = arith.cmpi ne, %convert_element_type3A_130, %cond3A : i32
      scf.if %cond3A_131 {
        %add3A_225 = arith.constant 40 : i32
        %add3A_226 = arith.addi %add3A_39, %add3A_225 : i32
        %mul3A_227 = arith.constant 128 : i32
        %mul3A_228 = arith.muli %add3A_226, %mul3A_227 : i32
        "tpu.region"() ({
          %run_scoped3A = tpu.sem_alloc : memref<!tpu.dma_semaphore, #tpu.memory_space<semaphore_mem>>
          %dma_start3A_229 = tpu.memref_slice %arg2[%mul3A_228] : memref<321536xi32, #tpu.memory_space<hbm>> -> memref<5120xi32, #tpu.memory_space<hbm>>
          %dma_start3A_230 = tpu.memref_slice %arg2[%mul3A_228] : memref<321536xi32, #tpu.memory_space<hbm>> -> memref<5120xi32, #tpu.memory_space<hbm>>
          tpu.enqueue_dma source(%dma_start3A_230 : memref<5120xi32, #tpu.memory_space<hbm>>) target(%arg6 : memref<5120xi32, #tpu.memory_space<vmem>>) target_semaphore(%run_scoped3A : memref<!tpu.dma_semaphore, #tpu.memory_space<semaphore_mem>>)
          %dma_wait3A_231 = tpu.memref_slice %arg2[%mul3A_228] : memref<321536xi32, #tpu.memory_space<hbm>> -> memref<5120xi32, #tpu.memory_space<hbm>>
          %dma_wait3A_232 = tpu.memref_slice %arg2[%mul3A_228] : memref<321536xi32, #tpu.memory_space<hbm>> -> memref<5120xi32, #tpu.memory_space<hbm>>
          tpu.wait_dma2 semaphore(%run_scoped3A : memref<!tpu.dma_semaphore, #tpu.memory_space<semaphore_mem>>) src(%dma_wait3A_232 : memref<5120xi32, #tpu.memory_space<hbm>>) dst(%arg6 : memref<5120xi32, #tpu.memory_space<vmem>>)
          tpu.yield
        }) : () -> ()
      } else {
      }
      %mul3A_132 = arith.constant 2 : i32
      %mul3A_133 = arith.muli %mul3A_132, %while3A_126 : i32
      %add3A_134 = arith.constant 0 : i32
      %add3A_135 = arith.addi %mul3A_133, %add3A_134 : i32
      %gt3A = arith.constant 0 : i32
      %gt3A_136 = arith.cmpi sgt, %while3A_126, %gt3A : i32
      %convert_element_type3A_137 = arith.extui %gt3A_136 : i1 to i32
      %cond3A_138 = arith.constant 0 : i32
      %cond3A_139 = arith.cmpi ne, %convert_element_type3A_137, %cond3A_138 : i32
      scf.if %cond3A_139 {
        %dma_wait3A_225 = arith.constant 0 : i32
        %dma_wait3A_226 = arith.constant 0 : i32
        %dma_wait3A_227 = arith.constant 0 : i32
        %dma_wait3A_228 = tpu.memref_slice %arg8[%dma_wait3A_225, %dma_wait3A_226, %dma_wait3A_227] : memref<2x128x128xf32, #tpu.memory_space<vmem>> -> memref<1x128x128xf32, #tpu.memory_space<vmem>>
        %dma_wait3A_229 = tpu.memref_squeeze %dma_wait3A_228 : memref<1x128x128xf32, #tpu.memory_space<vmem>> -> memref<128x128xf32, #tpu.memory_space<vmem>>
        %dma_wait3A_230 = arith.constant 0 : i32
        %dma_wait3A_231 = tpu.memref_slice %arg7[%sub3A_60, %dma_wait3A_230] : memref<88x128xi32, #tpu.memory_space<vmem>> -> memref<1x128xi32, #tpu.memory_space<vmem>>
        %dma_wait3A_232 = tpu.memref_squeeze %dma_wait3A_231 : memref<1x128xi32, #tpu.memory_space<vmem>> -> memref<128xi32, #tpu.memory_space<vmem>>
        %dma_wait3A_233 = arith.constant 0 : i32
        %dma_wait3A_234 = arith.constant 0 : i32
        %dma_wait3A_235 = tpu.memref_slice %arg9[%dma_wait3A_233, %dma_wait3A_234] : memref<10000x128xf32, #tpu.memory_space<vmem_shared>> -> memref<10000x128xf32, #tpu.memory_space<vmem_shared>>
        tpu.wait_indirect_dma semaphore(%arg12 : memref<!tpu.dma_semaphore, #tpu.memory_space<semaphore_mem>>) src(%dma_wait3A_229 : memref<128x128xf32, #tpu.memory_space<vmem>>) dst(%dma_wait3A_235 : memref<10000x128xf32, #tpu.memory_space<vmem_shared>>)
      } else {
      }
      %rem3A_140 = arith.constant 40 : i32
      %rem3A_141 = arith.remsi %add3A_135, %rem3A_140 : i32
      %mul3A_142 = arith.constant 128 : i32
      %mul3A_143 = arith.muli %rem3A_141, %mul3A_142 : i32
      %dma_start3A = arith.constant 0 : i32
      %dma_start3A_144 = arith.constant 0 : i32
      %dma_start3A_145 = arith.constant 0 : i32
      %dma_start3A_146 = tpu.memref_slice %arg8[%dma_start3A, %dma_start3A_144, %dma_start3A_145] : memref<2x128x128xf32, #tpu.memory_space<vmem>> -> memref<1x128x128xf32, #tpu.memory_space<vmem>>
      %dma_start3A_147 = tpu.memref_squeeze %dma_start3A_146 : memref<1x128x128xf32, #tpu.memory_space<vmem>> -> memref<128x128xf32, #tpu.memory_space<vmem>>
      %dma_start3A_148 = tpu.memref_slice %arg6[%mul3A_143] : memref<5120xi32, #tpu.memory_space<vmem>> -> memref<128xi32, #tpu.memory_space<vmem>>
      %dma_start3A_149 = arith.constant 0 : i32
      %dma_start3A_150 = arith.constant 0 : i32
      %dma_start3A_151 = tpu.memref_slice %arg4[%dma_start3A_149, %dma_start3A_150] : memref<10000x128xf32, #tpu.memory_space<hbm>> -> memref<10000x128xf32, #tpu.memory_space<hbm>>
      tpu.enqueue_indirect_dma source(%dma_start3A_151 : memref<10000x128xf32, #tpu.memory_space<hbm>>) target(%dma_start3A_147 : memref<128x128xf32, #tpu.memory_space<vmem>>) offsets(%dma_start3A_148 : memref<128xi32, #tpu.memory_space<vmem>>) semaphore(%arg10 : memref<!tpu.dma_semaphore, #tpu.memory_space<semaphore_mem>>)
      %mul3A_152 = arith.constant 2 : i32
      %mul3A_153 = arith.muli %mul3A_152, %while3A_126 : i32
      %add3A_154 = arith.constant 1 : i32
      %add3A_155 = arith.addi %mul3A_153, %add3A_154 : i32
      %gt3A_156 = arith.constant 0 : i32
      %gt3A_157 = arith.cmpi sgt, %while3A_126, %gt3A_156 : i32
      %convert_element_type3A_158 = arith.extui %gt3A_157 : i1 to i32
      %cond3A_159 = arith.constant 0 : i32
      %cond3A_160 = arith.cmpi ne, %convert_element_type3A_158, %cond3A_159 : i32
      scf.if %cond3A_160 {
        %dma_wait3A_225 = arith.constant 1 : i32
        %dma_wait3A_226 = arith.constant 0 : i32
        %dma_wait3A_227 = arith.constant 0 : i32
        %dma_wait3A_228 = tpu.memref_slice %arg8[%dma_wait3A_225, %dma_wait3A_226, %dma_wait3A_227] : memref<2x128x128xf32, #tpu.memory_space<vmem>> -> memref<1x128x128xf32, #tpu.memory_space<vmem>>
        %dma_wait3A_229 = tpu.memref_squeeze %dma_wait3A_228 : memref<1x128x128xf32, #tpu.memory_space<vmem>> -> memref<128x128xf32, #tpu.memory_space<vmem>>
        %dma_wait3A_230 = arith.constant 0 : i32
        %dma_wait3A_231 = tpu.memref_slice %arg7[%sub3A_60, %dma_wait3A_230] : memref<88x128xi32, #tpu.memory_space<vmem>> -> memref<1x128xi32, #tpu.memory_space<vmem>>
        %dma_wait3A_232 = tpu.memref_squeeze %dma_wait3A_231 : memref<1x128xi32, #tpu.memory_space<vmem>> -> memref<128xi32, #tpu.memory_space<vmem>>
        %dma_wait3A_233 = arith.constant 0 : i32
        %dma_wait3A_234 = arith.constant 0 : i32
        %dma_wait3A_235 = tpu.memref_slice %arg9[%dma_wait3A_233, %dma_wait3A_234] : memref<10000x128xf32, #tpu.memory_space<vmem_shared>> -> memref<10000x128xf32, #tpu.memory_space<vmem_shared>>
        tpu.wait_indirect_dma semaphore(%arg13 : memref<!tpu.dma_semaphore, #tpu.memory_space<semaphore_mem>>) src(%dma_wait3A_229 : memref<128x128xf32, #tpu.memory_space<vmem>>) dst(%dma_wait3A_235 : memref<10000x128xf32, #tpu.memory_space<vmem_shared>>)
      } else {
      }
      %rem3A_161 = arith.constant 40 : i32
      %rem3A_162 = arith.remsi %add3A_155, %rem3A_161 : i32
      %mul3A_163 = arith.constant 128 : i32
      %mul3A_164 = arith.muli %rem3A_162, %mul3A_163 : i32
      %dma_start3A_165 = arith.constant 1 : i32
      %dma_start3A_166 = arith.constant 0 : i32
      %dma_start3A_167 = arith.constant 0 : i32
      %dma_start3A_168 = tpu.memref_slice %arg8[%dma_start3A_165, %dma_start3A_166, %dma_start3A_167] : memref<2x128x128xf32, #tpu.memory_space<vmem>> -> memref<1x128x128xf32, #tpu.memory_space<vmem>>
      %dma_start3A_169 = tpu.memref_squeeze %dma_start3A_168 : memref<1x128x128xf32, #tpu.memory_space<vmem>> -> memref<128x128xf32, #tpu.memory_space<vmem>>
      %dma_start3A_170 = tpu.memref_slice %arg6[%mul3A_164] : memref<5120xi32, #tpu.memory_space<vmem>> -> memref<128xi32, #tpu.memory_space<vmem>>
      %dma_start3A_171 = arith.constant 0 : i32
      %dma_start3A_172 = arith.constant 0 : i32
      %dma_start3A_173 = tpu.memref_slice %arg4[%dma_start3A_171, %dma_start3A_172] : memref<10000x128xf32, #tpu.memory_space<hbm>> -> memref<10000x128xf32, #tpu.memory_space<hbm>>
      tpu.enqueue_indirect_dma source(%dma_start3A_173 : memref<10000x128xf32, #tpu.memory_space<hbm>>) target(%dma_start3A_169 : memref<128x128xf32, #tpu.memory_space<vmem>>) offsets(%dma_start3A_170 : memref<128xi32, #tpu.memory_space<vmem>>) semaphore(%arg11 : memref<!tpu.dma_semaphore, #tpu.memory_space<semaphore_mem>>)
      %mul3A_174 = arith.constant 2 : i32
      %mul3A_175 = arith.muli %mul3A_174, %while3A_126 : i32
      %add3A_176 = arith.constant 0 : i32
      %add3A_177 = arith.addi %mul3A_175, %add3A_176 : i32
      %dma_wait3A_178 = arith.constant 0 : i32
      %dma_wait3A_179 = arith.constant 0 : i32
      %dma_wait3A_180 = arith.constant 0 : i32
      %dma_wait3A_181 = tpu.memref_slice %arg8[%dma_wait3A_178, %dma_wait3A_179, %dma_wait3A_180] : memref<2x128x128xf32, #tpu.memory_space<vmem>> -> memref<1x128x128xf32, #tpu.memory_space<vmem>>
      %dma_wait3A_182 = tpu.memref_squeeze %dma_wait3A_181 : memref<1x128x128xf32, #tpu.memory_space<vmem>> -> memref<128x128xf32, #tpu.memory_space<vmem>>
      %dma_wait3A_183 = tpu.memref_slice %arg6[%mul3A_143] : memref<5120xi32, #tpu.memory_space<vmem>> -> memref<128xi32, #tpu.memory_space<vmem>>
      %dma_wait3A_184 = arith.constant 0 : i32
      %dma_wait3A_185 = arith.constant 0 : i32
      %dma_wait3A_186 = tpu.memref_slice %arg4[%dma_wait3A_184, %dma_wait3A_185] : memref<10000x128xf32, #tpu.memory_space<hbm>> -> memref<10000x128xf32, #tpu.memory_space<hbm>>
      tpu.wait_indirect_dma semaphore(%arg10 : memref<!tpu.dma_semaphore, #tpu.memory_space<semaphore_mem>>) src(%dma_wait3A_186 : memref<10000x128xf32, #tpu.memory_space<hbm>>) dst(%dma_wait3A_182 : memref<128x128xf32, #tpu.memory_space<vmem>>)
      %add3A_187 = arith.addi %sub3A_60, %add3A_177 : i32
      %dma_start3A_188 = arith.constant 0 : i32
      %dma_start3A_189 = arith.constant 0 : i32
      %dma_start3A_190 = arith.constant 0 : i32
      %dma_start3A_191 = tpu.memref_slice %arg8[%dma_start3A_188, %dma_start3A_189, %dma_start3A_190] : memref<2x128x128xf32, #tpu.memory_space<vmem>> -> memref<1x128x128xf32, #tpu.memory_space<vmem>>
      %dma_start3A_192 = tpu.memref_squeeze %dma_start3A_191 : memref<1x128x128xf32, #tpu.memory_space<vmem>> -> memref<128x128xf32, #tpu.memory_space<vmem>>
      %dma_start3A_193 = arith.constant 0 : i32
      %dma_start3A_194 = tpu.memref_slice %arg7[%add3A_187, %dma_start3A_193] : memref<88x128xi32, #tpu.memory_space<vmem>> -> memref<1x128xi32, #tpu.memory_space<vmem>>
      %dma_start3A_195 = tpu.memref_squeeze %dma_start3A_194 : memref<1x128xi32, #tpu.memory_space<vmem>> -> memref<128xi32, #tpu.memory_space<vmem>>
      %dma_start3A_196 = arith.constant 0 : i32
      %dma_start3A_197 = arith.constant 0 : i32
      %dma_start3A_198 = tpu.memref_slice %arg9[%dma_start3A_196, %dma_start3A_197] : memref<10000x128xf32, #tpu.memory_space<vmem_shared>> -> memref<10000x128xf32, #tpu.memory_space<vmem_shared>>
      tpu.enqueue_indirect_dma source(%dma_start3A_192 : memref<128x128xf32, #tpu.memory_space<vmem>>) target(%dma_start3A_198 : memref<10000x128xf32, #tpu.memory_space<vmem_shared>>) offsets(%dma_start3A_195 : memref<128xi32, #tpu.memory_space<vmem>>) semaphore(%arg12 : memref<!tpu.dma_semaphore, #tpu.memory_space<semaphore_mem>>) {add = true}
      %mul3A_199 = arith.constant 2 : i32
      %mul3A_200 = arith.muli %mul3A_199, %while3A_126 : i32
      %add3A_201 = arith.constant 1 : i32
      %add3A_202 = arith.addi %mul3A_200, %add3A_201 : i32
      %dma_wait3A_203 = arith.constant 1 : i32
      %dma_wait3A_204 = arith.constant 0 : i32
      %dma_wait3A_205 = arith.constant 0 : i32
      %dma_wait3A_206 = tpu.memref_slice %arg8[%dma_wait3A_203, %dma_wait3A_204, %dma_wait3A_205] : memref<2x128x128xf32, #tpu.memory_space<vmem>> -> memref<1x128x128xf32, #tpu.memory_space<vmem>>
      %dma_wait3A_207 = tpu.memref_squeeze %dma_wait3A_206 : memref<1x128x128xf32, #tpu.memory_space<vmem>> -> memref<128x128xf32, #tpu.memory_space<vmem>>
      %dma_wait3A_208 = tpu.memref_slice %arg6[%mul3A_164] : memref<5120xi32, #tpu.memory_space<vmem>> -> memref<128xi32, #tpu.memory_space<vmem>>
      %dma_wait3A_209 = arith.constant 0 : i32
      %dma_wait3A_210 = arith.constant 0 : i32
      %dma_wait3A_211 = tpu.memref_slice %arg4[%dma_wait3A_209, %dma_wait3A_210] : memref<10000x128xf32, #tpu.memory_space<hbm>> -> memref<10000x128xf32, #tpu.memory_space<hbm>>
      tpu.wait_indirect_dma semaphore(%arg11 : memref<!tpu.dma_semaphore, #tpu.memory_space<semaphore_mem>>) src(%dma_wait3A_211 : memref<10000x128xf32, #tpu.memory_space<hbm>>) dst(%dma_wait3A_207 : memref<128x128xf32, #tpu.memory_space<vmem>>)
      %add3A_212 = arith.addi %sub3A_60, %add3A_202 : i32
      %dma_start3A_213 = arith.constant 1 : i32
      %dma_start3A_214 = arith.constant 0 : i32
      %dma_start3A_215 = arith.constant 0 : i32
      %dma_start3A_216 = tpu.memref_slice %arg8[%dma_start3A_213, %dma_start3A_214, %dma_start3A_215] : memref<2x128x128xf32, #tpu.memory_space<vmem>> -> memref<1x128x128xf32, #tpu.memory_space<vmem>>
      %dma_start3A_217 = tpu.memref_squeeze %dma_start3A_216 : memref<1x128x128xf32, #tpu.memory_space<vmem>> -> memref<128x128xf32, #tpu.memory_space<vmem>>
      %dma_start3A_218 = arith.constant 0 : i32
      %dma_start3A_219 = tpu.memref_slice %arg7[%add3A_212, %dma_start3A_218] : memref<88x128xi32, #tpu.memory_space<vmem>> -> memref<1x128xi32, #tpu.memory_space<vmem>>
      %dma_start3A_220 = tpu.memref_squeeze %dma_start3A_219 : memref<1x128xi32, #tpu.memory_space<vmem>> -> memref<128xi32, #tpu.memory_space<vmem>>
      %dma_start3A_221 = arith.constant 0 : i32
      %dma_start3A_222 = arith.constant 0 : i32
      %dma_start3A_223 = tpu.memref_slice %arg9[%dma_start3A_221, %dma_start3A_222] : memref<10000x128xf32, #tpu.memory_space<vmem_shared>> -> memref<10000x128xf32, #tpu.memory_space<vmem_shared>>
      tpu.enqueue_indirect_dma source(%dma_start3A_217 : memref<128x128xf32, #tpu.memory_space<vmem>>) target(%dma_start3A_223 : memref<10000x128xf32, #tpu.memory_space<vmem_shared>>) offsets(%dma_start3A_220 : memref<128xi32, #tpu.memory_space<vmem>>) semaphore(%arg13 : memref<!tpu.dma_semaphore, #tpu.memory_space<semaphore_mem>>) {add = true}
      %while3A_224 = arith.constant 0 : i32
      scf.yield %while3A_224 : i32
    }
    %dma_wait3A = arith.constant 0 : i32
    %dma_wait3A_80 = arith.constant 0 : i32
    %dma_wait3A_81 = arith.constant 0 : i32
    %dma_wait3A_82 = tpu.memref_slice %arg8[%dma_wait3A, %dma_wait3A_80, %dma_wait3A_81] : memref<2x128x128xf32, #tpu.memory_space<vmem>> -> memref<1x128x128xf32, #tpu.memory_space<vmem>>
    %dma_wait3A_83 = tpu.memref_squeeze %dma_wait3A_82 : memref<1x128x128xf32, #tpu.memory_space<vmem>> -> memref<128x128xf32, #tpu.memory_space<vmem>>
    %dma_wait3A_84 = arith.constant 0 : i32
    %dma_wait3A_85 = tpu.memref_slice %arg7[%sub3A_60, %dma_wait3A_84] : memref<88x128xi32, #tpu.memory_space<vmem>> -> memref<1x128xi32, #tpu.memory_space<vmem>>
    %dma_wait3A_86 = tpu.memref_squeeze %dma_wait3A_85 : memref<1x128xi32, #tpu.memory_space<vmem>> -> memref<128xi32, #tpu.memory_space<vmem>>
    %dma_wait3A_87 = arith.constant 0 : i32
    %dma_wait3A_88 = arith.constant 0 : i32
    %dma_wait3A_89 = tpu.memref_slice %arg9[%dma_wait3A_87, %dma_wait3A_88] : memref<10000x128xf32, #tpu.memory_space<vmem_shared>> -> memref<10000x128xf32, #tpu.memory_space<vmem_shared>>
    tpu.wait_indirect_dma semaphore(%arg12 : memref<!tpu.dma_semaphore, #tpu.memory_space<semaphore_mem>>) src(%dma_wait3A_83 : memref<128x128xf32, #tpu.memory_space<vmem>>) dst(%dma_wait3A_89 : memref<10000x128xf32, #tpu.memory_space<vmem_shared>>)
    %dma_wait3A_90 = arith.constant 1 : i32
    %dma_wait3A_91 = arith.constant 0 : i32
    %dma_wait3A_92 = arith.constant 0 : i32
    %dma_wait3A_93 = tpu.memref_slice %arg8[%dma_wait3A_90, %dma_wait3A_91, %dma_wait3A_92] : memref<2x128x128xf32, #tpu.memory_space<vmem>> -> memref<1x128x128xf32, #tpu.memory_space<vmem>>
    %dma_wait3A_94 = tpu.memref_squeeze %dma_wait3A_93 : memref<1x128x128xf32, #tpu.memory_space<vmem>> -> memref<128x128xf32, #tpu.memory_space<vmem>>
    %dma_wait3A_95 = arith.constant 0 : i32
    %dma_wait3A_96 = tpu.memref_slice %arg7[%sub3A_60, %dma_wait3A_95] : memref<88x128xi32, #tpu.memory_space<vmem>> -> memref<1x128xi32, #tpu.memory_space<vmem>>
    %dma_wait3A_97 = tpu.memref_squeeze %dma_wait3A_96 : memref<1x128xi32, #tpu.memory_space<vmem>> -> memref<128xi32, #tpu.memory_space<vmem>>
    %dma_wait3A_98 = arith.constant 0 : i32
    %dma_wait3A_99 = arith.constant 0 : i32
    %dma_wait3A_100 = tpu.memref_slice %arg9[%dma_wait3A_98, %dma_wait3A_99] : memref<10000x128xf32, #tpu.memory_space<vmem_shared>> -> memref<10000x128xf32, #tpu.memory_space<vmem_shared>>
    tpu.wait_indirect_dma semaphore(%arg13 : memref<!tpu.dma_semaphore, #tpu.memory_space<semaphore_mem>>) src(%dma_wait3A_94 : memref<128x128xf32, #tpu.memory_space<vmem>>) dst(%dma_wait3A_100 : memref<10000x128xf32, #tpu.memory_space<vmem_shared>>)
    %barrier3A_101 = arith.constant 0 : index
    tpu.barrier barrier_id(%barrier3A_101)
    %while3A_102 = arith.constant 0 : i32
    %while3A_103 = arith.constant 0 : i32
    %while3A_104 = arith.subi %select_n3A, %while3A_102 : i32
    %while3A_105 = arith.addi %while3A_102, %while3A_104 : i32
    %while3A_106 = arith.constant 1 : i32
    %while3A_107 = arith.divsi %while3A_104, %while3A_106 : i32
    %while3A_108 = arith.muli %while3A_107, %while3A_106 : i32
    %while3A_109 = arith.addi %while3A_102, %while3A_108 : i32
    %while3A_110 = arith.constant 1 : i32
    %while3A_111 = scf.for %while3A_126 = %while3A_102 to %while3A_109 step %while3A_110 iter_args(%while3A_127 = %while3A_103) -> (i32)  : i32 {
      %mul3A_128 = arith.constant 16 : i32
      %mul3A_129 = arith.muli %while3A_126, %mul3A_128 : i32
      %add3A_130 = arith.addi %mul3A_8, %mul3A_129 : i32
      %mul3A_131 = arith.constant 16 : i32
      %mul3A_132 = arith.muli %while3A_126, %mul3A_131 : i32
      %add3A_133 = arith.addi %mul3A_8, %mul3A_132 : i32
      %dma_start3A = arith.constant 0 : i32
      %dma_start3A_134 = tpu.memref_slice %arg5[%arg0, %add3A_133, %dma_start3A] : memref<2x10000x128xf32, #tpu.memory_space<hbm>> -> memref<1x16x128xf32, #tpu.memory_space<hbm>>
      %dma_start3A_135 = tpu.memref_squeeze %dma_start3A_134 : memref<1x16x128xf32, #tpu.memory_space<hbm>> -> memref<16x128xf32, #tpu.memory_space<hbm>>
      %dma_start3A_136 = arith.constant 0 : i32
      %dma_start3A_137 = tpu.memref_slice %arg9[%add3A_130, %dma_start3A_136] : memref<10000x128xf32, #tpu.memory_space<vmem_shared>> -> memref<16x128xf32, #tpu.memory_space<vmem_shared>>
      tpu.enqueue_dma source(%dma_start3A_137 : memref<16x128xf32, #tpu.memory_space<vmem_shared>>) target(%dma_start3A_135 : memref<16x128xf32, #tpu.memory_space<hbm>>) target_semaphore(%arg14 : memref<!tpu.dma_semaphore, #tpu.memory_space<semaphore_mem>>)
      %while3A_138 = arith.constant 0 : i32
      scf.yield %while3A_138 : i32
    }
    %while3A_112 = arith.constant 1 : i32
    %while3A_113 = scf.for %while3A_126 = %while3A_109 to %while3A_105 step %while3A_112 iter_args(%while3A_127 = %while3A_111) -> (i32)  : i32 {
      %mul3A_128 = arith.constant 16 : i32
      %mul3A_129 = arith.muli %while3A_126, %mul3A_128 : i32
      %add3A_130 = arith.addi %mul3A_8, %mul3A_129 : i32
      %mul3A_131 = arith.constant 16 : i32
      %mul3A_132 = arith.muli %while3A_126, %mul3A_131 : i32
      %add3A_133 = arith.addi %mul3A_8, %mul3A_132 : i32
      %dma_start3A = arith.constant 0 : i32
      %dma_start3A_134 = tpu.memref_slice %arg5[%arg0, %add3A_133, %dma_start3A] : memref<2x10000x128xf32, #tpu.memory_space<hbm>> -> memref<1x16x128xf32, #tpu.memory_space<hbm>>
      %dma_start3A_135 = tpu.memref_squeeze %dma_start3A_134 : memref<1x16x128xf32, #tpu.memory_space<hbm>> -> memref<16x128xf32, #tpu.memory_space<hbm>>
      %dma_start3A_136 = arith.constant 0 : i32
      %dma_start3A_137 = tpu.memref_slice %arg9[%add3A_130, %dma_start3A_136] : memref<10000x128xf32, #tpu.memory_space<vmem_shared>> -> memref<16x128xf32, #tpu.memory_space<vmem_shared>>
      tpu.enqueue_dma source(%dma_start3A_137 : memref<16x128xf32, #tpu.memory_space<vmem_shared>>) target(%dma_start3A_135 : memref<16x128xf32, #tpu.memory_space<hbm>>) target_semaphore(%arg14 : memref<!tpu.dma_semaphore, #tpu.memory_space<semaphore_mem>>)
      %while3A_138 = arith.constant 0 : i32
      scf.yield %while3A_138 : i32
    }
    %while3A_114 = arith.constant 0 : i32
    %while3A_115 = arith.constant 0 : i32
    %while3A_116 = arith.subi %select_n3A, %while3A_114 : i32
    %while3A_117 = arith.addi %while3A_114, %while3A_116 : i32
    %while3A_118 = arith.constant 1 : i32
    %while3A_119 = arith.divsi %while3A_116, %while3A_118 : i32
    %while3A_120 = arith.muli %while3A_119, %while3A_118 : i32
    %while3A_121 = arith.addi %while3A_114, %while3A_120 : i32
    %while3A_122 = arith.constant 1 : i32
    %while3A_123 = scf.for %while3A_126 = %while3A_114 to %while3A_121 step %while3A_122 iter_args(%while3A_127 = %while3A_115) -> (i32)  : i32 {
      %mul3A_128 = arith.constant 16 : i32
      %mul3A_129 = arith.muli %while3A_126, %mul3A_128 : i32
      %add3A_130 = arith.addi %mul3A_8, %mul3A_129 : i32
      %mul3A_131 = arith.constant 16 : i32
      %mul3A_132 = arith.muli %while3A_126, %mul3A_131 : i32
      %add3A_133 = arith.addi %mul3A_8, %mul3A_132 : i32
      %dma_wait3A_134 = arith.constant 0 : i32
      %dma_wait3A_135 = tpu.memref_slice %arg5[%arg0, %add3A_133, %dma_wait3A_134] : memref<2x10000x128xf32, #tpu.memory_space<hbm>> -> memref<1x16x128xf32, #tpu.memory_space<hbm>>
      %dma_wait3A_136 = tpu.memref_squeeze %dma_wait3A_135 : memref<1x16x128xf32, #tpu.memory_space<hbm>> -> memref<16x128xf32, #tpu.memory_space<hbm>>
      %dma_wait3A_137 = arith.constant 0 : i32
      %dma_wait3A_138 = tpu.memref_slice %arg9[%add3A_130, %dma_wait3A_137] : memref<10000x128xf32, #tpu.memory_space<vmem_shared>> -> memref<16x128xf32, #tpu.memory_space<vmem_shared>>
      tpu.wait_dma2 semaphore(%arg14 : memref<!tpu.dma_semaphore, #tpu.memory_space<semaphore_mem>>) src(%dma_wait3A_138 : memref<16x128xf32, #tpu.memory_space<vmem_shared>>) dst(%dma_wait3A_136 : memref<16x128xf32, #tpu.memory_space<hbm>>)
      %while3A_139 = arith.constant 0 : i32
      scf.yield %while3A_139 : i32
    }
    %while3A_124 = arith.constant 1 : i32
    %while3A_125 = scf.for %while3A_126 = %while3A_121 to %while3A_117 step %while3A_124 iter_args(%while3A_127 = %while3A_123) -> (i32)  : i32 {
      %mul3A_128 = arith.constant 16 : i32
      %mul3A_129 = arith.muli %while3A_126, %mul3A_128 : i32
      %add3A_130 = arith.addi %mul3A_8, %mul3A_129 : i32
      %mul3A_131 = arith.constant 16 : i32
      %mul3A_132 = arith.muli %while3A_126, %mul3A_131 : i32
      %add3A_133 = arith.addi %mul3A_8, %mul3A_132 : i32
      %dma_wait3A_134 = arith.constant 0 : i32
      %dma_wait3A_135 = tpu.memref_slice %arg5[%arg0, %add3A_133, %dma_wait3A_134] : memref<2x10000x128xf32, #tpu.memory_space<hbm>> -> memref<1x16x128xf32, #tpu.memory_space<hbm>>
      %dma_wait3A_136 = tpu.memref_squeeze %dma_wait3A_135 : memref<1x16x128xf32, #tpu.memory_space<hbm>> -> memref<16x128xf32, #tpu.memory_space<hbm>>
      %dma_wait3A_137 = arith.constant 0 : i32
      %dma_wait3A_138 = tpu.memref_slice %arg9[%add3A_130, %dma_wait3A_137] : memref<10000x128xf32, #tpu.memory_space<vmem_shared>> -> memref<16x128xf32, #tpu.memory_space<vmem_shared>>
      tpu.wait_dma2 semaphore(%arg14 : memref<!tpu.dma_semaphore, #tpu.memory_space<semaphore_mem>>) src(%dma_wait3A_138 : memref<16x128xf32, #tpu.memory_space<vmem_shared>>) dst(%dma_wait3A_136 : memref<16x128xf32, #tpu.memory_space<hbm>>)
      %while3A_139 = arith.constant 0 : i32
      scf.yield %while3A_139 : i32
    }
    return
  }
}

module attributes {stable_mosaic.version = 14 : i64} {
  func.func @_pre_body(%arg0: i32, %arg1: memref<2x32x1024xf32, #tpu.memory_space<vmem>>, %arg2: memref<1024x128xf32, #tpu.memory_space<vmem>>, %arg3: memref<1x1024xf32, #tpu.memory_space<vmem>>, %arg4: memref<1x1024xf32, #tpu.memory_space<vmem>>, %arg5: memref<1024x128xf32, #tpu.memory_space<vmem>>) attributes {dimension_semantics = [#tpu.dimension_semantics<arbitrary>], iteration_bounds = array<i64: 10>, scalar_prefetch = 0 : i64, scratch_operands = 0 : i64, tpu.core_type = #tpu.core_type<tc>, window_params = [{transform_indices = @transform_0, window_bounds = array<i64: 2, 32, 1024>}, {transform_indices = @transform_1, window_bounds = array<i64: 1024, 128>}, {transform_indices = @transform_2, window_bounds = array<i64: 1, 1024>}, {transform_indices = @transform_3, window_bounds = array<i64: 1, 1024>}, {transform_indices = @transform_4, window_bounds = array<i64: 1024, 128>}]} {
    %get3A = arith.constant 0 : index
    %get3A_0 = arith.constant 0 : index
    %get3A_1 = arith.constant 0 : index
    %get3A_2 = vector.load %arg1[%get3A, %get3A_0, %get3A_1] : memref<2x32x1024xf32, #tpu.memory_space<vmem>>, vector<2x32x1024xf32>
    %reduce_sum3A = arith.constant dense<0.000000e+00> : vector<2x1024xf32>
    %reduce_sum3A_3 = vector.multi_reduction <add>, %get3A_2, %reduce_sum3A [1] : vector<2x32x1024xf32> to vector<2x1024xf32>
    %max3A = arith.constant 1.000000e+00 : f32
    %max3A_4 = vector.broadcast %max3A : f32 to vector<2x1024xf32>
    %max3A_5 = arith.maximumf %reduce_sum3A_3, %max3A_4 : vector<2x1024xf32>
    %rsqrt3A = math.rsqrt %max3A_5 : vector<2x1024xf32>
    %slice3A = vector.extract_strided_slice %rsqrt3A {offsets = [0, 0], sizes = [1, 1024], strides = [1, 1]} : vector<2x1024xf32> to vector<1x1024xf32>
    %swap3A = arith.constant 0 : index
    %swap3A_6 = arith.constant 0 : index
    %swap3A_7 = vector.load %arg3[%swap3A, %swap3A_6] : memref<1x1024xf32, #tpu.memory_space<vmem>>, vector<1x1024xf32>
    tpu.vector_store %arg3[%swap3A, %swap3A_6], %slice3A {strides = array<i32>} : memref<1x1024xf32, #tpu.memory_space<vmem>>, vector<1x1024xf32>,
    %slice3A_8 = vector.extract_strided_slice %rsqrt3A {offsets = [1, 0], sizes = [1, 1024], strides = [1, 1]} : vector<2x1024xf32> to vector<1x1024xf32>
    %swap3A_9 = arith.constant 0 : index
    %swap3A_10 = arith.constant 0 : index
    %swap3A_11 = vector.load %arg4[%swap3A_9, %swap3A_10] : memref<1x1024xf32, #tpu.memory_space<vmem>>, vector<1x1024xf32>
    tpu.vector_store %arg4[%swap3A_9, %swap3A_10], %slice3A_8 {strides = array<i32>} : memref<1x1024xf32, #tpu.memory_space<vmem>>, vector<1x1024xf32>,
    %get3A_12 = arith.constant 0 : index
    %get3A_13 = arith.constant 0 : index
    %get3A_14 = vector.load %arg2[%get3A_12, %get3A_13] : memref<1024x128xf32, #tpu.memory_space<vmem>>, vector<1024x128xf32>
    %slice3A_15 = vector.extract_strided_slice %rsqrt3A {offsets = [0, 0], sizes = [1, 1024], strides = [1, 1]} : vector<2x1024xf32> to vector<1x1024xf32>
    %squeeze3A = vector.shape_cast %slice3A_15 : vector<1x1024xf32> to vector<1024xf32>
    %broadcast_in_dim3A = vector.shape_cast %squeeze3A : vector<1024xf32> to vector<1024x1xf32>
    %mul3A = vector.broadcast %broadcast_in_dim3A : vector<1024x1xf32> to vector<1024x128xf32>
    %mul3A_16 = arith.mulf %get3A_14, %mul3A : vector<1024x128xf32>
    %swap3A_17 = arith.constant 0 : index
    %swap3A_18 = arith.constant 0 : index
    %swap3A_19 = vector.load %arg5[%swap3A_17, %swap3A_18] : memref<1024x128xf32, #tpu.memory_space<vmem>>, vector<1024x128xf32>
    tpu.vector_store %arg5[%swap3A_17, %swap3A_18], %mul3A_16 {strides = array<i32>} : memref<1024x128xf32, #tpu.memory_space<vmem>>, vector<1024x128xf32>,
    return
  }
  func.func @transform_0(%arg0: i32) -> (i32, i32, i32) {
    %c0_i32 = arith.constant 0 : i32
    %c0_i32_0 = arith.constant 0 : i32
    %c0_i32_1 = arith.constant 0 : i32
    return %c0_i32, %c0_i32_0, %arg0 : i32, i32, i32
  }
  func.func @transform_1(%arg0: i32) -> (i32, i32) {
    %c0_i32 = arith.constant 0 : i32
    %c0_i32_0 = arith.constant 0 : i32
    return %arg0, %c0_i32 : i32, i32
  }
  func.func @transform_2(%arg0: i32) -> (i32, i32) {
    %c0_i32 = arith.constant 0 : i32
    %c0_i32_0 = arith.constant 0 : i32
    return %c0_i32, %arg0 : i32, i32
  }
  func.func @transform_3(%arg0: i32) -> (i32, i32) {
    %c0_i32 = arith.constant 0 : i32
    %c0_i32_0 = arith.constant 0 : i32
    return %c0_i32, %arg0 : i32, i32
  }
  func.func @transform_4(%arg0: i32) -> (i32, i32) {
    %c0_i32 = arith.constant 0 : i32
    %c0_i32_0 = arith.constant 0 : i32
    return %arg0, %c0_i32 : i32, i32
  }
}

module attributes {stable_mosaic.version = 14 : i64} {
  func.func @_comb1_body(%arg0: i32, %arg1: memref<2x1024x128xf32, #tpu.memory_space<vmem>>, %arg2: memref<1x1024xf32, #tpu.memory_space<vmem>>, %arg3: memref<1x1024xf32, #tpu.memory_space<vmem>>, %arg4: memref<1024x128xf32, #tpu.memory_space<vmem>>, %arg5: memref<1024x128xf32, #tpu.memory_space<vmem>>, %arg6: memref<1024x128xf32, #tpu.memory_space<vmem>>) attributes {dimension_semantics = [#tpu.dimension_semantics<arbitrary>], iteration_bounds = array<i64: 10>, scalar_prefetch = 0 : i64, scratch_operands = 0 : i64, tpu.core_type = #tpu.core_type<tc>, window_params = [{transform_indices = @transform_0, window_bounds = array<i64: 2, 1024, 128>}, {transform_indices = @transform_1, window_bounds = array<i64: 1, 1024>}, {transform_indices = @transform_2, window_bounds = array<i64: 1, 1024>}, {transform_indices = @transform_3, window_bounds = array<i64: 1024, 128>}, {transform_indices = @transform_4, window_bounds = array<i64: 1024, 128>}, {transform_indices = @transform_5, window_bounds = array<i64: 1024, 128>}]} {
    %get3A = arith.constant 0 : index
    %get3A_0 = arith.constant 0 : index
    %get3A_1 = arith.constant 0 : index
    %get3A_2 = vector.load %arg1[%get3A, %get3A_0, %get3A_1] : memref<2x1024x128xf32, #tpu.memory_space<vmem>>, vector<1x1024x128xf32>
    %get3A_3 = vector.shape_cast %get3A_2 : vector<1x1024x128xf32> to vector<1024x128xf32>
    %get3A_4 = arith.constant 1 : index
    %get3A_5 = arith.constant 0 : index
    %get3A_6 = arith.constant 0 : index
    %get3A_7 = vector.load %arg1[%get3A_4, %get3A_5, %get3A_6] : memref<2x1024x128xf32, #tpu.memory_space<vmem>>, vector<1x1024x128xf32>
    %get3A_8 = vector.shape_cast %get3A_7 : vector<1x1024x128xf32> to vector<1024x128xf32>
    %add3A = arith.addf %get3A_3, %get3A_8 : vector<1024x128xf32>
    %get3A_9 = arith.constant 0 : index
    %get3A_10 = arith.constant 0 : index
    %get3A_11 = vector.load %arg3[%get3A_9, %get3A_10] : memref<1x1024xf32, #tpu.memory_space<vmem>>, vector<1x1024xf32>
    %squeeze3A = vector.shape_cast %get3A_11 : vector<1x1024xf32> to vector<1024xf32>
    %broadcast_in_dim3A = vector.shape_cast %squeeze3A : vector<1024xf32> to vector<1024x1xf32>
    %mul3A = vector.broadcast %broadcast_in_dim3A : vector<1024x1xf32> to vector<1024x128xf32>
    %mul3A_12 = arith.mulf %add3A, %mul3A : vector<1024x128xf32>
    %get3A_13 = arith.constant 0 : index
    %get3A_14 = arith.constant 0 : index
    %get3A_15 = vector.load %arg4[%get3A_13, %get3A_14] : memref<1024x128xf32, #tpu.memory_space<vmem>>, vector<1024x128xf32>
    %add3A_16 = arith.addf %get3A_15, %mul3A_12 : vector<1024x128xf32>
    %swap3A = arith.constant 0 : index
    %swap3A_17 = arith.constant 0 : index
    %swap3A_18 = vector.load %arg5[%swap3A, %swap3A_17] : memref<1024x128xf32, #tpu.memory_space<vmem>>, vector<1024x128xf32>
    tpu.vector_store %arg5[%swap3A, %swap3A_17], %add3A_16 {strides = array<i32>} : memref<1024x128xf32, #tpu.memory_space<vmem>>, vector<1024x128xf32>,
    %get3A_19 = arith.constant 0 : index
    %get3A_20 = arith.constant 0 : index
    %get3A_21 = vector.load %arg2[%get3A_19, %get3A_20] : memref<1x1024xf32, #tpu.memory_space<vmem>>, vector<1x1024xf32>
    %squeeze3A_22 = vector.shape_cast %get3A_21 : vector<1x1024xf32> to vector<1024xf32>
    %broadcast_in_dim3A_23 = vector.shape_cast %squeeze3A_22 : vector<1024xf32> to vector<1024x1xf32>
    %mul3A_24 = vector.broadcast %broadcast_in_dim3A_23 : vector<1024x1xf32> to vector<1024x128xf32>
    %mul3A_25 = arith.mulf %mul3A_12, %mul3A_24 : vector<1024x128xf32>
    %swap3A_26 = arith.constant 0 : index
    %swap3A_27 = arith.constant 0 : index
    %swap3A_28 = vector.load %arg6[%swap3A_26, %swap3A_27] : memref<1024x128xf32, #tpu.memory_space<vmem>>, vector<1024x128xf32>
    tpu.vector_store %arg6[%swap3A_26, %swap3A_27], %mul3A_25 {strides = array<i32>} : memref<1024x128xf32, #tpu.memory_space<vmem>>, vector<1024x128xf32>,
    return
  }
  func.func @transform_0(%arg0: i32) -> (i32, i32, i32) {
    %c0_i32 = arith.constant 0 : i32
    %c0_i32_0 = arith.constant 0 : i32
    %c0_i32_1 = arith.constant 0 : i32
    return %c0_i32, %arg0, %c0_i32_0 : i32, i32, i32
  }
  func.func @transform_1(%arg0: i32) -> (i32, i32) {
    %c0_i32 = arith.constant 0 : i32
    %c0_i32_0 = arith.constant 0 : i32
    return %c0_i32, %arg0 : i32, i32
  }
  func.func @transform_2(%arg0: i32) -> (i32, i32) {
    %c0_i32 = arith.constant 0 : i32
    %c0_i32_0 = arith.constant 0 : i32
    return %c0_i32, %arg0 : i32, i32
  }
  func.func @transform_3(%arg0: i32) -> (i32, i32) {
    %c0_i32 = arith.constant 0 : i32
    %c0_i32_0 = arith.constant 0 : i32
    return %arg0, %c0_i32 : i32, i32
  }
  func.func @transform_4(%arg0: i32) -> (i32, i32) {
    %c0_i32 = arith.constant 0 : i32
    %c0_i32_0 = arith.constant 0 : i32
    return %arg0, %c0_i32 : i32, i32
  }
  func.func @transform_5(%arg0: i32) -> (i32, i32) {
    %c0_i32 = arith.constant 0 : i32
    %c0_i32_0 = arith.constant 0 : i32
    return %arg0, %c0_i32 : i32, i32
  }
}

module attributes {stable_mosaic.version = 14 : i64} {
  func.func @_comb2_body(%arg0: i32, %arg1: memref<2x1024x128xf32, #tpu.memory_space<vmem>>, %arg2: memref<1x1024xf32, #tpu.memory_space<vmem>>, %arg3: memref<1024x128xf32, #tpu.memory_space<vmem>>, %arg4: memref<1024x128xf32, #tpu.memory_space<vmem>>) attributes {dimension_semantics = [#tpu.dimension_semantics<arbitrary>], iteration_bounds = array<i64: 10>, scalar_prefetch = 0 : i64, scratch_operands = 0 : i64, tpu.core_type = #tpu.core_type<tc>, window_params = [{transform_indices = @transform_0, window_bounds = array<i64: 2, 1024, 128>}, {transform_indices = @transform_1, window_bounds = array<i64: 1, 1024>}, {transform_indices = @transform_2, window_bounds = array<i64: 1024, 128>}, {transform_indices = @transform_3, window_bounds = array<i64: 1024, 128>}]} {
    %get3A = arith.constant 0 : index
    %get3A_0 = arith.constant 0 : index
    %get3A_1 = vector.load %arg3[%get3A, %get3A_0] : memref<1024x128xf32, #tpu.memory_space<vmem>>, vector<1024x128xf32>
    %get3A_2 = arith.constant 0 : index
    %get3A_3 = arith.constant 0 : index
    %get3A_4 = arith.constant 0 : index
    %get3A_5 = vector.load %arg1[%get3A_2, %get3A_3, %get3A_4] : memref<2x1024x128xf32, #tpu.memory_space<vmem>>, vector<1x1024x128xf32>
    %get3A_6 = vector.shape_cast %get3A_5 : vector<1x1024x128xf32> to vector<1024x128xf32>
    %get3A_7 = arith.constant 1 : index
    %get3A_8 = arith.constant 0 : index
    %get3A_9 = arith.constant 0 : index
    %get3A_10 = vector.load %arg1[%get3A_7, %get3A_8, %get3A_9] : memref<2x1024x128xf32, #tpu.memory_space<vmem>>, vector<1x1024x128xf32>
    %get3A_11 = vector.shape_cast %get3A_10 : vector<1x1024x128xf32> to vector<1024x128xf32>
    %add3A = arith.addf %get3A_6, %get3A_11 : vector<1024x128xf32>
    %get3A_12 = arith.constant 0 : index
    %get3A_13 = arith.constant 0 : index
    %get3A_14 = vector.load %arg2[%get3A_12, %get3A_13] : memref<1x1024xf32, #tpu.memory_space<vmem>>, vector<1x1024xf32>
    %squeeze3A = vector.shape_cast %get3A_14 : vector<1x1024xf32> to vector<1024xf32>
    %broadcast_in_dim3A = vector.shape_cast %squeeze3A : vector<1024xf32> to vector<1024x1xf32>
    %mul3A = vector.broadcast %broadcast_in_dim3A : vector<1024x1xf32> to vector<1024x128xf32>
    %mul3A_15 = arith.mulf %add3A, %mul3A : vector<1024x128xf32>
    %add3A_16 = arith.addf %get3A_1, %mul3A_15 : vector<1024x128xf32>
    %swap3A = arith.constant 0 : index
    %swap3A_17 = arith.constant 0 : index
    %swap3A_18 = vector.load %arg4[%swap3A, %swap3A_17] : memref<1024x128xf32, #tpu.memory_space<vmem>>, vector<1024x128xf32>
    tpu.vector_store %arg4[%swap3A, %swap3A_17], %add3A_16 {strides = array<i32>} : memref<1024x128xf32, #tpu.memory_space<vmem>>, vector<1024x128xf32>,
    return
  }
  func.func @transform_0(%arg0: i32) -> (i32, i32, i32) {
    %c0_i32 = arith.constant 0 : i32
    %c0_i32_0 = arith.constant 0 : i32
    %c0_i32_1 = arith.constant 0 : i32
    return %c0_i32, %arg0, %c0_i32_0 : i32, i32, i32
  }
  func.func @transform_1(%arg0: i32) -> (i32, i32) {
    %c0_i32 = arith.constant 0 : i32
    %c0_i32_0 = arith.constant 0 : i32
    return %c0_i32, %arg0 : i32, i32
  }
  func.func @transform_2(%arg0: i32) -> (i32, i32) {
    %c0_i32 = arith.constant 0 : i32
    %c0_i32_0 = arith.constant 0 : i32
    return %arg0, %c0_i32 : i32, i32
  }
  func.func @transform_3(%arg0: i32) -> (i32, i32) {
    %c0_i32 = arith.constant 0 : i32
    %c0_i32_0 = arith.constant 0 : i32
    return %arg0, %c0_i32 : i32, i32
  }
}

</mosaic_0001>

<sc_bundles>
// kernel: kernel.11.cloned.1.call-start
scs
__scs_entry_jumppad:
0x0: {  	(pc) =	sbr.rel $0x88, $3  }
0x1: {  	(tag) =	ssettag $0x0;
	lr =	simm.s32 $0x1  }
0x2: {  	[smem:$0x3F9F] =	sst lr;
	_ =	strace $0xD0000000  }
0x3: {  	_ = 	snop  }
0x4: {  	_ = 	snop  }
0x5: {  	_ = 	snop  }
0x6: {  	_ = 	snop  }
0x7: {  	_ = 	snop  }
__scs_overlays_trampoline_lowered:
0x8: {  	[smem:$0x3FAE] =	sst s0  }
0x9: {  	[smem:$0x3FAF] =	sst s1  }
0xa: {  	[smem:$0x3FB0] =	sst s2  }
0xb: {  	[smem:$0x3FB1] =	sst s3  }
0xc: {  	[smem:$0x3FB2] =	sst s4  }
0xd: {  	[smem:$0x3FB3] =	sst s5  }
0xe: {  	[smem:$0x3FB4] =	sst s6  }
0xf: {  	[smem:$0x3FB5] =	sst s7  }
0x10: {  	[smem:$0x3FB6] =	sst s8  }
0x11: {  	[smem:$0x3FB7] =	sst s9;
	s0 =	simm.s32 @!p0 $0x0  }
0x12: {  	s1 =	sld [smem:$0x3F9D];
	s0 =	simm.s32 @p0 $0x1  }
0x13: {  	[smem:$0x3FB8] =	sst s0;
	s0 =	simm.s32 @!p1 $0x0  }
0x14: {  	s2 =	sld [smem:$0x3F9C];
	s0 =	simm.s32 @p1 $0x1  }
0x15: {  	[smem:$0x3FB9] =	sst s0;
	s0 =	simm.s32 @!p2 $0x0  }
0x16: {  	s3 =	sld [smem:$0x3FDB];
	s0 =	simm.s32 @p2 $0x1  }
0x17: {  	s4 =	simm.s32 $0x1BF5;
	[smem:$0x3FBB] =	sst s0  }
0x18: {  	s0 =	sld [smem:$0x3F9E];
	_ =	swait.ge [sflag:s4], $0x0  }
0x19: {  	s7 =	sld [smem:$0x3F9F]  }
0x1a: {  	s8 =	sadd.s32 $0xFFFFE003, lr  }
0x1b: {  	s9 =	sadd.s32 $0xFFFFFEF7, lr;
	s5 =	simm.s32 $0xFFFFFFFF;
	p2 =	slt.u32 s8, $0xFFFFF086  }
0x1c: {  	p1 =	slt.u32 s9, $0xF7A;
	s5 =	simm.s32 @!p2 $0x0  }
0x1d: {  	s5 =	simm.s32 @p1 $0x1;
	p0 =	seq.s32 s7, s2  }
0x1e: {  	s7 =	smul.u32 @!p0 $0xF7A, s2;
	p2 =	seq.s32 @!p0 s5, $0x0  }
0x1f: {  	s9 =	smul.u32 $0xF7A, s1;
	s8 =	simm.s32 @!p0 $0x1BF5;
	p2 =	por !p2, p0  }
0x20: {  	[sflag:s8] =	ssyncset.s32 @!p0 $0xFFFFF086;
	s6 =	sadd.s32 @!p0 s3, s7;
	s7 =	simm.s32 @!p0 $0x108  }
0x21: {  	s3 =	sadd.s32 s3, s9;
	s6 =	sadd.s32 @!p0 $0x88, s6;
	s7 =	simm.s32 @p2 $0x1082  }
0x22: {  	[simem:s7], [sflag:s8] =	dma.local @!p0 [hbm:s6], $0xF7A  }
0x23: {  	s9 =	sor.u32 $0xD0000000, s2;
	s6 =	simm.s32 $0x108;
	_ =	swait.ge @!p0 [sflag:s8], $0x0  }
0x24: {  	s3 =	sadd.s32 $0x88, s3;
	s6 =	simm.s32 @!p1 $0x1082;
	[sflag:s4] =	ssyncset.s32 $0xFFFFF086  }
0x25: {  	[simem:s6], [sflag:s4] =	dma.local [hbm:s3], $0xF7A  }
0x26: {  	[smem:$0x3F9F] =	sst s1;
	(tag) =	ssettag s2;
	_ =	strace s9  }
0x27: {  	s1 =	sld [smem:$0x3FAF]  }
0x28: {  	s2 =	sld [smem:$0x3FB0]  }
0x29: {  	s4 =	sld [smem:$0x3FB2]  }
0x2a: {  	p0 =	seq.s32 s5, $0x0;
	s5 =	sld [smem:$0x3FB3]  }
0x2b: {  	s6 =	sld [smem:$0x3FB4]  }
0x2c: {  	s7 =	sld [smem:$0x3FB5]  }
0x2d: {  	s3 =	simm.s32 $0x108;
	s8 =	sld [smem:$0x3FB6]  }
0x2e: {  	s3 =	simm.s32 @!p0 $0x1082;
	s9 =	sld [smem:$0x3FB7]  }
0x2f: {  	lr =	sadd.s32 s0, s3;
	s0 =	sld [smem:$0x3FAE]  }
0x30: {  	s3 =	sld [smem:$0x3FB1]  }
0x31: {  	[smem:$0x3FBA] =	sst s10  }
0x32: {  	s10 =	sld [smem:$0x3FB8];
	_ =	sdelay $0x3  }
0x33: {  	p0 =	seq.s32 s10, $0x1;
	s10 =	sld [smem:$0x3FBA];
	_ =	sdelay $0x3  }
0x34: {  	[smem:$0x3FBA] =	sst s10  }
0x35: {  	s10 =	sld [smem:$0x3FB9];
	_ =	sdelay $0x3  }
0x36: {  	p1 =	seq.s32 s10, $0x1;
	s10 =	sld [smem:$0x3FBA];
	_ =	sdelay $0x3  }
0x37: {  	[smem:$0x3FBA] =	sst s10  }
0x38: {  	s10 =	sld [smem:$0x3FBB]  }
0x39: {  	_ = 	snop;
	(pc) =	sbr.ind lr, $3  }
0x3a: {  	_ = 	snop  }
0x3b: {  	_ = 	snop  }
0x3c: {  	p2 =	seq.s32 s10, $0x1;
	s10 =	sld [smem:$0x3FBA]  }
0x3d: {  	_ =	shalt  }
0x3e: {  	_ =	shalt  }
0x3f: {  	_ =	shalt  }
0x40: {  	_ =	shalt  }
0x41: {  	_ =	shalt  }
0x42: {  	_ =	shalt  }
0x43: {  	_ =	shalt  }
0x44: {  	_ =	shalt  }
0x45: {  	_ =	shalt  }
0x46: {  	_ =	shalt  }
0x47: {  	_ =	shalt  }
0x48: {  	_ =	shalt  }
0x49: {  	_ =	shalt  }
0x4a: {  	_ =	shalt  }
0x4b: {  	_ =	shalt  }
0x4c: {  	_ =	shalt  }
0x4d: {  	_ =	shalt  }
0x4e: {  	_ =	shalt  }
0x4f: {  	_ =	shalt  }
0x50: {  	_ =	shalt  }
0x51: {  	_ =	shalt  }
0x52: {  	_ =	shalt  }
0x53: {  	_ =	shalt  }
0x54: {  	_ =	shalt  }
0x55: {  	_ =	shalt  }
0x56: {  	_ =	shalt  }
0x57: {  	_ =	shalt  }
0x58: {  	_ =	shalt  }
0x59: {  	_ =	shalt  }
0x5a: {  	_ =	shalt  }
0x5b: {  	_ =	shalt  }
0x5c: {  	_ =	shalt  }
0x5d: {  	_ =	shalt  }
0x5e: {  	_ =	shalt  }
0x5f: {  	_ =	shalt  }
0x60: {  	_ =	shalt  }
0x61: {  	_ =	shalt  }
0x62: {  	_ =	shalt  }
0x63: {  	_ =	shalt  }
0x64: {  	_ =	shalt  }
0x65: {  	_ =	shalt  }
0x66: {  	_ =	shalt  }
0x67: {  	_ =	shalt  }
0x68: {  	_ =	shalt  }
0x69: {  	_ =	shalt  }
0x6a: {  	_ =	shalt  }
0x6b: {  	_ =	shalt  }
0x6c: {  	_ =	shalt  }
0x6d: {  	_ =	shalt  }
0x6e: {  	_ =	shalt  }
0x6f: {  	_ =	shalt  }
0x70: {  	_ =	shalt  }
0x71: {  	_ =	shalt  }
0x72: {  	_ =	shalt  }
0x73: {  	_ =	shalt  }
0x74: {  	_ =	shalt  }
0x75: {  	_ =	shalt  }
0x76: {  	_ =	shalt  }
0x77: {  	_ =	shalt  }
0x78: {  	_ =	shalt  }
0x79: {  	_ =	shalt  }
0x7a: {  	_ =	shalt  }
0x7b: {  	_ =	shalt  }
0x7c: {  	_ =	shalt  }
0x7d: {  	_ =	shalt  }
0x7e: {  	_ =	shalt  }
0x7f: {  	_ =	shalt  }
0x80: {  	_ =	shalt  }
0x81: {  	_ =	shalt  }
0x82: {  	_ =	shalt  }
0x83: {  	_ =	shalt  }
0x84: {  	_ =	shalt  }
0x85: {  	_ =	shalt  }
0x86: {  	_ =	shalt  }
0x87: {  	_ =	shalt  }
.Lfunc_end0:
.L_simem_size_0:
called_computation.1_lowered:
.L_overlay_start_0:
0x88: {  	s2 =	sld [smem:$0x3FD9]  }
0x89: {  	s3 =	sld [smem:$0x3FFE];
	_ =	sdelay $0x1  }
0x8a: {  	s1 =	srdreg.scid  }
0x8b: {  	s0 =	sand.u32 $0x1, s1  }
0x8c: {  	s17 =	sshll.u32 s0, $0xA;
	s2 =	sadd.s32 s3, s2  }
0x8d: {  	s2 =	sadd.s32 s2, s17  }
0x8e: {  	[smem:$0x3FC6] =	sst s2  }
0x8f: {  	_ = 	snop  }
0x90: {  	s2 =	sld [smem:$0x3FD0];
	(tm) =	ssettm $0x1  }
0x91: {  	s18 =	sld [smem:$0x3FFB];
	_ =	sdelay $0x3  }
0x92: {  	_ =	strace s18  }
0x93: {  	s3 =	sld [smem:$0x3FFC];
	_ =	sdelay $0x3  }
0x94: {  	_ =	strace s3  }
0x95: {  	s3 =	sld [smem:$0x3FFD];
	_ =	sdelay $0x3  }
0x96: {  	_ =	strace s3  }
0x97: {  	_ =	strace $0x8FFFFFFF  }
0x98: {  	s19 =	sld [smem:$0x3FDB];
	_ =	sdelay $0x1  }
0x99: {  	s4 =	simm.s32 $_scs_section_size  }
0x9a: {  	s5 =	simm.s32 $_size__tile_overlayer_lowered;
	s6 =	simm.s32 $_tile_overlayer_lowered  }
0x9b: {  	s22 =	simm.s32 $0x1BFF;
	s21 =	sshll.u32 s6, $0x1;
	s3 =	sadd.s32 s4, s19  }
0x9c: {  	s7 =	simm.s32 $0x0;
	s20 =	sshll.u32 s5, $0x1;
	s5 =	sadd.s32 s21, s3  }
0x9d: {  	[timem:s7], [sflag:s22] =	dma.local [hbm:s5], s20  }
0x9e: {  	_ =	swait.ge [sflag:s22], s20  }
0x9f: {  	s4 =	ssub.s32 $0x0, s20;
	[sflag:s22] =	ssyncset.done $0x0  }
0xa0: {  	[sflag:s22] =	ssyncadd.s32 s4;
	_ =	sdelay $0x1  }
0xa1: {  	s23 =	simm.s32 $0x1B8B  }
0xa2: {  	_ =	swait.ge [sflag:s23], $0x1  }
0xa3: {  	[sflag:s23] =	ssyncset.done $0x0  }
0xa4: {  	s25 =	simm.s32 $0x1B8E;
	s24 =	sld [smem:$0x3FFE];
	[sflag:s23] =	ssyncadd.s32 $0xFFFFFFFF  }
0xa5: {  	s26 =	simm.s32 $execute0_lowered;
	[smem:$0x3FD2] =	sst s25  }
0xa6: {  	s5 =	sshll.u32 s26, $0x1;
	_ =	strace $0x80000049;
	[dreg:$0x1] =	wrdreg $0xFFFFFFFF  }
0xa7: {  	s28 =	simm.s32 $_size_execute0_lowered;
	s3 =	sadd.s32 s3, s5;
	[dreg:$0x0] =	wrdreg $0x0  }
0xa8: {  	s5 =	sshll.u32 s28, $0x1;
	[dreg:$0x2] =	wrdreg s3  }
0xa9: {  	[dreg:$0x3] =	wrdreg s5  }
0xaa: {  	[dreg:$0x4] =	wrdreg $0xC0  }
0xab: {  	_ =	task [dreg:s7], $0x5FFFF  }
0xac: {  	[dreg:$0x1] =	wrdreg $0xFFFFFFFF  }
0xad: {  	[dreg:$0x0] =	wrdreg $0x60  }
0xae: {  	[dreg:$0x2] =	wrdreg s24  }
0xaf: {  	[dreg:$0x3] =	wrdreg s2  }
0xb0: {  	[dreg:$0x4] =	wrdreg $0xC0000  }
0xb1: {  	[dreg:$0x5] =	wrdreg $0x9  }
0xb2: {  	_ =	task.clear_ibuf [dreg:s7], $0x6FFFF;
	_ =	strace $0x90000049  }
0xb3: {  	s29 =	simm.s32 $0x9;
	_ =	strace $0x8000004B  }
0xb4: {  	_ =	swait.ge [sflag:s29], $0x1  }
0xb5: {  	[sflag:s29] =	ssyncadd.s32 $0xFFFFFFFF  }
0xb6: {  	_ =	strace $0x9000004B  }
0xb7: {  	_ =	sfence  }
0xb8: {  	s30 =	sld [smem:$0x0];
	_ =	sdelay $0x2  }
0xb9: {  	s31 =	sshll.u32 s1, $0xD;
	s1 =	sshrl.u32 s1, $0x2  }
0xba: {  	s3 =	sand.u32 $0x4000, s31;
	s1 =	sadd.s32 s1, s30  }
0xbb: {  	s0 =	sor.u32 s3, s0;
	s1 =	sshll.u32 s1, $0x11  }
0xbc: {  	s0 =	sor.u32 s1, s0  }
0xbd: {  	s0 =	sadd.s32 $0x8F2B, s0  }
0xbe: {  	[sflag:s0] =	ssyncadd.remote.s32 $0x1  }
0xbf: {  	_ =	sfence.sel $0xFFFF  }
0xc0: {  	[dreg:$0x0] =	wrdreg $0xFFFFFFFF;
	(pc) =	sbr.abs _section_cstart, $3  }
0xc1: {  	[dreg:$0x1] =	wrdreg $0xFFFFFFFF  }
0xc2: {  	_ =	task.clear_ibuf [dreg:s7], $0x2FFFF;
	_ =	strace $0x9FFFFFFF  }
0xc3: {  	(tm) =	ssettm $0x7FFFFFFF  }
tec
execute0_lowered:
.L_overlay_start_1:
0x0: {  	(tag) =	ssettag $0x1  }
0x1: {  	s6 =	rddreg [dreg:$0x0]  }
0x2: {  	s2 =	rddreg [dreg:$0x1]  }
0x3: {  	s0 =	srdreg.scid;
	s3 =	rddreg [dreg:$0x2];
	s16 =	simm.s32 $0x6  }
0x4: {  	s17 =	simm.s32 $0x1400;
	s18 =	simm.s32 $0x80;
	s19 =	simm.s32 $0x8000  }
0x5: {  	s20 =	simm.s32 $0x1;
	s21 =	simm.s32 $0x2;
	s5 =	sand.u32 $0x1, s0  }
0x6: {  	s22 =	simm.s32 $0x3;
	s0 =	stileid.u32;
	s29 =	smul.u32 $0x138800, s5  }
0x7: {  	s23 =	simm.s32 $0x4;
	s1 =	sshll.u32 s5, $0x4;
	s11 =	smul.u32 $0x13800, s0  }
0x8: {  	s5 =	ssub.s32 $0x2, s5;
	s13 =	smul.u32 $0x4E000, s0;
	p0 =	seq.s32 s0, $0xF  }
0x9: {  	s9 =	sor.u32 s0, s1;
	s1 =	rddreg [dreg:$0x3];
	s30 =	sshrl.u32 s5, $0x1  }
0xa: {  	s7 =	smul.u32 $0x4C, s9;
	s4 =	smin.u32 s9, $0x11;
	s15 =	ssub.s32 s5, s30  }
0xb: {  	s5 =	simm.s32 $0x28;
	s31 =	sshrl.u32 s13, $0x2;
	s8 =	sshll.u32 s4, $0x2  }
0xc: {  	s4 =	simm.s32 $0x0;
	s5 =	simm.s32 @!p0 $0x27;
	p0 =	slt.u32 s9, $0x11  }
0xd: {  	s9 =	simm.s32 $0x50;
	s7 =	sadd.s32 s7, s8;
	[smem:$0x7FF] =	sst s4  }
0xe: {  	s8 =	sadd.s32 s11, s29;
	s9 =	simm.s32 @!p0 $0x4C;
	s10 =	sshll.u32 s7, $0x4  }
0xf: {  	_ =	strace $0x8000004A;
	s8 =	sshrl.u32 s8, $0x3;
	s7 =	sand.u32 $0x4, s7  }
0x10: {  	s12 =	sadd.s32 s10, s6;
	s10 =	sand.u32 $0x1FF80, s10;
	s14 =	sadd.s32 s8, s6  }
0x11: {  	s10 =	sadd.s32 s10, s6;
	s6 =	sadd.s32 s31, s3;
	s8 =	sadd.s32 $0x15800, s12  }
0x12: {  	s11 =	sadd.s32 $0x15A80, s12;
	s12 =	smax.u32 s15, $0x1;
	s13 =	sadd.s32 $0x29400, s14  }
0x13: {  	v0 =	vimm.f32 $0.0e+00;
	s14 =	simm.s32 $0x4000;
	s15 =	simm.s32 $0x5;
	s10 =	sadd.s32 $0x1F600, s10  }
.LBB2_1:
0x14: {  	s24 =	simm.s32 $0x0;
	s25 =	simm.s32 $0x200  }
.LBB2_2:
0x15: {  	p0 =	sne.s32 s25, $0x1E00;
	[tilespmem:s24+$0x4070] =	vst v0  }
0x16: {  	[tilespmem:s24+$0x4000] =	vst v0  }
0x17: {  	[tilespmem:s24+$0x4010] =	vst v0  }
.Ltmp0:
0x18: {  	[tilespmem:s24+$0x4020] =	vst v0;
	(pc) =	sbr.rel @p0 .LBB2_2-.Ltmp0, $4  }
0x19: {  	[tilespmem:s24+$0x4030] =	vst v0  }
0x1a: {  	[tilespmem:s24+$0x4040] =	vst v0  }
0x1b: {  	[tilespmem:s24+$0x4050] =	vst v0  }
0x1c: {  	[tilespmem:s24+$0x4060] =	vst v0;
	s24 =	sshra.s32 s25, $0x2;
	s25 =	sadd.s32 $0x200, s25  }
0x1d: {  	[tilespmem:s24+$0x4070] =	vst v0  }
0x1e: {  	[tilespmem:s24+$0x4000] =	vst v0  }
0x1f: {  	[tilespmem:s24+$0x4010] =	vst v0  }
0x20: {  	[tilespmem:s24+$0x4020] =	vst v0;
	p0 =	sne.s32 s5, $0x1  }
.Ltmp1:
0x21: {  	[tilespmem:s24+$0x4030] =	vst v0;
	(pc) =	sbr.rel @!p0 .LBB2_5-.Ltmp1, $4  }
0x22: {  	[tilespmem:s24+$0x4040] =	vst v0  }
0x23: {  	[tilespmem:s24+$0x4050] =	vst v0  }
0x24: {  	[tilespmem:s24+$0x4060] =	vst v0;
	s24 =	sadd.s32 $0xFFFFFFFF, s5;
	s25 =	smov.u32 s6  }
0x25: {  	[spmem:s6] =	stream.linear.scatter [tilespmem:s14], [sflag:$0x5], $0x800, $0x38;
	[tilespmem:$0x1F880] =	vst v63  }
.LBB2_4:
0x26: {  	p1 =	sne.s32 s24, $0x1  }
.Ltmp2:
0x27: {  	_ = 	snop;
	(pc) =	sbr.rel @p1 .LBB2_4-.Ltmp2, $3  }
0x28: {  	_ = 	snop  }
0x29: {  	s24 =	sadd.s32 $0xFFFFFFFF, s24;
	s25 =	sadd.s32 $0x800, s25;
	_ =	sdelay $0x1  }
0x2a: {  	[spmem:s25] =	stream.linear.scatter [tilespmem:s14], [sflag:$0x5], $0x800, $0x38;
	[tilespmem:$0x1F880] =	vst v63  }
.LBB2_5:
.Ltmp3:
0x2b: {  	(pc) =	sbr.rel @!p0 .LBB2_7-.Ltmp3, $3  }
0x2c: {  	_ =	sdelay $0x1  }
0x2d: {  	_ =	swait.ge [sflag:s15], $0x800  }
0x2e: {  	s24 =	sadd.s32 $0xFFFFFFFF, s5;
	[sflag:s15] =	ssyncset.done $0x0  }
.LBB2_6:
0x2f: {  	p1 =	sne.s32 s24, $0x1;
	s24 =	sadd.s32 $0xFFFFFFFF, s24;
	[sflag:s15] =	ssyncadd.s32 $0xFFFFF800  }
.Ltmp4:
0x30: {  	(pc) =	sbr.rel @p1 .LBB2_6-.Ltmp4, $3  }
0x31: {  	_ =	sdelay $0x1  }
0x32: {  	_ =	swait.ge [sflag:s15], $0x800  }
0x33: {  	[sflag:s15] =	ssyncset.done $0x0  }
.LBB2_7:
0x34: {  	[sflag:s15] =	ssyncadd.s32 $0xFFFFF800;
	s24 =	simm.s32 $0x0  }
0x35: {  	[tilespmem:s24], [sflag:$0x6] =	stream.linear.gather [hbm4b:s8+s24], $0x1400, $0x38;
	[tilespmem:$0x1F880] =	vst v63  }
0x36: {  	_ =	swait.ge [sflag:s16], $0x1400  }
0x37: {  	[sflag:s16] =	ssyncset.done $0x0  }
0x38: {  	[sflag:s16] =	ssyncadd.s32 $0xFFFFEC00  }
0x39: {  	[tilespmem:s17], [sflag:$0x6] =	stream.linear.gather [hbm4b:s10+s24], $0x2C00, $0x38;
	[tilespmem:$0x1F880] =	vst v63  }
.Ltmp5:
0x3a: {  	_ =	swait.ge [sflag:s16], $0x2C00;
	(pc) =	sbr.rel .LBB2_8-.Ltmp5, $3  }
0x3b: {  	[sflag:s16] =	ssyncset.done $0x0  }
0x3c: {  	[sflag:s16] =	ssyncadd.s32 $0xFFFFD400  }
0x3d: {  	[bflag:$0x0] =	sbarrier.arrive $0xFFFF;
	_ =	sdelay $0x1  }
.LBB2_9:
0x3e: {  	p1 =	sne.s32 s24, $0x28  }
0x3f: {  	s25 =	simm.s32 @!p1 $0x0  }
0x40: {  	[tilespmem:s25], [sflag:$0x6] =	stream.linear.gather @!p1 [hbm4b:s11+s25], $0x1400, $0x38;
	[tilespmem:$0x1F880] =	vst v63  }
0x41: {  	s25 =	smov.u32 s24  }
0x42: {  	s25 =	simm.s32 @!p1 $0x28  }
0x43: {  	s26 =	simm.s32 @!p1 $0x6;
	s31 =	smulhi.u32 $0x66666667, s25;
	s28 =	sshra.s32 s25, $0x1F  }
0x44: {  	_ =	swait.ge @!p1 [sflag:s26], $0x1400;
	s28 =	smul.u32 $0x66666667, s28  }
0x45: {  	[sflag:s26] =	ssyncset.done @!p1 $0x0  }
0x46: {  	[sflag:s26] =	ssyncadd.s32 @!p1 $0xFFFFEC00;
	s26 =	sadd.s32 s28, s31  }
0x47: {  	s28 =	sshrl.u32 s26, $0x1F;
	s26 =	sshrl.u32 s26, $0x4  }
0x48: {  	s26 =	sadd.s32 s28, s26  }
0x49: {  	s26 =	smul.u32 $0x28, s26;
	_ =	sdelay $0x1  }
0x4a: {  	_ =	swait.ge [sflag:s22], $0x4000;
	s26 =	ssub.s32 s25, s26  }
0x4b: {  	[sflag:s22] =	ssyncset.done $0x0;
	s26 =	sshll.u32 s26, $0x9  }
0x4c: {  	[sflag:s22] =	ssyncadd.s32 $0xFFFFC000;
	s26 =	sshra.s32 s26, $0x2  }
0x4d: {  	[tilespmem:s14], [sflag:$0x1] =	stream.indirect.gather [hbm4b:s2+s18], $0x80, s26, s18, $0xb8;
	[tilespmem:$0x1F880] =	vst v63  }
0x4e: {  	_ =	swait.ge [sflag:s23], $0x4000  }
0x4f: {  	[sflag:s23] =	ssyncset.done $0x0  }
0x50: {  	s26 =	sor.u32 $0x1, s25;
	[sflag:s23] =	ssyncadd.s32 $0xFFFFC000  }
.LBB2_10:
0x51: {  	s28 =	smulhi.u32 $0x66666667, s26;
	s29 =	sshra.s32 s26, $0x1F  }
0x52: {  	s29 =	smul.u32 $0x66666667, s29;
	_ =	sdelay $0x1  }
0x53: {  	s28 =	sadd.s32 s29, s28  }
0x54: {  	s29 =	sshrl.u32 s28, $0x1F;
	s28 =	sshrl.u32 s28, $0x4  }
0x55: {  	s28 =	sadd.s32 s29, s28  }
0x56: {  	s28 =	smul.u32 $0x28, s28;
	_ =	sdelay $0x1  }
0x57: {  	s28 =	ssub.s32 s26, s28  }
0x58: {  	s28 =	sshll.u32 s28, $0x9  }
0x59: {  	s25 =	sadd.s32 s7, s25;
	s28 =	sshra.s32 s28, $0x2  }
0x5a: {  	[tilespmem:s19], [sflag:$0x2] =	stream.indirect.gather [hbm4b:s2+s18], $0x80, s28, s18, $0xb8;
	[tilespmem:$0x1F880] =	vst v63  }
0x5b: {  	s25 =	sshll.u32 s25, $0x9;
	_ =	swait.ge [sflag:s20], $0x4000  }
0x5c: {  	s24 =	sadd.s32 $0x2, s24;
	s25 =	sshra.s32 s25, $0x2;
	[sflag:s20] =	ssyncset.done $0x0  }
0x5d: {  	p1 =	sne.s32 s9, s24;
	s25 =	sadd.s32 $0x1400, s25;
	[sflag:s20] =	ssyncadd.s32 $0xFFFFC000  }
0x5e: {  	[spmem:s3] =	stream.indirect.scatter.add.f32 [tilespmem:s14], [sflag:$0x3], $0x80, s25, s18, $0xb8;
	[tilespmem:$0x1F880] =	vst v63  }
.Ltmp6:
0x5f: {  	s31 =	sadd.s32 s7, s26;
	(pc) =	sbr.rel @!p1 .LBB2_11-.Ltmp6, $4  }
0x60: {  	s25 =	sshll.u32 s31, $0x9;
	_ =	swait.ge [sflag:s21], $0x4000  }
0x61: {  	s25 =	sshra.s32 s25, $0x2;
	[sflag:s21] =	ssyncset.done $0x0  }
0x62: {  	s25 =	sadd.s32 $0x1400, s25;
	[sflag:s21] =	ssyncadd.s32 $0xFFFFC000  }
0x63: {  	[spmem:s3] =	stream.indirect.scatter.add.f32 [tilespmem:s19], [sflag:$0x4], $0x80, s25, s18, $0xb8;
	[tilespmem:$0x1F880] =	vst v63  }
.LBB2_8:
0x64: {  	p1 =	seq.s32 s24, $0x0  }
.Ltmp7:
0x65: {  	_ = 	snop;
	(pc) =	sbr.rel @!p1 .LBB2_9-.Ltmp7, $1  }
0x66: {  	_ =	sdelay $0x3  }
.Ltmp8:
0x67: {  	(pc) =	sbr.rel .LBB2_10-.Ltmp8, $3  }
0x68: {  	_ =	sdelay $0x1  }
0x69: {  	s25 =	simm.s32 $0x0;
	s26 =	simm.s32 $0x1  }
0x6a: {  	[tilespmem:s14], [sflag:$0x1] =	stream.indirect.gather [hbm4b:s2+s18], $0x80, s25, s18, $0xb8;
	[tilespmem:$0x1F880] =	vst v63  }
.LBB2_11:
0x6b: {  	_ =	swait.ge [sflag:s22], $0x4000  }
0x6c: {  	[sflag:s22] =	ssyncset.done $0x0  }
0x6d: {  	[sflag:s22] =	ssyncadd.s32 $0xFFFFC000  }
0x6e: {  	_ =	swait.ge [sflag:s23], $0x4000  }
.Ltmp9:
0x6f: {  	[sflag:s23] =	ssyncset.done $0x0;
	(pc) =	sbr.rel @!p0 .LBB2_13-.Ltmp9, $4  }
0x70: {  	s24 =	sshll.u32 s0, $0x6;
	[sflag:s23] =	ssyncadd.s32 $0xFFFFC000  }
0x71: {  	s25 =	sshrl.u32 s6, $0x3;
	s24 =	sor.u32 $0x1C05, s24;
	[bflag:$0x0] =	sbarrier.arrive $0xFFFF  }
0x72: {  	[hbm:s13], [sflag:s24] =	dma.local [spmem:s25], $0x100  }
0x73: {  	s26 =	sadd.s32 $0x800, s6;
	s28 =	smov.u32 s13;
	s25 =	sadd.s32 $0xFFFFFFFF, s5  }
.LBB2_12:
0x74: {  	p1 =	sne.s32 s25, $0x1;
	s25 =	sadd.s32 $0xFFFFFFFF, s25  }
.Ltmp10:
0x75: {  	s29 =	sshrl.u32 s26, $0x3;
	s28 =	sadd.s32 $0x100, s28;
	(pc) =	sbr.rel @p1 .LBB2_12-.Ltmp10, $3  }
0x76: {  	[hbm:s28], [sflag:s24] =	dma.local [spmem:s29], $0x100  }
0x77: {  	_ =	sdelay $0x1  }
0x78: {  	s26 =	sadd.s32 $0x800, s26  }
.LBB2_13:
.Ltmp11:
0x79: {  	(pc) =	sbr.rel @!p0 .LBB2_15-.Ltmp11, $3  }
0x7a: {  	_ =	sdelay $0x1  }
0x7b: {  	_ =	swait.ge [sflag:s15], $0x100  }
0x7c: {  	s24 =	sadd.s32 $0xFFFFFFFF, s5;
	[sflag:s15] =	ssyncset.done $0x0  }
.LBB2_14:
0x7d: {  	p0 =	sne.s32 s24, $0x1;
	s24 =	sadd.s32 $0xFFFFFFFF, s24;
	[sflag:s15] =	ssyncadd.s32 $0xFFFFFF00  }
.Ltmp12:
0x7e: {  	(pc) =	sbr.rel @p0 .LBB2_14-.Ltmp12, $3  }
0x7f: {  	_ =	sdelay $0x1  }
0x80: {  	_ =	swait.ge [sflag:s15], $0x100  }
0x81: {  	[sflag:s15] =	ssyncset.done $0x0  }
.LBB2_15:
0x82: {  	s4 =	sadd.s32 $0x1, s4  }
0x83: {  	p0 =	sne.s32 s4, s12  }
.Ltmp13:
0x84: {  	_ = 	snop;
	(pc) =	sbr.rel @p0 .LBB2_1-.Ltmp13, $2  }
0x85: {  	_ =	sdelay $0x2  }
0x86: {  	[sflag:s15] =	ssyncadd.s32 $0xFFFFFF00  }
0x87: {  	_ =	sfence.sel $0x180000  }
0x88: {  	[bflag:$0x0] =	sbarrier.arrive $0xFFFF  }
0x89: {  	p0 =	sne.s32 s0, $0x0;
	_ =	strace $0x9000004A  }
0x8a: {  	s0 =	sadd.s32 @!p0 $0x100000, s1;
	[bflag:$0x2] =	sbarrier.arrive $0xFFFF  }
0x8b: {  	[sflag:s0] =	ssyncadd.tile.s32 @!p0 $0x1;
	_ =	shalt  }
.Lfunc_end2:
_tile_overlayer_lowered:
.L_overlay_start_2:
0x8c: {  	(tag) =	ssettag $0x2  }
0x8d: {  	s0 =	rddreg [dreg:$0x0];
	s2 =	stileid.u32  }
0x8e: {  	s1 =	rddreg [dreg:$0x1];
	p0 =	sne.s32 s2, $0x0  }
0x8f: {  	s3 =	rddreg [dreg:$0x2];
	[bflag:$0x3] =	sbarrier.arrive $0xFFFF;
	s2 =	simm.s32 @!p0 $0x1C06  }
0x90: {  	[timem:s3], [sflag:s2] =	dma.local @!p0 [hbm:s0], s1  }
0x91: {  	s0 =	simm.s32 @!p0 $0x6  }
0x92: {  	_ =	swait.ge @!p0 [sflag:s0], s1  }
0x93: {  	s1 =	ssub.s32 @!p0 $0x0, s1;
	[sflag:s0] =	ssyncset.done @!p0 $0x0  }
0x94: {  	[sflag:s0] =	ssyncadd.s32 @!p0 s1  }
0x95: {  	[bflag:$0x3] =	sbarrier.arrive $0xFFFF  }
0x96: {  	_ =	shalt  }

// kernel: kernel.14.cloned.1.call-start
scs
__scs_entry_jumppad:
0x0: {  	(pc) =	sbr.rel $0x88, $3  }
0x1: {  	(tag) =	ssettag $0x0;
	lr =	simm.s32 $0x1  }
0x2: {  	[smem:$0x3F9F] =	sst lr;
	_ =	strace $0xD0000000  }
0x3: {  	_ = 	snop  }
0x4: {  	_ = 	snop  }
0x5: {  	_ = 	snop  }
0x6: {  	_ = 	snop  }
0x7: {  	_ = 	snop  }
__scs_overlays_trampoline_lowered:
0x8: {  	[smem:$0x3FAE] =	sst s0  }
0x9: {  	[smem:$0x3FAF] =	sst s1  }
0xa: {  	[smem:$0x3FB0] =	sst s2  }
0xb: {  	[smem:$0x3FB1] =	sst s3  }
0xc: {  	[smem:$0x3FB2] =	sst s4  }
0xd: {  	[smem:$0x3FB3] =	sst s5  }
0xe: {  	[smem:$0x3FB4] =	sst s6  }
0xf: {  	[smem:$0x3FB5] =	sst s7  }
0x10: {  	[smem:$0x3FB6] =	sst s8  }
0x11: {  	[smem:$0x3FB7] =	sst s9;
	s0 =	simm.s32 @!p0 $0x0  }
0x12: {  	s1 =	sld [smem:$0x3F9D];
	s0 =	simm.s32 @p0 $0x1  }
0x13: {  	[smem:$0x3FB8] =	sst s0;
	s0 =	simm.s32 @!p1 $0x0  }
0x14: {  	s2 =	sld [smem:$0x3F9C];
	s0 =	simm.s32 @p1 $0x1  }
0x15: {  	[smem:$0x3FB9] =	sst s0;
	s0 =	simm.s32 @!p2 $0x0  }
0x16: {  	s3 =	sld [smem:$0x3FDB];
	s0 =	simm.s32 @p2 $0x1  }
0x17: {  	s4 =	simm.s32 $0x1BF5;
	[smem:$0x3FBB] =	sst s0  }
0x18: {  	s0 =	sld [smem:$0x3F9E];
	_ =	swait.ge [sflag:s4], $0x0  }
0x19: {  	s7 =	sld [smem:$0x3F9F]  }
0x1a: {  	s8 =	sadd.s32 $0xFFFFE003, lr  }
0x1b: {  	s9 =	sadd.s32 $0xFFFFFEF7, lr;
	s5 =	simm.s32 $0xFFFFFFFF;
	p2 =	slt.u32 s8, $0xFFFFF086  }
0x1c: {  	p1 =	slt.u32 s9, $0xF7A;
	s5 =	simm.s32 @!p2 $0x0  }
0x1d: {  	s5 =	simm.s32 @p1 $0x1;
	p0 =	seq.s32 s7, s2  }
0x1e: {  	s7 =	smul.u32 @!p0 $0xF7A, s2;
	p2 =	seq.s32 @!p0 s5, $0x0  }
0x1f: {  	s9 =	smul.u32 $0xF7A, s1;
	s8 =	simm.s32 @!p0 $0x1BF5;
	p2 =	por !p2, p0  }
0x20: {  	[sflag:s8] =	ssyncset.s32 @!p0 $0xFFFFF086;
	s6 =	sadd.s32 @!p0 s3, s7;
	s7 =	simm.s32 @!p0 $0x108  }
0x21: {  	s3 =	sadd.s32 s3, s9;
	s6 =	sadd.s32 @!p0 $0x88, s6;
	s7 =	simm.s32 @p2 $0x1082  }
0x22: {  	[simem:s7], [sflag:s8] =	dma.local @!p0 [hbm:s6], $0xF7A  }
0x23: {  	s9 =	sor.u32 $0xD0000000, s2;
	s6 =	simm.s32 $0x108;
	_ =	swait.ge @!p0 [sflag:s8], $0x0  }
0x24: {  	s3 =	sadd.s32 $0x88, s3;
	s6 =	simm.s32 @!p1 $0x1082;
	[sflag:s4] =	ssyncset.s32 $0xFFFFF086  }
0x25: {  	[simem:s6], [sflag:s4] =	dma.local [hbm:s3], $0xF7A  }
0x26: {  	[smem:$0x3F9F] =	sst s1;
	(tag) =	ssettag s2;
	_ =	strace s9  }
0x27: {  	s1 =	sld [smem:$0x3FAF]  }
0x28: {  	s2 =	sld [smem:$0x3FB0]  }
0x29: {  	s4 =	sld [smem:$0x3FB2]  }
0x2a: {  	p0 =	seq.s32 s5, $0x0;
	s5 =	sld [smem:$0x3FB3]  }
0x2b: {  	s6 =	sld [smem:$0x3FB4]  }
0x2c: {  	s7 =	sld [smem:$0x3FB5]  }
0x2d: {  	s3 =	simm.s32 $0x108;
	s8 =	sld [smem:$0x3FB6]  }
0x2e: {  	s3 =	simm.s32 @!p0 $0x1082;
	s9 =	sld [smem:$0x3FB7]  }
0x2f: {  	lr =	sadd.s32 s0, s3;
	s0 =	sld [smem:$0x3FAE]  }
0x30: {  	s3 =	sld [smem:$0x3FB1]  }
0x31: {  	[smem:$0x3FBA] =	sst s10  }
0x32: {  	s10 =	sld [smem:$0x3FB8];
	_ =	sdelay $0x3  }
0x33: {  	p0 =	seq.s32 s10, $0x1;
	s10 =	sld [smem:$0x3FBA];
	_ =	sdelay $0x3  }
0x34: {  	[smem:$0x3FBA] =	sst s10  }
0x35: {  	s10 =	sld [smem:$0x3FB9];
	_ =	sdelay $0x3  }
0x36: {  	p1 =	seq.s32 s10, $0x1;
	s10 =	sld [smem:$0x3FBA];
	_ =	sdelay $0x3  }
0x37: {  	[smem:$0x3FBA] =	sst s10  }
0x38: {  	s10 =	sld [smem:$0x3FBB]  }
0x39: {  	_ = 	snop;
	(pc) =	sbr.ind lr, $3  }
0x3a: {  	_ = 	snop  }
0x3b: {  	_ = 	snop  }
0x3c: {  	p2 =	seq.s32 s10, $0x1;
	s10 =	sld [smem:$0x3FBA]  }
0x3d: {  	_ =	shalt  }
0x3e: {  	_ =	shalt  }
0x3f: {  	_ =	shalt  }
0x40: {  	_ =	shalt  }
0x41: {  	_ =	shalt  }
0x42: {  	_ =	shalt  }
0x43: {  	_ =	shalt  }
0x44: {  	_ =	shalt  }
0x45: {  	_ =	shalt  }
0x46: {  	_ =	shalt  }
0x47: {  	_ =	shalt  }
0x48: {  	_ =	shalt  }
0x49: {  	_ =	shalt  }
0x4a: {  	_ =	shalt  }
0x4b: {  	_ =	shalt  }
0x4c: {  	_ =	shalt  }
0x4d: {  	_ =	shalt  }
0x4e: {  	_ =	shalt  }
0x4f: {  	_ =	shalt  }
0x50: {  	_ =	shalt  }
0x51: {  	_ =	shalt  }
0x52: {  	_ =	shalt  }
0x53: {  	_ =	shalt  }
0x54: {  	_ =	shalt  }
0x55: {  	_ =	shalt  }
0x56: {  	_ =	shalt  }
0x57: {  	_ =	shalt  }
0x58: {  	_ =	shalt  }
0x59: {  	_ =	shalt  }
0x5a: {  	_ =	shalt  }
0x5b: {  	_ =	shalt  }
0x5c: {  	_ =	shalt  }
0x5d: {  	_ =	shalt  }
0x5e: {  	_ =	shalt  }
0x5f: {  	_ =	shalt  }
0x60: {  	_ =	shalt  }
0x61: {  	_ =	shalt  }
0x62: {  	_ =	shalt  }
0x63: {  	_ =	shalt  }
0x64: {  	_ =	shalt  }
0x65: {  	_ =	shalt  }
0x66: {  	_ =	shalt  }
0x67: {  	_ =	shalt  }
0x68: {  	_ =	shalt  }
0x69: {  	_ =	shalt  }
0x6a: {  	_ =	shalt  }
0x6b: {  	_ =	shalt  }
0x6c: {  	_ =	shalt  }
0x6d: {  	_ =	shalt  }
0x6e: {  	_ =	shalt  }
0x6f: {  	_ =	shalt  }
0x70: {  	_ =	shalt  }
0x71: {  	_ =	shalt  }
0x72: {  	_ =	shalt  }
0x73: {  	_ =	shalt  }
0x74: {  	_ =	shalt  }
0x75: {  	_ =	shalt  }
0x76: {  	_ =	shalt  }
0x77: {  	_ =	shalt  }
0x78: {  	_ =	shalt  }
0x79: {  	_ =	shalt  }
0x7a: {  	_ =	shalt  }
0x7b: {  	_ =	shalt  }
0x7c: {  	_ =	shalt  }
0x7d: {  	_ =	shalt  }
0x7e: {  	_ =	shalt  }
0x7f: {  	_ =	shalt  }
0x80: {  	_ =	shalt  }
0x81: {  	_ =	shalt  }
0x82: {  	_ =	shalt  }
0x83: {  	_ =	shalt  }
0x84: {  	_ =	shalt  }
0x85: {  	_ =	shalt  }
0x86: {  	_ =	shalt  }
0x87: {  	_ =	shalt  }
.Lfunc_end0:
.L_simem_size_0:
called_computation.2_lowered:
.L_overlay_start_0:
0x88: {  	s2 =	sld [smem:$0x3FD9]  }
0x89: {  	s3 =	sld [smem:$0x3FFE];
	_ =	sdelay $0x1  }
0x8a: {  	s1 =	srdreg.scid  }
0x8b: {  	s0 =	sand.u32 $0x1, s1  }
0x8c: {  	s17 =	sshll.u32 s0, $0xA;
	s2 =	sadd.s32 s3, s2  }
0x8d: {  	s2 =	sadd.s32 s2, s17  }
0x8e: {  	[smem:$0x3FC6] =	sst s2  }
0x8f: {  	_ = 	snop  }
0x90: {  	s2 =	sld [smem:$0x3FD0];
	(tm) =	ssettm $0x1  }
0x91: {  	s18 =	sld [smem:$0x3FFB];
	_ =	sdelay $0x3  }
0x92: {  	_ =	strace s18  }
0x93: {  	s3 =	sld [smem:$0x3FFC];
	_ =	sdelay $0x3  }
0x94: {  	_ =	strace s3  }
0x95: {  	s3 =	sld [smem:$0x3FFD];
	_ =	sdelay $0x3  }
0x96: {  	_ =	strace s3  }
0x97: {  	_ =	strace $0x8FFFFFFF  }
0x98: {  	s19 =	sld [smem:$0x3FDB];
	_ =	sdelay $0x1  }
0x99: {  	s4 =	simm.s32 $_scs_section_size  }
0x9a: {  	s5 =	simm.s32 $_size__tile_overlayer_lowered;
	s6 =	simm.s32 $_tile_overlayer_lowered  }
0x9b: {  	s22 =	simm.s32 $0x1BFF;
	s21 =	sshll.u32 s6, $0x1;
	s3 =	sadd.s32 s4, s19  }
0x9c: {  	s7 =	simm.s32 $0x0;
	s20 =	sshll.u32 s5, $0x1;
	s5 =	sadd.s32 s21, s3  }
0x9d: {  	[timem:s7], [sflag:s22] =	dma.local [hbm:s5], s20  }
0x9e: {  	_ =	swait.ge [sflag:s22], s20  }
0x9f: {  	s4 =	ssub.s32 $0x0, s20;
	[sflag:s22] =	ssyncset.done $0x0  }
0xa0: {  	[sflag:s22] =	ssyncadd.s32 s4;
	_ =	sdelay $0x1  }
0xa1: {  	s23 =	simm.s32 $0x1B8B  }
0xa2: {  	_ =	swait.ge [sflag:s23], $0x1  }
0xa3: {  	[sflag:s23] =	ssyncset.done $0x0  }
0xa4: {  	s25 =	simm.s32 $0x1B8E;
	s24 =	sld [smem:$0x3FFE];
	[sflag:s23] =	ssyncadd.s32 $0xFFFFFFFF  }
0xa5: {  	s26 =	simm.s32 $execute0_lowered;
	[smem:$0x3FD2] =	sst s25  }
0xa6: {  	s5 =	sshll.u32 s26, $0x1;
	_ =	strace $0x8000004C;
	[dreg:$0x1] =	wrdreg $0xFFFFFFFF  }
0xa7: {  	s28 =	simm.s32 $_size_execute0_lowered;
	s3 =	sadd.s32 s3, s5;
	[dreg:$0x0] =	wrdreg $0x0  }
0xa8: {  	s5 =	sshll.u32 s28, $0x1;
	[dreg:$0x2] =	wrdreg s3  }
0xa9: {  	[dreg:$0x3] =	wrdreg s5  }
0xaa: {  	[dreg:$0x4] =	wrdreg $0xC0  }
0xab: {  	_ =	task [dreg:s7], $0x5FFFF  }
0xac: {  	[dreg:$0x1] =	wrdreg $0xFFFFFFFF  }
0xad: {  	[dreg:$0x0] =	wrdreg $0x60  }
0xae: {  	[dreg:$0x2] =	wrdreg s24  }
0xaf: {  	[dreg:$0x3] =	wrdreg s2  }
0xb0: {  	[dreg:$0x4] =	wrdreg $0xC0000  }
0xb1: {  	[dreg:$0x5] =	wrdreg $0x9  }
0xb2: {  	_ =	task.clear_ibuf [dreg:s7], $0x6FFFF;
	_ =	strace $0x9000004C  }
0xb3: {  	s29 =	simm.s32 $0x9;
	_ =	strace $0x8000004E  }
0xb4: {  	_ =	swait.ge [sflag:s29], $0x1  }
0xb5: {  	[sflag:s29] =	ssyncadd.s32 $0xFFFFFFFF  }
0xb6: {  	_ =	strace $0x9000004E  }
0xb7: {  	_ =	sfence  }
0xb8: {  	s30 =	sld [smem:$0x0];
	_ =	sdelay $0x2  }
0xb9: {  	s31 =	sshll.u32 s1, $0xD;
	s1 =	sshrl.u32 s1, $0x2  }
0xba: {  	s3 =	sand.u32 $0x4000, s31;
	s1 =	sadd.s32 s1, s30  }
0xbb: {  	s0 =	sor.u32 s3, s0;
	s1 =	sshll.u32 s1, $0x11  }
0xbc: {  	s0 =	sor.u32 s1, s0  }
0xbd: {  	s0 =	sadd.s32 $0x8F2B, s0  }
0xbe: {  	[sflag:s0] =	ssyncadd.remote.s32 $0x1  }
0xbf: {  	_ =	sfence.sel $0xFFFF  }
0xc0: {  	[dreg:$0x0] =	wrdreg $0xFFFFFFFF;
	(pc) =	sbr.abs _section_cstart, $3  }
0xc1: {  	[dreg:$0x1] =	wrdreg $0xFFFFFFFF  }
0xc2: {  	_ =	task.clear_ibuf [dreg:s7], $0x2FFFF;
	_ =	strace $0x9FFFFFFF  }
0xc3: {  	(tm) =	ssettm $0x7FFFFFFF  }
tec
execute0_lowered:
.L_overlay_start_1:
0x0: {  	(tag) =	ssettag $0x1  }
0x1: {  	s6 =	rddreg [dreg:$0x0]  }
0x2: {  	s2 =	rddreg [dreg:$0x1]  }
0x3: {  	s0 =	srdreg.scid;
	s3 =	rddreg [dreg:$0x2];
	s16 =	simm.s32 $0x6  }
0x4: {  	s17 =	simm.s32 $0x1400;
	s18 =	simm.s32 $0x80;
	s19 =	simm.s32 $0x8000  }
0x5: {  	s20 =	simm.s32 $0x1;
	s21 =	simm.s32 $0x2;
	s5 =	sand.u32 $0x1, s0  }
0x6: {  	s22 =	simm.s32 $0x3;
	s0 =	stileid.u32;
	s29 =	smul.u32 $0x138800, s5  }
0x7: {  	s23 =	simm.s32 $0x4;
	s1 =	sshll.u32 s5, $0x4;
	s11 =	smul.u32 $0x13800, s0  }
0x8: {  	s5 =	ssub.s32 $0x2, s5;
	s13 =	smul.u32 $0x4E000, s0;
	p0 =	seq.s32 s0, $0xF  }
0x9: {  	s9 =	sor.u32 s0, s1;
	s1 =	rddreg [dreg:$0x3];
	s30 =	sshrl.u32 s5, $0x1  }
0xa: {  	s7 =	smul.u32 $0x4C, s9;
	s4 =	smin.u32 s9, $0x11;
	s15 =	ssub.s32 s5, s30  }
0xb: {  	s5 =	simm.s32 $0x28;
	s31 =	sshrl.u32 s13, $0x2;
	s8 =	sshll.u32 s4, $0x2  }
0xc: {  	s4 =	simm.s32 $0x0;
	s5 =	simm.s32 @!p0 $0x27;
	p0 =	slt.u32 s9, $0x11  }
0xd: {  	s9 =	simm.s32 $0x50;
	s7 =	sadd.s32 s7, s8;
	[smem:$0x7FF] =	sst s4  }
0xe: {  	s8 =	sadd.s32 s11, s29;
	s9 =	simm.s32 @!p0 $0x4C;
	s10 =	sshll.u32 s7, $0x4  }
0xf: {  	_ =	strace $0x8000004D;
	s8 =	sshrl.u32 s8, $0x3;
	s7 =	sand.u32 $0x4, s7  }
0x10: {  	s12 =	sadd.s32 s10, s6;
	s10 =	sand.u32 $0x1FF80, s10;
	s14 =	sadd.s32 s8, s6  }
0x11: {  	s10 =	sadd.s32 s10, s6;
	s6 =	sadd.s32 s31, s3;
	s8 =	sadd.s32 $0x15800, s12  }
0x12: {  	s11 =	sadd.s32 $0x15A80, s12;
	s12 =	smax.u32 s15, $0x1;
	s13 =	sadd.s32 $0x29400, s14  }
0x13: {  	v0 =	vimm.f32 $0.0e+00;
	s14 =	simm.s32 $0x4000;
	s15 =	simm.s32 $0x5;
	s10 =	sadd.s32 $0x1F600, s10  }
.LBB2_1:
0x14: {  	s24 =	simm.s32 $0x0;
	s25 =	simm.s32 $0x200  }
.LBB2_2:
0x15: {  	p0 =	sne.s32 s25, $0x1E00;
	[tilespmem:s24+$0x4070] =	vst v0  }
0x16: {  	[tilespmem:s24+$0x4000] =	vst v0  }
0x17: {  	[tilespmem:s24+$0x4010] =	vst v0  }
.Ltmp0:
0x18: {  	[tilespmem:s24+$0x4020] =	vst v0;
	(pc) =	sbr.rel @p0 .LBB2_2-.Ltmp0, $4  }
0x19: {  	[tilespmem:s24+$0x4030] =	vst v0  }
0x1a: {  	[tilespmem:s24+$0x4040] =	vst v0  }
0x1b: {  	[tilespmem:s24+$0x4050] =	vst v0  }
0x1c: {  	[tilespmem:s24+$0x4060] =	vst v0;
	s24 =	sshra.s32 s25, $0x2;
	s25 =	sadd.s32 $0x200, s25  }
0x1d: {  	[tilespmem:s24+$0x4070] =	vst v0  }
0x1e: {  	[tilespmem:s24+$0x4000] =	vst v0  }
0x1f: {  	[tilespmem:s24+$0x4010] =	vst v0  }
0x20: {  	[tilespmem:s24+$0x4020] =	vst v0;
	p0 =	sne.s32 s5, $0x1  }
.Ltmp1:
0x21: {  	[tilespmem:s24+$0x4030] =	vst v0;
	(pc) =	sbr.rel @!p0 .LBB2_5-.Ltmp1, $4  }
0x22: {  	[tilespmem:s24+$0x4040] =	vst v0  }
0x23: {  	[tilespmem:s24+$0x4050] =	vst v0  }
0x24: {  	[tilespmem:s24+$0x4060] =	vst v0;
	s24 =	sadd.s32 $0xFFFFFFFF, s5;
	s25 =	smov.u32 s6  }
0x25: {  	[spmem:s6] =	stream.linear.scatter [tilespmem:s14], [sflag:$0x5], $0x800, $0x38;
	[tilespmem:$0x1F880] =	vst v63  }
.LBB2_4:
0x26: {  	p1 =	sne.s32 s24, $0x1  }
.Ltmp2:
0x27: {  	_ = 	snop;
	(pc) =	sbr.rel @p1 .LBB2_4-.Ltmp2, $3  }
0x28: {  	_ = 	snop  }
0x29: {  	s24 =	sadd.s32 $0xFFFFFFFF, s24;
	s25 =	sadd.s32 $0x800, s25;
	_ =	sdelay $0x1  }
0x2a: {  	[spmem:s25] =	stream.linear.scatter [tilespmem:s14], [sflag:$0x5], $0x800, $0x38;
	[tilespmem:$0x1F880] =	vst v63  }
.LBB2_5:
.Ltmp3:
0x2b: {  	(pc) =	sbr.rel @!p0 .LBB2_7-.Ltmp3, $3  }
0x2c: {  	_ =	sdelay $0x1  }
0x2d: {  	_ =	swait.ge [sflag:s15], $0x800  }
0x2e: {  	s24 =	sadd.s32 $0xFFFFFFFF, s5;
	[sflag:s15] =	ssyncset.done $0x0  }
.LBB2_6:
0x2f: {  	p1 =	sne.s32 s24, $0x1;
	s24 =	sadd.s32 $0xFFFFFFFF, s24;
	[sflag:s15] =	ssyncadd.s32 $0xFFFFF800  }
.Ltmp4:
0x30: {  	(pc) =	sbr.rel @p1 .LBB2_6-.Ltmp4, $3  }
0x31: {  	_ =	sdelay $0x1  }
0x32: {  	_ =	swait.ge [sflag:s15], $0x800  }
0x33: {  	[sflag:s15] =	ssyncset.done $0x0  }
.LBB2_7:
0x34: {  	[sflag:s15] =	ssyncadd.s32 $0xFFFFF800;
	s24 =	simm.s32 $0x0  }
0x35: {  	[tilespmem:s24], [sflag:$0x6] =	stream.linear.gather [hbm4b:s8+s24], $0x1400, $0x38;
	[tilespmem:$0x1F880] =	vst v63  }
0x36: {  	_ =	swait.ge [sflag:s16], $0x1400  }
0x37: {  	[sflag:s16] =	ssyncset.done $0x0  }
0x38: {  	[sflag:s16] =	ssyncadd.s32 $0xFFFFEC00  }
0x39: {  	[tilespmem:s17], [sflag:$0x6] =	stream.linear.gather [hbm4b:s10+s24], $0x2C00, $0x38;
	[tilespmem:$0x1F880] =	vst v63  }
.Ltmp5:
0x3a: {  	_ =	swait.ge [sflag:s16], $0x2C00;
	(pc) =	sbr.rel .LBB2_8-.Ltmp5, $3  }
0x3b: {  	[sflag:s16] =	ssyncset.done $0x0  }
0x3c: {  	[sflag:s16] =	ssyncadd.s32 $0xFFFFD400  }
0x3d: {  	[bflag:$0x0] =	sbarrier.arrive $0xFFFF;
	_ =	sdelay $0x1  }
.LBB2_9:
0x3e: {  	p1 =	sne.s32 s24, $0x28  }
0x3f: {  	s25 =	simm.s32 @!p1 $0x0  }
0x40: {  	[tilespmem:s25], [sflag:$0x6] =	stream.linear.gather @!p1 [hbm4b:s11+s25], $0x1400, $0x38;
	[tilespmem:$0x1F880] =	vst v63  }
0x41: {  	s25 =	smov.u32 s24  }
0x42: {  	s25 =	simm.s32 @!p1 $0x28  }
0x43: {  	s26 =	simm.s32 @!p1 $0x6;
	s31 =	smulhi.u32 $0x66666667, s25;
	s28 =	sshra.s32 s25, $0x1F  }
0x44: {  	_ =	swait.ge @!p1 [sflag:s26], $0x1400;
	s28 =	smul.u32 $0x66666667, s28  }
0x45: {  	[sflag:s26] =	ssyncset.done @!p1 $0x0  }
0x46: {  	[sflag:s26] =	ssyncadd.s32 @!p1 $0xFFFFEC00;
	s26 =	sadd.s32 s28, s31  }
0x47: {  	s28 =	sshrl.u32 s26, $0x1F;
	s26 =	sshrl.u32 s26, $0x4  }
0x48: {  	s26 =	sadd.s32 s28, s26  }
0x49: {  	s26 =	smul.u32 $0x28, s26;
	_ =	sdelay $0x1  }
0x4a: {  	_ =	swait.ge [sflag:s22], $0x4000;
	s26 =	ssub.s32 s25, s26  }
0x4b: {  	[sflag:s22] =	ssyncset.done $0x0;
	s26 =	sshll.u32 s26, $0x9  }
0x4c: {  	[sflag:s22] =	ssyncadd.s32 $0xFFFFC000;
	s26 =	sshra.s32 s26, $0x2  }
0x4d: {  	[tilespmem:s14], [sflag:$0x1] =	stream.indirect.gather [hbm4b:s2+s18], $0x80, s26, s18, $0xb8;
	[tilespmem:$0x1F880] =	vst v63  }
0x4e: {  	_ =	swait.ge [sflag:s23], $0x4000  }
0x4f: {  	[sflag:s23] =	ssyncset.done $0x0  }
0x50: {  	s26 =	sor.u32 $0x1, s25;
	[sflag:s23] =	ssyncadd.s32 $0xFFFFC000  }
.LBB2_10:
0x51: {  	s28 =	smulhi.u32 $0x66666667, s26;
	s29 =	sshra.s32 s26, $0x1F  }
0x52: {  	s29 =	smul.u32 $0x66666667, s29;
	_ =	sdelay $0x1  }
0x53: {  	s28 =	sadd.s32 s29, s28  }
0x54: {  	s29 =	sshrl.u32 s28, $0x1F;
	s28 =	sshrl.u32 s28, $0x4  }
0x55: {  	s28 =	sadd.s32 s29, s28  }
0x56: {  	s28 =	smul.u32 $0x28, s28;
	_ =	sdelay $0x1  }
0x57: {  	s28 =	ssub.s32 s26, s28  }
0x58: {  	s28 =	sshll.u32 s28, $0x9  }
0x59: {  	s25 =	sadd.s32 s7, s25;
	s28 =	sshra.s32 s28, $0x2  }
0x5a: {  	[tilespmem:s19], [sflag:$0x2] =	stream.indirect.gather [hbm4b:s2+s18], $0x80, s28, s18, $0xb8;
	[tilespmem:$0x1F880] =	vst v63  }
0x5b: {  	s25 =	sshll.u32 s25, $0x9;
	_ =	swait.ge [sflag:s20], $0x4000  }
0x5c: {  	s24 =	sadd.s32 $0x2, s24;
	s25 =	sshra.s32 s25, $0x2;
	[sflag:s20] =	ssyncset.done $0x0  }
0x5d: {  	p1 =	sne.s32 s9, s24;
	s25 =	sadd.s32 $0x1400, s25;
	[sflag:s20] =	ssyncadd.s32 $0xFFFFC000  }
0x5e: {  	[spmem:s3] =	stream.indirect.scatter.add.f32 [tilespmem:s14], [sflag:$0x3], $0x80, s25, s18, $0xb8;
	[tilespmem:$0x1F880] =	vst v63  }
.Ltmp6:
0x5f: {  	s31 =	sadd.s32 s7, s26;
	(pc) =	sbr.rel @!p1 .LBB2_11-.Ltmp6, $4  }
0x60: {  	s25 =	sshll.u32 s31, $0x9;
	_ =	swait.ge [sflag:s21], $0x4000  }
0x61: {  	s25 =	sshra.s32 s25, $0x2;
	[sflag:s21] =	ssyncset.done $0x0  }
0x62: {  	s25 =	sadd.s32 $0x1400, s25;
	[sflag:s21] =	ssyncadd.s32 $0xFFFFC000  }
0x63: {  	[spmem:s3] =	stream.indirect.scatter.add.f32 [tilespmem:s19], [sflag:$0x4], $0x80, s25, s18, $0xb8;
	[tilespmem:$0x1F880] =	vst v63  }
.LBB2_8:
0x64: {  	p1 =	seq.s32 s24, $0x0  }
.Ltmp7:
0x65: {  	_ = 	snop;
	(pc) =	sbr.rel @!p1 .LBB2_9-.Ltmp7, $1  }
0x66: {  	_ =	sdelay $0x3  }
.Ltmp8:
0x67: {  	(pc) =	sbr.rel .LBB2_10-.Ltmp8, $3  }
0x68: {  	_ =	sdelay $0x1  }
0x69: {  	s25 =	simm.s32 $0x0;
	s26 =	simm.s32 $0x1  }
0x6a: {  	[tilespmem:s14], [sflag:$0x1] =	stream.indirect.gather [hbm4b:s2+s18], $0x80, s25, s18, $0xb8;
	[tilespmem:$0x1F880] =	vst v63  }
.LBB2_11:
0x6b: {  	_ =	swait.ge [sflag:s22], $0x4000  }
0x6c: {  	[sflag:s22] =	ssyncset.done $0x0  }
0x6d: {  	[sflag:s22] =	ssyncadd.s32 $0xFFFFC000  }
0x6e: {  	_ =	swait.ge [sflag:s23], $0x4000  }
.Ltmp9:
0x6f: {  	[sflag:s23] =	ssyncset.done $0x0;
	(pc) =	sbr.rel @!p0 .LBB2_13-.Ltmp9, $4  }
0x70: {  	s24 =	sshll.u32 s0, $0x6;
	[sflag:s23] =	ssyncadd.s32 $0xFFFFC000  }
0x71: {  	s25 =	sshrl.u32 s6, $0x3;
	s24 =	sor.u32 $0x1C05, s24;
	[bflag:$0x0] =	sbarrier.arrive $0xFFFF  }
0x72: {  	[hbm:s13], [sflag:s24] =	dma.local [spmem:s25], $0x100  }
0x73: {  	s26 =	sadd.s32 $0x800, s6;
	s28 =	smov.u32 s13;
	s25 =	sadd.s32 $0xFFFFFFFF, s5  }
.LBB2_12:
0x74: {  	p1 =	sne.s32 s25, $0x1;
	s25 =	sadd.s32 $0xFFFFFFFF, s25  }
.Ltmp10:
0x75: {  	s29 =	sshrl.u32 s26, $0x3;
	s28 =	sadd.s32 $0x100, s28;
	(pc) =	sbr.rel @p1 .LBB2_12-.Ltmp10, $3  }
0x76: {  	[hbm:s28], [sflag:s24] =	dma.local [spmem:s29], $0x100  }
0x77: {  	_ =	sdelay $0x1  }
0x78: {  	s26 =	sadd.s32 $0x800, s26  }
.LBB2_13:
.Ltmp11:
0x79: {  	(pc) =	sbr.rel @!p0 .LBB2_15-.Ltmp11, $3  }
0x7a: {  	_ =	sdelay $0x1  }
0x7b: {  	_ =	swait.ge [sflag:s15], $0x100  }
0x7c: {  	s24 =	sadd.s32 $0xFFFFFFFF, s5;
	[sflag:s15] =	ssyncset.done $0x0  }
.LBB2_14:
0x7d: {  	p0 =	sne.s32 s24, $0x1;
	s24 =	sadd.s32 $0xFFFFFFFF, s24;
	[sflag:s15] =	ssyncadd.s32 $0xFFFFFF00  }
.Ltmp12:
0x7e: {  	(pc) =	sbr.rel @p0 .LBB2_14-.Ltmp12, $3  }
0x7f: {  	_ =	sdelay $0x1  }
0x80: {  	_ =	swait.ge [sflag:s15], $0x100  }
0x81: {  	[sflag:s15] =	ssyncset.done $0x0  }
.LBB2_15:
0x82: {  	s4 =	sadd.s32 $0x1, s4  }
0x83: {  	p0 =	sne.s32 s4, s12  }
.Ltmp13:
0x84: {  	_ = 	snop;
	(pc) =	sbr.rel @p0 .LBB2_1-.Ltmp13, $2  }
0x85: {  	_ =	sdelay $0x2  }
0x86: {  	[sflag:s15] =	ssyncadd.s32 $0xFFFFFF00  }
0x87: {  	_ =	sfence.sel $0x180000  }
0x88: {  	[bflag:$0x0] =	sbarrier.arrive $0xFFFF  }
0x89: {  	p0 =	sne.s32 s0, $0x0;
	_ =	strace $0x9000004D  }
0x8a: {  	s0 =	sadd.s32 @!p0 $0x100000, s1;
	[bflag:$0x2] =	sbarrier.arrive $0xFFFF  }
0x8b: {  	[sflag:s0] =	ssyncadd.tile.s32 @!p0 $0x1;
	_ =	shalt  }
.Lfunc_end2:
_tile_overlayer_lowered:
.L_overlay_start_2:
0x8c: {  	(tag) =	ssettag $0x2  }
0x8d: {  	s0 =	rddreg [dreg:$0x0];
	s2 =	stileid.u32  }
0x8e: {  	s1 =	rddreg [dreg:$0x1];
	p0 =	sne.s32 s2, $0x0  }
0x8f: {  	s3 =	rddreg [dreg:$0x2];
	[bflag:$0x3] =	sbarrier.arrive $0xFFFF;
	s2 =	simm.s32 @!p0 $0x1C06  }
0x90: {  	[timem:s3], [sflag:s2] =	dma.local @!p0 [hbm:s0], s1  }
0x91: {  	s0 =	simm.s32 @!p0 $0x6  }
0x92: {  	_ =	swait.ge @!p0 [sflag:s0], s1  }
0x93: {  	s1 =	ssub.s32 @!p0 $0x0, s1;
	[sflag:s0] =	ssyncset.done @!p0 $0x0  }
0x94: {  	[sflag:s0] =	ssyncadd.s32 @!p0 s1  }
0x95: {  	[bflag:$0x3] =	sbarrier.arrive $0xFFFF  }
0x96: {  	_ =	shalt  }

// kernel: kernel.8.cloned.1.call-start
scs
__scs_entry_jumppad:
0x0: {  	(pc) =	sbr.rel $0x88, $3  }
0x1: {  	(tag) =	ssettag $0x0;
	lr =	simm.s32 $0x1  }
0x2: {  	[smem:$0x3F9F] =	sst lr;
	_ =	strace $0xD0000000  }
0x3: {  	_ = 	snop  }
0x4: {  	_ = 	snop  }
0x5: {  	_ = 	snop  }
0x6: {  	_ = 	snop  }
0x7: {  	_ = 	snop  }
__scs_overlays_trampoline_lowered:
0x8: {  	[smem:$0x3FAE] =	sst s0  }
0x9: {  	[smem:$0x3FAF] =	sst s1  }
0xa: {  	[smem:$0x3FB0] =	sst s2  }
0xb: {  	[smem:$0x3FB1] =	sst s3  }
0xc: {  	[smem:$0x3FB2] =	sst s4  }
0xd: {  	[smem:$0x3FB3] =	sst s5  }
0xe: {  	[smem:$0x3FB4] =	sst s6  }
0xf: {  	[smem:$0x3FB5] =	sst s7  }
0x10: {  	[smem:$0x3FB6] =	sst s8  }
0x11: {  	[smem:$0x3FB7] =	sst s9;
	s0 =	simm.s32 @!p0 $0x0  }
0x12: {  	s1 =	sld [smem:$0x3F9D];
	s0 =	simm.s32 @p0 $0x1  }
0x13: {  	[smem:$0x3FB8] =	sst s0;
	s0 =	simm.s32 @!p1 $0x0  }
0x14: {  	s2 =	sld [smem:$0x3F9C];
	s0 =	simm.s32 @p1 $0x1  }
0x15: {  	[smem:$0x3FB9] =	sst s0;
	s0 =	simm.s32 @!p2 $0x0  }
0x16: {  	s3 =	sld [smem:$0x3FDB];
	s0 =	simm.s32 @p2 $0x1  }
0x17: {  	s4 =	simm.s32 $0x1BF5;
	[smem:$0x3FBB] =	sst s0  }
0x18: {  	s0 =	sld [smem:$0x3F9E];
	_ =	swait.ge [sflag:s4], $0x0  }
0x19: {  	s7 =	sld [smem:$0x3F9F]  }
0x1a: {  	s8 =	sadd.s32 $0xFFFFE003, lr  }
0x1b: {  	s9 =	sadd.s32 $0xFFFFFEF7, lr;
	s5 =	simm.s32 $0xFFFFFFFF;
	p2 =	slt.u32 s8, $0xFFFFF086  }
0x1c: {  	p1 =	slt.u32 s9, $0xF7A;
	s5 =	simm.s32 @!p2 $0x0  }
0x1d: {  	s5 =	simm.s32 @p1 $0x1;
	p0 =	seq.s32 s7, s2  }
0x1e: {  	s7 =	smul.u32 @!p0 $0xF7A, s2;
	p2 =	seq.s32 @!p0 s5, $0x0  }
0x1f: {  	s9 =	smul.u32 $0xF7A, s1;
	s8 =	simm.s32 @!p0 $0x1BF5;
	p2 =	por !p2, p0  }
0x20: {  	[sflag:s8] =	ssyncset.s32 @!p0 $0xFFFFF086;
	s6 =	sadd.s32 @!p0 s3, s7;
	s7 =	simm.s32 @!p0 $0x108  }
0x21: {  	s3 =	sadd.s32 s3, s9;
	s6 =	sadd.s32 @!p0 $0x88, s6;
	s7 =	simm.s32 @p2 $0x1082  }
0x22: {  	[simem:s7], [sflag:s8] =	dma.local @!p0 [hbm:s6], $0xF7A  }
0x23: {  	s9 =	sor.u32 $0xD0000000, s2;
	s6 =	simm.s32 $0x108;
	_ =	swait.ge @!p0 [sflag:s8], $0x0  }
0x24: {  	s3 =	sadd.s32 $0x88, s3;
	s6 =	simm.s32 @!p1 $0x1082;
	[sflag:s4] =	ssyncset.s32 $0xFFFFF086  }
0x25: {  	[simem:s6], [sflag:s4] =	dma.local [hbm:s3], $0xF7A  }
0x26: {  	[smem:$0x3F9F] =	sst s1;
	(tag) =	ssettag s2;
	_ =	strace s9  }
0x27: {  	s1 =	sld [smem:$0x3FAF]  }
0x28: {  	s2 =	sld [smem:$0x3FB0]  }
0x29: {  	s4 =	sld [smem:$0x3FB2]  }
0x2a: {  	p0 =	seq.s32 s5, $0x0;
	s5 =	sld [smem:$0x3FB3]  }
0x2b: {  	s6 =	sld [smem:$0x3FB4]  }
0x2c: {  	s7 =	sld [smem:$0x3FB5]  }
0x2d: {  	s3 =	simm.s32 $0x108;
	s8 =	sld [smem:$0x3FB6]  }
0x2e: {  	s3 =	simm.s32 @!p0 $0x1082;
	s9 =	sld [smem:$0x3FB7]  }
0x2f: {  	lr =	sadd.s32 s0, s3;
	s0 =	sld [smem:$0x3FAE]  }
0x30: {  	s3 =	sld [smem:$0x3FB1]  }
0x31: {  	[smem:$0x3FBA] =	sst s10  }
0x32: {  	s10 =	sld [smem:$0x3FB8];
	_ =	sdelay $0x3  }
0x33: {  	p0 =	seq.s32 s10, $0x1;
	s10 =	sld [smem:$0x3FBA];
	_ =	sdelay $0x3  }
0x34: {  	[smem:$0x3FBA] =	sst s10  }
0x35: {  	s10 =	sld [smem:$0x3FB9];
	_ =	sdelay $0x3  }
0x36: {  	p1 =	seq.s32 s10, $0x1;
	s10 =	sld [smem:$0x3FBA];
	_ =	sdelay $0x3  }
0x37: {  	[smem:$0x3FBA] =	sst s10  }
0x38: {  	s10 =	sld [smem:$0x3FBB]  }
0x39: {  	_ = 	snop;
	(pc) =	sbr.ind lr, $3  }
0x3a: {  	_ = 	snop  }
0x3b: {  	_ = 	snop  }
0x3c: {  	p2 =	seq.s32 s10, $0x1;
	s10 =	sld [smem:$0x3FBA]  }
0x3d: {  	_ =	shalt  }
0x3e: {  	_ =	shalt  }
0x3f: {  	_ =	shalt  }
0x40: {  	_ =	shalt  }
0x41: {  	_ =	shalt  }
0x42: {  	_ =	shalt  }
0x43: {  	_ =	shalt  }
0x44: {  	_ =	shalt  }
0x45: {  	_ =	shalt  }
0x46: {  	_ =	shalt  }
0x47: {  	_ =	shalt  }
0x48: {  	_ =	shalt  }
0x49: {  	_ =	shalt  }
0x4a: {  	_ =	shalt  }
0x4b: {  	_ =	shalt  }
0x4c: {  	_ =	shalt  }
0x4d: {  	_ =	shalt  }
0x4e: {  	_ =	shalt  }
0x4f: {  	_ =	shalt  }
0x50: {  	_ =	shalt  }
0x51: {  	_ =	shalt  }
0x52: {  	_ =	shalt  }
0x53: {  	_ =	shalt  }
0x54: {  	_ =	shalt  }
0x55: {  	_ =	shalt  }
0x56: {  	_ =	shalt  }
0x57: {  	_ =	shalt  }
0x58: {  	_ =	shalt  }
0x59: {  	_ =	shalt  }
0x5a: {  	_ =	shalt  }
0x5b: {  	_ =	shalt  }
0x5c: {  	_ =	shalt  }
0x5d: {  	_ =	shalt  }
0x5e: {  	_ =	shalt  }
0x5f: {  	_ =	shalt  }
0x60: {  	_ =	shalt  }
0x61: {  	_ =	shalt  }
0x62: {  	_ =	shalt  }
0x63: {  	_ =	shalt  }
0x64: {  	_ =	shalt  }
0x65: {  	_ =	shalt  }
0x66: {  	_ =	shalt  }
0x67: {  	_ =	shalt  }
0x68: {  	_ =	shalt  }
0x69: {  	_ =	shalt  }
0x6a: {  	_ =	shalt  }
0x6b: {  	_ =	shalt  }
0x6c: {  	_ =	shalt  }
0x6d: {  	_ =	shalt  }
0x6e: {  	_ =	shalt  }
0x6f: {  	_ =	shalt  }
0x70: {  	_ =	shalt  }
0x71: {  	_ =	shalt  }
0x72: {  	_ =	shalt  }
0x73: {  	_ =	shalt  }
0x74: {  	_ =	shalt  }
0x75: {  	_ =	shalt  }
0x76: {  	_ =	shalt  }
0x77: {  	_ =	shalt  }
0x78: {  	_ =	shalt  }
0x79: {  	_ =	shalt  }
0x7a: {  	_ =	shalt  }
0x7b: {  	_ =	shalt  }
0x7c: {  	_ =	shalt  }
0x7d: {  	_ =	shalt  }
0x7e: {  	_ =	shalt  }
0x7f: {  	_ =	shalt  }
0x80: {  	_ =	shalt  }
0x81: {  	_ =	shalt  }
0x82: {  	_ =	shalt  }
0x83: {  	_ =	shalt  }
0x84: {  	_ =	shalt  }
0x85: {  	_ =	shalt  }
0x86: {  	_ =	shalt  }
0x87: {  	_ =	shalt  }
.Lfunc_end0:
.L_simem_size_0:
called_computation_lowered:
.L_overlay_start_0:
0x88: {  	s2 =	sld [smem:$0x3FD9]  }
0x89: {  	s3 =	sld [smem:$0x3FFE];
	_ =	sdelay $0x1  }
0x8a: {  	s1 =	srdreg.scid  }
0x8b: {  	s0 =	sand.u32 $0x1, s1  }
0x8c: {  	s17 =	sshll.u32 s0, $0xA;
	s2 =	sadd.s32 s3, s2  }
0x8d: {  	s2 =	sadd.s32 s2, s17  }
0x8e: {  	[smem:$0x3FC6] =	sst s2  }
0x8f: {  	_ = 	snop  }
0x90: {  	s2 =	sld [smem:$0x3FD0];
	(tm) =	ssettm $0x1  }
0x91: {  	s18 =	sld [smem:$0x3FFB];
	_ =	sdelay $0x3  }
0x92: {  	_ =	strace s18  }
0x93: {  	s3 =	sld [smem:$0x3FFC];
	_ =	sdelay $0x3  }
0x94: {  	_ =	strace s3  }
0x95: {  	s3 =	sld [smem:$0x3FFD];
	_ =	sdelay $0x3  }
0x96: {  	_ =	strace s3  }
0x97: {  	_ =	strace $0x8FFFFFFF  }
0x98: {  	s19 =	sld [smem:$0x3FDB];
	_ =	sdelay $0x1  }
0x99: {  	s4 =	simm.s32 $_scs_section_size  }
0x9a: {  	s5 =	simm.s32 $_size__tile_overlayer_lowered;
	s6 =	simm.s32 $_tile_overlayer_lowered  }
0x9b: {  	s22 =	simm.s32 $0x1BFF;
	s21 =	sshll.u32 s6, $0x1;
	s3 =	sadd.s32 s4, s19  }
0x9c: {  	s7 =	simm.s32 $0x0;
	s20 =	sshll.u32 s5, $0x1;
	s5 =	sadd.s32 s21, s3  }
0x9d: {  	[timem:s7], [sflag:s22] =	dma.local [hbm:s5], s20  }
0x9e: {  	_ =	swait.ge [sflag:s22], s20  }
0x9f: {  	s4 =	ssub.s32 $0x0, s20;
	[sflag:s22] =	ssyncset.done $0x0  }
0xa0: {  	[sflag:s22] =	ssyncadd.s32 s4;
	_ =	sdelay $0x1  }
0xa1: {  	s23 =	simm.s32 $0x1B8B  }
0xa2: {  	_ =	swait.ge [sflag:s23], $0x1  }
0xa3: {  	[sflag:s23] =	ssyncset.done $0x0  }
0xa4: {  	s25 =	simm.s32 $0x1B8E;
	s24 =	sld [smem:$0x3FFE];
	[sflag:s23] =	ssyncadd.s32 $0xFFFFFFFF  }
0xa5: {  	s26 =	simm.s32 $execute0_lowered;
	[smem:$0x3FD2] =	sst s25  }
0xa6: {  	s5 =	sshll.u32 s26, $0x1;
	_ =	strace $0x80000046;
	[dreg:$0x1] =	wrdreg $0xFFFFFFFF  }
0xa7: {  	s28 =	simm.s32 $_size_execute0_lowered;
	s3 =	sadd.s32 s3, s5;
	[dreg:$0x0] =	wrdreg $0x0  }
0xa8: {  	s5 =	sshll.u32 s28, $0x1;
	[dreg:$0x2] =	wrdreg s3  }
0xa9: {  	[dreg:$0x3] =	wrdreg s5  }
0xaa: {  	[dreg:$0x4] =	wrdreg $0xC0  }
0xab: {  	_ =	task [dreg:s7], $0x5FFFF  }
0xac: {  	[dreg:$0x1] =	wrdreg $0xFFFFFFFF  }
0xad: {  	[dreg:$0x0] =	wrdreg $0x60  }
0xae: {  	[dreg:$0x2] =	wrdreg s24  }
0xaf: {  	[dreg:$0x3] =	wrdreg s2  }
0xb0: {  	[dreg:$0x4] =	wrdreg $0x9  }
0xb1: {  	_ =	task.clear_ibuf [dreg:s7], $0x5FFFF;
	_ =	strace $0x90000046  }
0xb2: {  	s29 =	simm.s32 $0x9;
	_ =	strace $0x80000048  }
0xb3: {  	_ =	swait.ge [sflag:s29], $0x1  }
0xb4: {  	[sflag:s29] =	ssyncadd.s32 $0xFFFFFFFF  }
0xb5: {  	_ =	strace $0x90000048  }
0xb6: {  	_ =	sfence  }
0xb7: {  	s30 =	sld [smem:$0x0];
	_ =	sdelay $0x2  }
0xb8: {  	s31 =	sshll.u32 s1, $0xD;
	s1 =	sshrl.u32 s1, $0x2  }
0xb9: {  	s3 =	sand.u32 $0x4000, s31;
	s1 =	sadd.s32 s1, s30  }
0xba: {  	s0 =	sor.u32 s3, s0;
	s1 =	sshll.u32 s1, $0x11  }
0xbb: {  	s0 =	sor.u32 s1, s0  }
0xbc: {  	s0 =	sadd.s32 $0x8F2B, s0  }
0xbd: {  	[sflag:s0] =	ssyncadd.remote.s32 $0x1  }
0xbe: {  	_ =	sfence.sel $0xFFFF  }
0xbf: {  	[dreg:$0x0] =	wrdreg $0xFFFFFFFF;
	(pc) =	sbr.abs _section_cstart, $3  }
0xc0: {  	[dreg:$0x1] =	wrdreg $0xFFFFFFFF  }
0xc1: {  	_ =	task.clear_ibuf [dreg:s7], $0x2FFFF;
	_ =	strace $0x9FFFFFFF  }
0xc2: {  	(tm) =	ssettm $0x7FFFFFFF  }
0xc3: {  	_ =	shalt  }
tec
execute0_lowered:
.L_overlay_start_1:
0x0: {  	(tag) =	ssettag $0x1  }
0x1: {  	s4 =	rddreg [dreg:$0x0]  }
0x2: {  	s0 =	srdreg.scid;
	s7 =	rddreg [dreg:$0x1]  }
0x3: {  	s1 =	stileid.u32;
	s2 =	simm.s32 $0x0;
	s10 =	simm.s32 $0x1  }
0x4: {  	s11 =	simm.s32 $0x5700;
	s12 =	simm.s32 $0x2;
	s13 =	simm.s32 $0x2780  }
0x5: {  	s14 =	simm.s32 $0x80;
	s15 =	simm.s32 $0x400;
	s3 =	sand.u32 $0x1, s0  }
0x6: {  	s16 =	simm.s32 $0x3;
	s0 =	rddreg [dreg:$0x2];
	s5 =	sshll.u32 s3, $0x4  }
0x7: {  	s17 =	simm.s32 $0x0;
	[smem:$0x7FF] =	sst s2;
	s5 =	sor.u32 s1, s5  }
0x8: {  	s9 =	ssub.s32 $0x2, s3;
	s6 =	sshrl.u32 s5, $0x3;
	s3 =	smul.u32 $0x2710, s5  }
0x9: {  	s8 =	sshll.u32 s1, $0x7;
	s4 =	sadd.s32 $0x1E00, s4;
	s6 =	smul.u32 $0x13C00, s6  }
.Ltmp0:
0xa: {  	s28 =	sand.u32 $0x380, s8;
	s29 =	sshrl.u32 s9, $0x1;
	(pc) =	sbr.rel .LBB2_1-.Ltmp0, $4  }
0xb: {  	_ =	strace $0x80000047;
	s8 =	ssub.s32 s9, s29;
	s6 =	sor.u32 s28, s6  }
0xc: {  	s8 =	smax.u32 s8, $0x1;
	s30 =	sshrl.u32 s3, $0x3;
	s31 =	sadd.s32 $0x4F000, s6  }
0xd: {  	s5 =	sadd.s32 s4, s30;
	s6 =	sshrl.u32 s6, $0x3;
	s9 =	sshrl.u32 s31, $0x3  }
0xe: {  	v0 =	vimm.f32 $0.0e+00;
	v1 =	vimm.f32 $1.000000000e+00;
	s6 =	sadd.s32 s7, s6;
	s7 =	sadd.s32 s7, s9;
	s9 =	simm.s32 $0x4F00  }
.LBB2_14:
0xf: {  	[hbm4b:s6+s14] =	stream.strided.scatter [tilespmem:s2], [sflag:$0x3], $0x2780, s15, s14, $0x38;
	[tilespmem:$0x5F00] =	vst v63  }
0x10: {  	s17 =	sadd.s32 $0x1, s17;
	_ =	swait.ge [sflag:s16], $0x2780  }
0x11: {  	p0 =	sne.s32 s17, s8;
	[sflag:s16] =	ssyncset.done $0x0  }
.Ltmp1:
0x12: {  	[sflag:s16] =	ssyncadd.s32 $0xFFFFD880;
	(pc) =	sbr.rel @!p0 .LBB2_15-.Ltmp1, $4  }
0x13: {  	[hbm4b:s7+s14] =	stream.strided.scatter [tilespmem:s13], [sflag:$0x3], $0x2780, s15, s14, $0x38;
	[tilespmem:$0x5F00] =	vst v63  }
0x14: {  	_ =	swait.ge [sflag:s16], $0x2780  }
0x15: {  	[sflag:s16] =	ssyncset.done $0x0  }
0x16: {  	[sflag:s16] =	ssyncadd.s32 $0xFFFFD880  }
.LBB2_1:
0x17: {  	s18 =	simm.s32 $0x0;
	s19 =	simm.s32 $0x140  }
.LBB2_2:
0x18: {  	p0 =	sne.s32 s19, $0x9B00;
	[tilespmem:s18+$0x27C0] =	vst v0  }
0x19: {  	[tilespmem:s18+$0x0] =	vst v0  }
0x1a: {  	[tilespmem:s18+$0x2780] =	vst v0  }
0x1b: {  	[tilespmem:s18+$0x10] =	vst v0  }
0x1c: {  	[tilespmem:s18+$0x2790] =	vst v0  }
.Ltmp2:
0x1d: {  	[tilespmem:s18+$0x20] =	vst v0;
	(pc) =	sbr.rel @p0 .LBB2_2-.Ltmp2, $4  }
0x1e: {  	[tilespmem:s18+$0x27A0] =	vst v0  }
0x1f: {  	[tilespmem:s18+$0x30] =	vst v0  }
0x20: {  	[tilespmem:s18+$0x27B0] =	vst v0  }
0x21: {  	[tilespmem:s18+$0x40] =	vst v0;
	s18 =	sshra.s32 s19, $0x2;
	s19 =	sadd.s32 $0x140, s19  }
0x22: {  	[tilespmem:s18+$0x27C0] =	vst v0  }
0x23: {  	[tilespmem:s18+$0x0] =	vst v0  }
0x24: {  	[tilespmem:s18+$0x2780] =	vst v0  }
0x25: {  	[tilespmem:s18+$0x10] =	vst v0  }
0x26: {  	[tilespmem:s18+$0x2790] =	vst v0  }
0x27: {  	[tilespmem:s18+$0x20] =	vst v0  }
.Ltmp3:
0x28: {  	[tilespmem:s18+$0x27A0] =	vst v0;
	(pc) =	sbr.rel .LBB2_4-.Ltmp3, $4  }
0x29: {  	[tilespmem:s18+$0x30] =	vst v0  }
0x2a: {  	[tilespmem:s18+$0x27B0] =	vst v0  }
0x2b: {  	[tilespmem:s18+$0x40] =	vst v0;
	s18 =	simm.s32 $0x0;
	s19 =	simm.s32 $0x0  }
0x2c: {  	[tilespmem:s9], [sflag:$0x1] =	stream.linear.gather [hbm4b:s5+s18], $0x7D0, $0x38;
	[tilespmem:$0x5F00] =	vst v63  }
.LBB2_13:
0x2d: {  	s19 =	sadd.s32 $0x1, s19  }
0x2e: {  	p0 =	sne.s32 s19, $0x5  }
.Ltmp4:
0x2f: {  	_ = 	snop;
	(pc) =	sbr.rel @!p0 .LBB2_14-.Ltmp4, $1  }
0x30: {  	_ =	sdelay $0x3  }
.LBB2_4:
0x31: {  	p0 =	sgt.u32 s19, $0x1;
	s21 =	simm.s32 $0xFFFFFFFB  }
0x32: {  	s20 =	sshllo.u32 s19, $0x1;
	s21 =	simm.s32 @!p0 $0x0  }
0x33: {  	s22 =	simm.s32 $0x4E200;
	s21 =	sadd.s32 s20, s21  }
0x34: {  	s22 =	simm.s32 @!p0 $0x1;
	s21 =	smul.u32 $0x7D0, s21  }
0x35: {  	p0 =	sgt.u32 s19, $0x2;
	s22 =	sadd.s32 s3, s22  }
.Ltmp5:
0x36: {  	_ =	swait.ge [sflag:s10], $0x7D0;
	s21 =	sadd.s32 s21, s22;
	(pc) =	sbr.rel @p0 .LBB2_6-.Ltmp5, $4  }
0x37: {  	[sflag:s10] =	ssyncset.done $0x0;
	s21 =	sshrl.u32 s21, $0x3  }
0x38: {  	[sflag:s10] =	ssyncadd.s32 $0xFFFFF830;
	s21 =	sadd.s32 s4, s21  }
0x39: {  	[tilespmem:s11], [sflag:$0x2] =	stream.linear.gather [hbm4b:s21+s18], $0x7D0, $0x38;
	[tilespmem:$0x5F00] =	vst v63  }
0x3a: {  	s22 =	simm.s32 $0x0;
	s21 =	simm.s32 $0x0  }
.LBB2_5:
0x3b: {  	s22 =	sshra.s32 s21, $0x2  }
0x3c: {  	v2 =	vld [tilespmem:s22+$0x4F00];
	_ =	sdelay $0x7  }
0x3d: {  	[tilespmem:v2+s2+$0x0] =	vst.idx.add.f32.msk $0xffff, v1  }
0x3e: {  	v2 =	vld [tilespmem:s22+$0x4F10];
	_ =	sdelay $0x7  }
0x3f: {  	[tilespmem:v2+s2+$0x0] =	vst.idx.add.f32.msk $0xffff, v1  }
0x40: {  	v2 =	vld [tilespmem:s22+$0x4F20];
	_ =	sdelay $0x7  }
0x41: {  	[tilespmem:v2+s2+$0x0] =	vst.idx.add.f32.msk $0xffff, v1  }
0x42: {  	v2 =	vld [tilespmem:s22+$0x4F30];
	_ =	sdelay $0x7  }
0x43: {  	[tilespmem:v2+s2+$0x0] =	vst.idx.add.f32.msk $0xffff, v1  }
0x44: {  	v2 =	vld [tilespmem:s22+$0x4F40];
	_ =	sdelay $0x2  }
0x45: {  	p0 =	seq.s32 s21, $0x1E00  }
.Ltmp6:
0x46: {  	_ = 	snop;
	(pc) =	sbr.rel @!p0 .LBB2_5-.Ltmp6, $2  }
0x47: {  	_ =	sdelay $0x2  }
0x48: {  	s21 =	sadd.s32 $0x140, s21;
	[tilespmem:v2+s2+$0x0] =	vst.idx.add.f32.msk $0xffff, v1  }
.Ltmp7:
0x49: {  	_ = 	snop;
	(pc) =	sbr.rel .LBB2_8-.Ltmp7, $1  }
0x4a: {  	_ =	sdelay $0x3  }
.LBB2_6:
0x4b: {  	s21 =	sshra.s32 s22, $0x2  }
0x4c: {  	v2 =	vld [tilespmem:s21+$0x4F00];
	_ =	sdelay $0x7  }
0x4d: {  	[tilespmem:v2+s13+$0x0] =	vst.idx.add.f32.msk $0xffff, v1  }
0x4e: {  	v2 =	vld [tilespmem:s21+$0x4F10];
	_ =	sdelay $0x7  }
0x4f: {  	[tilespmem:v2+s13+$0x0] =	vst.idx.add.f32.msk $0xffff, v1  }
0x50: {  	v2 =	vld [tilespmem:s21+$0x4F20];
	_ =	sdelay $0x7  }
0x51: {  	[tilespmem:v2+s13+$0x0] =	vst.idx.add.f32.msk $0xffff, v1  }
0x52: {  	v2 =	vld [tilespmem:s21+$0x4F30];
	_ =	sdelay $0x7  }
0x53: {  	[tilespmem:v2+s13+$0x0] =	vst.idx.add.f32.msk $0xffff, v1  }
0x54: {  	v2 =	vld [tilespmem:s21+$0x4F40];
	_ =	sdelay $0x2  }
0x55: {  	p0 =	sne.s32 s22, $0x1E00  }
.Ltmp8:
0x56: {  	_ = 	snop;
	(pc) =	sbr.rel @p0 .LBB2_6-.Ltmp8, $2  }
0x57: {  	_ =	sdelay $0x2  }
0x58: {  	s22 =	sadd.s32 $0x140, s22;
	[tilespmem:v2+s13+$0x0] =	vst.idx.add.f32.msk $0xffff, v1  }
0x59: {  	p0 =	seq.s32 s19, $0x4  }
.Ltmp9:
0x5a: {  	_ = 	snop;
	(pc) =	sbr.rel @p0 .LBB2_9-.Ltmp9, $1  }
0x5b: {  	_ =	sdelay $0x3  }
.LBB2_8:
0x5c: {  	s21 =	sshll.u32 s19, $0x1  }
0x5d: {  	s21 =	sadd.s32 $0x2, s21  }
0x5e: {  	s22 =	smulhi.u32 $0x66666667, s21;
	_ =	sdelay $0x1  }
0x5f: {  	s22 =	sshrl.u32 s22, $0x1  }
0x60: {  	s23 =	smul.u32 $0xFFFFFFFB, s22;
	_ =	sdelay $0x1  }
0x61: {  	s22 =	smul.u32 $0x4E200, s22;
	s21 =	sadd.s32 s21, s23  }
0x62: {  	s21 =	smul.u32 $0x7D0, s21  }
0x63: {  	s22 =	sadd.s32 s3, s22  }
0x64: {  	s21 =	sadd.s32 s21, s22  }
0x65: {  	s21 =	sshrl.u32 s21, $0x3  }
0x66: {  	s21 =	sadd.s32 s4, s21  }
0x67: {  	[tilespmem:s9], [sflag:$0x1] =	stream.linear.gather [hbm4b:s21+s2], $0x7D0, $0x38;
	[tilespmem:$0x5F00] =	vst v63  }
.LBB2_9:
0x68: {  	p0 =	sgt.u32 s20, $0x4  }
.Ltmp10:
0x69: {  	_ = 	snop;
	(pc) =	sbr.rel @p0 .LBB2_11-.Ltmp10, $4  }
0x6a: {  	_ = 	snop  }
0x6b: {  	_ =	swait.ge [sflag:s12], $0x7D0  }
0x6c: {  	[sflag:s12] =	ssyncset.done $0x0  }
0x6d: {  	s20 =	simm.s32 $0x0;
	[sflag:s12] =	ssyncadd.s32 $0xFFFFF830  }
.LBB2_10:
0x6e: {  	s21 =	sshra.s32 s20, $0x2  }
0x6f: {  	v2 =	vld [tilespmem:s21+$0x5700];
	_ =	sdelay $0x7  }
0x70: {  	[tilespmem:v2+s2+$0x0] =	vst.idx.add.f32.msk $0xffff, v1  }
0x71: {  	v2 =	vld [tilespmem:s21+$0x5710];
	_ =	sdelay $0x7  }
0x72: {  	[tilespmem:v2+s2+$0x0] =	vst.idx.add.f32.msk $0xffff, v1  }
0x73: {  	v2 =	vld [tilespmem:s21+$0x5720];
	_ =	sdelay $0x7  }
0x74: {  	[tilespmem:v2+s2+$0x0] =	vst.idx.add.f32.msk $0xffff, v1  }
0x75: {  	v2 =	vld [tilespmem:s21+$0x5730];
	_ =	sdelay $0x7  }
0x76: {  	[tilespmem:v2+s2+$0x0] =	vst.idx.add.f32.msk $0xffff, v1  }
0x77: {  	v2 =	vld [tilespmem:s21+$0x5740];
	_ =	sdelay $0x2  }
0x78: {  	p0 =	sne.s32 s20, $0x1E00  }
.Ltmp11:
0x79: {  	_ = 	snop;
	(pc) =	sbr.rel @p0 .LBB2_10-.Ltmp11, $2  }
0x7a: {  	_ =	sdelay $0x2  }
0x7b: {  	s20 =	sadd.s32 $0x140, s20;
	[tilespmem:v2+s2+$0x0] =	vst.idx.add.f32.msk $0xffff, v1  }
.LBB2_11:
0x7c: {  	p0 =	slt.u32 s19, $0x2  }
.Ltmp12:
0x7d: {  	_ = 	snop;
	(pc) =	sbr.rel @p0 .LBB2_13-.Ltmp12, $2  }
0x7e: {  	_ =	sdelay $0x2  }
0x7f: {  	s20 =	simm.s32 $0x0  }
.LBB2_12:
0x80: {  	s21 =	sshra.s32 s20, $0x2  }
0x81: {  	v2 =	vld [tilespmem:s21+$0x5700];
	_ =	sdelay $0x7  }
0x82: {  	[tilespmem:v2+s13+$0x0] =	vst.idx.add.f32.msk $0xffff, v1  }
0x83: {  	v2 =	vld [tilespmem:s21+$0x5710];
	_ =	sdelay $0x7  }
0x84: {  	[tilespmem:v2+s13+$0x0] =	vst.idx.add.f32.msk $0xffff, v1  }
0x85: {  	v2 =	vld [tilespmem:s21+$0x5720];
	_ =	sdelay $0x7  }
0x86: {  	[tilespmem:v2+s13+$0x0] =	vst.idx.add.f32.msk $0xffff, v1  }
0x87: {  	v2 =	vld [tilespmem:s21+$0x5730];
	_ =	sdelay $0x7  }
0x88: {  	[tilespmem:v2+s13+$0x0] =	vst.idx.add.f32.msk $0xffff, v1  }
0x89: {  	v2 =	vld [tilespmem:s21+$0x5740];
	_ =	sdelay $0x2  }
0x8a: {  	p0 =	sne.s32 s20, $0x1E00  }
.Ltmp13:
0x8b: {  	_ = 	snop;
	(pc) =	sbr.rel @p0 .LBB2_12-.Ltmp13, $2  }
0x8c: {  	_ =	sdelay $0x2  }
0x8d: {  	s20 =	sadd.s32 $0x140, s20;
	[tilespmem:v2+s13+$0x0] =	vst.idx.add.f32.msk $0xffff, v1  }
.Ltmp14:
0x8e: {  	_ = 	snop;
	(pc) =	sbr.rel .LBB2_13-.Ltmp14, $1  }
0x8f: {  	_ =	sdelay $0x3  }
.LBB2_15:
0x90: {  	_ =	sfence.sel $0x180000  }
0x91: {  	[bflag:$0x0] =	sbarrier.arrive $0xFFFF  }
0x92: {  	p0 =	sne.s32 s1, $0x0;
	_ =	strace $0x90000047  }
0x93: {  	s0 =	sadd.s32 @!p0 $0x100000, s0;
	[bflag:$0x2] =	sbarrier.arrive $0xFFFF  }
0x94: {  	[sflag:s0] =	ssyncadd.tile.s32 @!p0 $0x1;
	_ =	shalt  }
.Lfunc_end2:
_tile_overlayer_lowered:
.L_overlay_start_2:
0x95: {  	(tag) =	ssettag $0x2  }
0x96: {  	s0 =	rddreg [dreg:$0x0];
	s2 =	stileid.u32  }
0x97: {  	s1 =	rddreg [dreg:$0x1];
	p0 =	sne.s32 s2, $0x0  }
0x98: {  	s3 =	rddreg [dreg:$0x2];
	[bflag:$0x3] =	sbarrier.arrive $0xFFFF;
	s2 =	simm.s32 @!p0 $0x1C03  }
0x99: {  	[timem:s3], [sflag:s2] =	dma.local @!p0 [hbm:s0], s1  }
0x9a: {  	s0 =	simm.s32 @!p0 $0x3  }
0x9b: {  	_ =	swait.ge @!p0 [sflag:s0], s1  }
0x9c: {  	s1 =	ssub.s32 @!p0 $0x0, s1;
	[sflag:s0] =	ssyncset.done @!p0 $0x0  }
0x9d: {  	[sflag:s0] =	ssyncadd.s32 @!p0 s1  }
0x9e: {  	[bflag:$0x3] =	sbarrier.arrive $0xFFFF  }
0x9f: {  	_ =	shalt  }

</sc_bundles>
